<compile_context>
chip_gen: v7x
topology: tpu7x:2x2x1
jax: 0.10.2.dev20260603
libtpu: 0.0.44.dev20260713+nightly
codegen_flags: <defaults>
</compile_context>

<pallas_src>
import functools

import jax
import jax.numpy as jnp
from jax import lax
from jax.experimental import pallas as pl
from jax.experimental.pallas import tpu as pltpu
from jax.experimental.pallas import tpu_sc as plsc

N_NODES = 10000
DIM = 128
N_EDGES = 320000

NC = 2
NS = 16
L = 16
NW = NC * NS
E_PER_W = N_EDGES // NW
CHUNK = 50
N_CHUNKS = E_PER_W // CHUNK
NBUF = 5
N_SUPER = N_CHUNKS // NBUF
N_PAD = 10112
ROWS_PER_TILE = N_PAD // NS
HIGH16 = -65536


BLK = 1000


def _tc_pre_body(x_ref, wfc_ref, watt_ref, h_ref, st_ref):
    h = jnp.dot(x_ref[...], wfc_ref[...].T, preferred_element_type=jnp.float32)
    h_ref[...] = h
    al = watt_ref[0, :DIM]
    ar = watt_ref[0, DIM:]
    sl = jnp.sum(h * al[None, :], axis=1)
    sr = jnp.sum(h * ar[None, :], axis=1)
    slb = lax.bitcast_convert_type(
        sl.astype(jnp.bfloat16).astype(jnp.float32), jnp.uint32)
    srb = lax.bitcast_convert_type(
        sr.astype(jnp.bfloat16).astype(jnp.float32), jnp.uint32)
    st_ref[...] = lax.bitcast_convert_type(
        (slb >> 16) | (srb & jnp.uint32(0xFFFF0000)), jnp.int32)


def _tc_add_body(fp_ref, o_ref):
    o_ref[...] = fp_ref[0, :N_NODES, :] + fp_ref[1, :N_NODES, :]


def _sc_edge_body(h_hbm, st_hbm, edge_hbm, out_hbm,
                  st_v, sv, dv, e_v, rows,
                  sem_g, sem_s, sem_is, sem_id, facc):
    c = lax.axis_index("c")
    s = lax.axis_index("s")
    wid = c * NS + s
    row0 = s * ROWS_PER_TILE

    pltpu.sync_copy(st_hbm, st_v)

    zeros = jnp.zeros((L,), jnp.float32)

    @pl.loop(0, CHUNK)
    def _zfill(i):
        for g in range(DIM // L):
            rows[0][i, pl.ds(g * L, L)] = zeros

    nz = -(-ROWS_PER_TILE // CHUNK)
    zd = []
    for kblk in range(nz):
        r = min(kblk * CHUNK, ROWS_PER_TILE - CHUNK)
        zd.append(pltpu.async_copy(
            rows[0], facc.at[pl.ds(row0 + r, CHUNK)], sem_g[0]))
    for d in zd:
        d.wait()
    plsc.subcore_barrier()

    n_win = (CHUNK + L - 1) // L
    win_off = [min(g * L, CHUNK - L) for g in range(n_win)]

    def _idx_load(k):
        blk = wid * N_SUPER + k
        pltpu.async_copy(edge_hbm.at[0, blk], sv, sem_is)
        pltpu.async_copy(edge_hbm.at[1, blk], dv, sem_id)

    _idx_load(0)

    @pl.loop(0, N_SUPER)
    def _super(k):
        if True:
            pltpu.make_async_copy(
                edge_hbm.at[0, wid * N_SUPER], sv, sem_is).wait()
            pltpu.make_async_copy(
                edge_hbm.at[1, wid * N_SUPER], dv, sem_id).wait()
            gd = [pltpu.async_copy(
                      h_hbm.at[sv.at[b]], rows[b], sem_g[b])
                  for b in range(NBUF)]
            for b in range(NBUF):
                for off in win_off:
                    s16 = sv[b, pl.ds(off, L)]
                    d16 = dv[b, pl.ds(off, L)]
                    w1 = plsc.load_gather(st_v, [s16])
                    w2 = plsc.load_gather(st_v, [d16])
                    slv = plsc.bitcast(w1 << 16, jnp.float32)
                    srv = plsc.bitcast(w2 & HIGH16, jnp.float32)
                    e_v[pl.ds(b * CHUNK + off, L)] = (
                        1.0 / (1.0 + jnp.exp(-(slv + srv))))
            sd = []
            for b in range(NBUF):
                gd[b].wait()
                rb = rows[b]
                eb = b * CHUNK

                @plsc.parallel_loop(0, CHUNK, unroll=4)
                def _scale(ce):
                    ev = plsc.load_gather(
                        e_v,
                        [jnp.broadcast_to(eb + ce, (L,)).astype(jnp.int32)])
                    for q in range(DIM // L):
                        rb[ce, pl.ds(q * L, L)] = rb[ce, pl.ds(q * L, L)] * ev

                sd.append(pltpu.async_copy(
                    rows[b], facc.at[dv.at[b]], sem_s[b], add=True))
            for d in sd[:-1]:
                d.wait()

            @pl.when(k + 1 < N_SUPER)
            def _prefetch():
                _idx_load(k + 1)

            sd[-1].wait()

    plsc.subcore_barrier()
    pltpu.sync_copy(facc.at[pl.ds(row0, ROWS_PER_TILE)],
                    out_hbm.at[c, pl.ds(row0, ROWS_PER_TILE)])


@functools.lru_cache(maxsize=1)
def _sc_edge_kernel():
    mesh = plsc.VectorSubcoreMesh(
        core_axis_name="c", subcore_axis_name="s",
        num_cores=NC, num_subcores=NS)
    return pl.kernel(
        _sc_edge_body,
        out_type=jax.ShapeDtypeStruct((NC, N_PAD, DIM), jnp.float32),
        mesh=mesh,
        compiler_params=pltpu.CompilerParams(needs_layout_passes=False),
        scratch_types=[
            pltpu.VMEM((N_NODES,), jnp.int32),
            pltpu.VMEM((NBUF, CHUNK), jnp.int32),
            pltpu.VMEM((NBUF, CHUNK), jnp.int32),
            pltpu.VMEM((NBUF * CHUNK,), jnp.float32),
            [pltpu.VMEM((CHUNK, DIM), jnp.float32)] * NBUF,
            [pltpu.SemaphoreType.DMA] * NBUF,
            [pltpu.SemaphoreType.DMA] * NBUF,
            pltpu.SemaphoreType.DMA,
            pltpu.SemaphoreType.DMA,
            pltpu.VMEM_SHARED((N_PAD, DIM), jnp.float32),
        ],
    )


def kernel(x, edge_index, W_fc, W_att):
    e4 = edge_index.astype(jnp.int32).reshape(2, -1, NBUF, CHUNK)
    h, st = pl.pallas_call(
        _tc_pre_body,
        out_shape=[
            jax.ShapeDtypeStruct((N_NODES, DIM), jnp.float32),
            jax.ShapeDtypeStruct((N_NODES,), jnp.int32),
        ],
    )(x, W_fc, W_att)
    fp = _sc_edge_kernel()(h, st, e4)
    f = pl.pallas_call(
        _tc_add_body,
        out_shape=jax.ShapeDtypeStruct((N_NODES, DIM), jnp.float32),
    )(fp)
    return f

# --- scband reference (transcript-rebuilt; emitter-appended) ---
"""Pipeline reference for scband-gatlayer-52785148068150 (READ-ONLY COPY).

The authoritative reference and input builder live on the scoring server;
editing this copy changes nothing except your own understanding.
"""

import jax, jax.numpy as jnp
import numpy as np

N_NODES = 10000
N_EDGES = 320000
IN_DIM = 128
OUT_DIM = 128

def setup_inputs(seed: int = 0) -> dict:
    key = jax.random.key(seed)
    k1, k2, k3, k4 = jax.random.split(key, 4)
    x = jax.random.normal(k1, (N_NODES, IN_DIM), dtype=jnp.float32)
    edge_index = jax.random.randint(k2, (2, N_EDGES), 0, N_NODES, dtype=jnp.int64)
    # nn.Linear(in_dim, out_dim, bias=False) weight: [out_dim, in_dim]
    W_fc = jax.random.normal(k3, (OUT_DIM, IN_DIM), dtype=jnp.float32) * (1.0 / np.sqrt(IN_DIM))
    # nn.Linear(2*out_dim, 1, bias=False) weight: [1, 2*out_dim]
    W_att = jax.random.normal(k4, (1, 2 * OUT_DIM), dtype=jnp.float32) * (1.0 / np.sqrt(2 * OUT_DIM))
    return {"x": x, "edge_index": edge_index, "W_fc": W_fc, "W_att": W_att}

def reference(x, edge_index, W_fc, W_att):
    # h = self.fc(x)
    h = x @ W_fc.T  # [N, out_dim]
    src = edge_index[0]
    dst = edge_index[1]
    # edge_attention (att=0): z = cat([h[src], h[dst]]); e = sigmoid(attn_fc(z))
    h_src = jnp.take(h, src, axis=0)  # [E, out_dim] gather
    h_dst = jnp.take(h, dst, axis=0)  # [E, out_dim] gather
    z = jnp.concatenate([h_src, h_dst], axis=1)  # [E, 2*out_dim]
    e = jax.nn.sigmoid(z @ W_att.T)  # [E, 1]
    # message: h_src, e ; reduce: f[dst] = sum(e * h_src)
    msgs = e * h_src  # [E, out_dim]
    f = jax.ops.segment_sum(msgs, dst, num_segments=N_NODES)  # scatter-add
    return f

if __name__ == "__main__":
    import jax
    _d = setup_inputs()
    print(jax.jit(kernel)(*tuple(_d.values())))

</pallas_src>

<mosaic_0001>
#map = affine_map<(d0, d1) -> (0, 0)>
#map1 = affine_map<(d0, d1) -> (0)>
#map2 = affine_map<(d0, d1) -> (0, 0, 0, 0)>
#map3 = affine_map<(d0, d1) -> (0, 0, 0)>
module attributes {stable_mosaic.version = 14 : i64} {
  func.func @_sc_edge_body(%arg0: i32, %arg1: i32, %arg2: memref<10000x128xf32, #tpu.memory_space<hbm>>, %arg3: memref<10000xi32, #tpu.memory_space<hbm>>, %arg4: memref<2x1280x5x50xi32, #tpu.memory_space<hbm>>, %arg5: memref<2x10112x128xf32, #tpu.memory_space<hbm>>, %arg6: memref<10000xi32, #tpu.memory_space<vmem>>, %arg7: memref<5x50xi32, #tpu.memory_space<vmem>>, %arg8: memref<5x50xi32, #tpu.memory_space<vmem>>, %arg9: memref<250xf32, #tpu.memory_space<vmem>>, %arg10: memref<50x128xf32, #tpu.memory_space<vmem>>, %arg11: memref<50x128xf32, #tpu.memory_space<vmem>>, %arg12: memref<50x128xf32, #tpu.memory_space<vmem>>, %arg13: memref<50x128xf32, #tpu.memory_space<vmem>>, %arg14: memref<50x128xf32, #tpu.memory_space<vmem>>, %arg15: memref<!tpu.dma_semaphore, #tpu.memory_space<semaphore_mem>>, %arg16: memref<!tpu.dma_semaphore, #tpu.memory_space<semaphore_mem>>, %arg17: memref<!tpu.dma_semaphore, #tpu.memory_space<semaphore_mem>>, %arg18: memref<!tpu.dma_semaphore, #tpu.memory_space<semaphore_mem>>, %arg19: memref<!tpu.dma_semaphore, #tpu.memory_space<semaphore_mem>>, %arg20: memref<!tpu.dma_semaphore, #tpu.memory_space<semaphore_mem>>, %arg21: memref<!tpu.dma_semaphore, #tpu.memory_space<semaphore_mem>>, %arg22: memref<!tpu.dma_semaphore, #tpu.memory_space<semaphore_mem>>, %arg23: memref<!tpu.dma_semaphore, #tpu.memory_space<semaphore_mem>>, %arg24: memref<!tpu.dma_semaphore, #tpu.memory_space<semaphore_mem>>, %arg25: memref<!tpu.dma_semaphore, #tpu.memory_space<semaphore_mem>>, %arg26: memref<!tpu.dma_semaphore, #tpu.memory_space<semaphore_mem>>, %arg27: memref<10112x128xf32, #tpu.memory_space<vmem_shared>>) attributes {dimension_semantics = [#tpu.dimension_semantics<core_parallel>, #tpu.dimension_semantics<subcore_parallel>], iteration_bounds = array<i64: 2, 16>, scalar_prefetch = 0 : i64, scratch_operands = 22 : i64, tpu.core_type = #tpu.core_type<sc_vector_subcore>, window_params = [{transform_indices = #map}, {transform_indices = #map1}, {transform_indices = #map2}, {transform_indices = #map3}]} {
    %mul3A = arith.constant 16 : i32
    %mul3A_0 = arith.muli %arg0, %mul3A : i32
    %add3A = arith.addi %mul3A_0, %arg1 : i32
    %mul3A_1 = arith.constant 632 : i32
    %mul3A_2 = arith.muli %arg1, %mul3A_1 : i32
    "tpu.region"() ({
      %run_scoped3A = tpu.sem_alloc : memref<!tpu.dma_semaphore, #tpu.memory_space<semaphore_mem>>
      tpu.enqueue_dma source(%arg3 : memref<10000xi32, #tpu.memory_space<hbm>>) target(%arg6 : memref<10000xi32, #tpu.memory_space<vmem>>) target_semaphore(%run_scoped3A : memref<!tpu.dma_semaphore, #tpu.memory_space<semaphore_mem>>)
      tpu.wait_dma2 semaphore(%run_scoped3A : memref<!tpu.dma_semaphore, #tpu.memory_space<semaphore_mem>>) src(%arg3 : memref<10000xi32, #tpu.memory_space<hbm>>) dst(%arg6 : memref<10000xi32, #tpu.memory_space<vmem>>)
      tpu.yield
    }) : () -> ()
    %broadcast_in_dim3A = arith.constant 0.000000e+00 : f32
    %broadcast_in_dim3A_3 = vector.broadcast %broadcast_in_dim3A : f32 to vector<16xf32>
    %scan3A = arith.constant 0 : i32
    %scan3A_4 = arith.constant 50 : i32
    %scan3A_5 = arith.addi %scan3A, %scan3A_4 : i32
    %scan3A_6 = arith.constant 1 : i32
    scf.for %scan3A_164 = %scan3A to %scan3A_5 step %scan3A_6  : i32 {
      %mul3A_165 = arith.constant 1 : i32
      %mul3A_166 = arith.muli %scan3A_164, %mul3A_165 : i32
      %add3A_167 = arith.constant 0 : i32
      %add3A_168 = arith.addi %add3A_167, %mul3A_166 : i32
      %swap3A = arith.index_cast %add3A_168 : i32 to index
      %swap3A_169 = arith.constant 0 : index
      %swap3A_170 = tpu.vector_load %arg10[%swap3A, %swap3A_169] {strides = array<i32>} : memref<50x128xf32, #tpu.memory_space<vmem>>, vector<16xf32>,
      tpu.vector_store %arg10[%swap3A, %swap3A_169], %broadcast_in_dim3A_3 {strides = array<i32>} : memref<50x128xf32, #tpu.memory_space<vmem>>, vector<16xf32>,
      %swap3A_171 = arith.index_cast %add3A_168 : i32 to index
      %swap3A_172 = arith.constant 16 : index
      %swap3A_173 = tpu.vector_load %arg10[%swap3A_171, %swap3A_172] {strides = array<i32>} : memref<50x128xf32, #tpu.memory_space<vmem>>, vector<16xf32>,
      tpu.vector_store %arg10[%swap3A_171, %swap3A_172], %broadcast_in_dim3A_3 {strides = array<i32>} : memref<50x128xf32, #tpu.memory_space<vmem>>, vector<16xf32>,
      %swap3A_174 = arith.index_cast %add3A_168 : i32 to index
      %swap3A_175 = arith.constant 32 : index
      %swap3A_176 = tpu.vector_load %arg10[%swap3A_174, %swap3A_175] {strides = array<i32>} : memref<50x128xf32, #tpu.memory_space<vmem>>, vector<16xf32>,
      tpu.vector_store %arg10[%swap3A_174, %swap3A_175], %broadcast_in_dim3A_3 {strides = array<i32>} : memref<50x128xf32, #tpu.memory_space<vmem>>, vector<16xf32>,
      %swap3A_177 = arith.index_cast %add3A_168 : i32 to index
      %swap3A_178 = arith.constant 48 : index
      %swap3A_179 = tpu.vector_load %arg10[%swap3A_177, %swap3A_178] {strides = array<i32>} : memref<50x128xf32, #tpu.memory_space<vmem>>, vector<16xf32>,
      tpu.vector_store %arg10[%swap3A_177, %swap3A_178], %broadcast_in_dim3A_3 {strides = array<i32>} : memref<50x128xf32, #tpu.memory_space<vmem>>, vector<16xf32>,
      %swap3A_180 = arith.index_cast %add3A_168 : i32 to index
      %swap3A_181 = arith.constant 64 : index
      %swap3A_182 = tpu.vector_load %arg10[%swap3A_180, %swap3A_181] {strides = array<i32>} : memref<50x128xf32, #tpu.memory_space<vmem>>, vector<16xf32>,
      tpu.vector_store %arg10[%swap3A_180, %swap3A_181], %broadcast_in_dim3A_3 {strides = array<i32>} : memref<50x128xf32, #tpu.memory_space<vmem>>, vector<16xf32>,
      %swap3A_183 = arith.index_cast %add3A_168 : i32 to index
      %swap3A_184 = arith.constant 80 : index
      %swap3A_185 = tpu.vector_load %arg10[%swap3A_183, %swap3A_184] {strides = array<i32>} : memref<50x128xf32, #tpu.memory_space<vmem>>, vector<16xf32>,
      tpu.vector_store %arg10[%swap3A_183, %swap3A_184], %broadcast_in_dim3A_3 {strides = array<i32>} : memref<50x128xf32, #tpu.memory_space<vmem>>, vector<16xf32>,
      %swap3A_186 = arith.index_cast %add3A_168 : i32 to index
      %swap3A_187 = arith.constant 96 : index
      %swap3A_188 = tpu.vector_load %arg10[%swap3A_186, %swap3A_187] {strides = array<i32>} : memref<50x128xf32, #tpu.memory_space<vmem>>, vector<16xf32>,
      tpu.vector_store %arg10[%swap3A_186, %swap3A_187], %broadcast_in_dim3A_3 {strides = array<i32>} : memref<50x128xf32, #tpu.memory_space<vmem>>, vector<16xf32>,
      %swap3A_189 = arith.index_cast %add3A_168 : i32 to index
      %swap3A_190 = arith.constant 112 : index
      %swap3A_191 = tpu.vector_load %arg10[%swap3A_189, %swap3A_190] {strides = array<i32>} : memref<50x128xf32, #tpu.memory_space<vmem>>, vector<16xf32>,
      tpu.vector_store %arg10[%swap3A_189, %swap3A_190], %broadcast_in_dim3A_3 {strides = array<i32>} : memref<50x128xf32, #tpu.memory_space<vmem>>, vector<16xf32>,
    }
    %scan3A_7 = arith.constant 50 : i32
    %add3A_8 = arith.constant 0 : i32
    %add3A_9 = arith.addi %mul3A_2, %add3A_8 : i32
    %dma_start3A = arith.constant 0 : i32
    %dma_start3A_10 = tpu.memref_slice %arg27[%add3A_9, %dma_start3A] : memref<10112x128xf32, #tpu.memory_space<vmem_shared>> -> memref<50x128xf32, #tpu.memory_space<vmem_shared>>
    %dma_start3A_11 = arith.constant 0 : i32
    %dma_start3A_12 = tpu.memref_slice %arg27[%add3A_9, %dma_start3A_11] : memref<10112x128xf32, #tpu.memory_space<vmem_shared>> -> memref<50x128xf32, #tpu.memory_space<vmem_shared>>
    tpu.enqueue_dma source(%arg10 : memref<50x128xf32, #tpu.memory_space<vmem>>) target(%dma_start3A_12 : memref<50x128xf32, #tpu.memory_space<vmem_shared>>) target_semaphore(%arg15 : memref<!tpu.dma_semaphore, #tpu.memory_space<semaphore_mem>>)
    %add3A_13 = arith.constant 50 : i32
    %add3A_14 = arith.addi %mul3A_2, %add3A_13 : i32
    %dma_start3A_15 = arith.constant 0 : i32
    %dma_start3A_16 = tpu.memref_slice %arg27[%add3A_14, %dma_start3A_15] : memref<10112x128xf32, #tpu.memory_space<vmem_shared>> -> memref<50x128xf32, #tpu.memory_space<vmem_shared>>
    %dma_start3A_17 = arith.constant 0 : i32
    %dma_start3A_18 = tpu.memref_slice %arg27[%add3A_14, %dma_start3A_17] : memref<10112x128xf32, #tpu.memory_space<vmem_shared>> -> memref<50x128xf32, #tpu.memory_space<vmem_shared>>
    tpu.enqueue_dma source(%arg10 : memref<50x128xf32, #tpu.memory_space<vmem>>) target(%dma_start3A_18 : memref<50x128xf32, #tpu.memory_space<vmem_shared>>) target_semaphore(%arg15 : memref<!tpu.dma_semaphore, #tpu.memory_space<semaphore_mem>>)
    %add3A_19 = arith.constant 100 : i32
    %add3A_20 = arith.addi %mul3A_2, %add3A_19 : i32
    %dma_start3A_21 = arith.constant 0 : i32
    %dma_start3A_22 = tpu.memref_slice %arg27[%add3A_20, %dma_start3A_21] : memref<10112x128xf32, #tpu.memory_space<vmem_shared>> -> memref<50x128xf32, #tpu.memory_space<vmem_shared>>
    %dma_start3A_23 = arith.constant 0 : i32
    %dma_start3A_24 = tpu.memref_slice %arg27[%add3A_20, %dma_start3A_23] : memref<10112x128xf32, #tpu.memory_space<vmem_shared>> -> memref<50x128xf32, #tpu.memory_space<vmem_shared>>
    tpu.enqueue_dma source(%arg10 : memref<50x128xf32, #tpu.memory_space<vmem>>) target(%dma_start3A_24 : memref<50x128xf32, #tpu.memory_space<vmem_shared>>) target_semaphore(%arg15 : memref<!tpu.dma_semaphore, #tpu.memory_space<semaphore_mem>>)
    %add3A_25 = arith.constant 150 : i32
    %add3A_26 = arith.addi %mul3A_2, %add3A_25 : i32
    %dma_start3A_27 = arith.constant 0 : i32
    %dma_start3A_28 = tpu.memref_slice %arg27[%add3A_26, %dma_start3A_27] : memref<10112x128xf32, #tpu.memory_space<vmem_shared>> -> memref<50x128xf32, #tpu.memory_space<vmem_shared>>
    %dma_start3A_29 = arith.constant 0 : i32
    %dma_start3A_30 = tpu.memref_slice %arg27[%add3A_26, %dma_start3A_29] : memref<10112x128xf32, #tpu.memory_space<vmem_shared>> -> memref<50x128xf32, #tpu.memory_space<vmem_shared>>
    tpu.enqueue_dma source(%arg10 : memref<50x128xf32, #tpu.memory_space<vmem>>) target(%dma_start3A_30 : memref<50x128xf32, #tpu.memory_space<vmem_shared>>) target_semaphore(%arg15 : memref<!tpu.dma_semaphore, #tpu.memory_space<semaphore_mem>>)
    %add3A_31 = arith.constant 200 : i32
    %add3A_32 = arith.addi %mul3A_2, %add3A_31 : i32
    %dma_start3A_33 = arith.constant 0 : i32
    %dma_start3A_34 = tpu.memref_slice %arg27[%add3A_32, %dma_start3A_33] : memref<10112x128xf32, #tpu.memory_space<vmem_shared>> -> memref<50x128xf32, #tpu.memory_space<vmem_shared>>
    %dma_start3A_35 = arith.constant 0 : i32
    %dma_start3A_36 = tpu.memref_slice %arg27[%add3A_32, %dma_start3A_35] : memref<10112x128xf32, #tpu.memory_space<vmem_shared>> -> memref<50x128xf32, #tpu.memory_space<vmem_shared>>
    tpu.enqueue_dma source(%arg10 : memref<50x128xf32, #tpu.memory_space<vmem>>) target(%dma_start3A_36 : memref<50x128xf32, #tpu.memory_space<vmem_shared>>) target_semaphore(%arg15 : memref<!tpu.dma_semaphore, #tpu.memory_space<semaphore_mem>>)
    %add3A_37 = arith.constant 250 : i32
    %add3A_38 = arith.addi %mul3A_2, %add3A_37 : i32
    %dma_start3A_39 = arith.constant 0 : i32
    %dma_start3A_40 = tpu.memref_slice %arg27[%add3A_38, %dma_start3A_39] : memref<10112x128xf32, #tpu.memory_space<vmem_shared>> -> memref<50x128xf32, #tpu.memory_space<vmem_shared>>
    %dma_start3A_41 = arith.constant 0 : i32
    %dma_start3A_42 = tpu.memref_slice %arg27[%add3A_38, %dma_start3A_41] : memref<10112x128xf32, #tpu.memory_space<vmem_shared>> -> memref<50x128xf32, #tpu.memory_space<vmem_shared>>
    tpu.enqueue_dma source(%arg10 : memref<50x128xf32, #tpu.memory_space<vmem>>) target(%dma_start3A_42 : memref<50x128xf32, #tpu.memory_space<vmem_shared>>) target_semaphore(%arg15 : memref<!tpu.dma_semaphore, #tpu.memory_space<semaphore_mem>>)
    %add3A_43 = arith.constant 300 : i32
    %add3A_44 = arith.addi %mul3A_2, %add3A_43 : i32
    %dma_start3A_45 = arith.constant 0 : i32
    %dma_start3A_46 = tpu.memref_slice %arg27[%add3A_44, %dma_start3A_45] : memref<10112x128xf32, #tpu.memory_space<vmem_shared>> -> memref<50x128xf32, #tpu.memory_space<vmem_shared>>
    %dma_start3A_47 = arith.constant 0 : i32
    %dma_start3A_48 = tpu.memref_slice %arg27[%add3A_44, %dma_start3A_47] : memref<10112x128xf32, #tpu.memory_space<vmem_shared>> -> memref<50x128xf32, #tpu.memory_space<vmem_shared>>
    tpu.enqueue_dma source(%arg10 : memref<50x128xf32, #tpu.memory_space<vmem>>) target(%dma_start3A_48 : memref<50x128xf32, #tpu.memory_space<vmem_shared>>) target_semaphore(%arg15 : memref<!tpu.dma_semaphore, #tpu.memory_space<semaphore_mem>>)
    %add3A_49 = arith.constant 350 : i32
    %add3A_50 = arith.addi %mul3A_2, %add3A_49 : i32
    %dma_start3A_51 = arith.constant 0 : i32
    %dma_start3A_52 = tpu.memref_slice %arg27[%add3A_50, %dma_start3A_51] : memref<10112x128xf32, #tpu.memory_space<vmem_shared>> -> memref<50x128xf32, #tpu.memory_space<vmem_shared>>
    %dma_start3A_53 = arith.constant 0 : i32
    %dma_start3A_54 = tpu.memref_slice %arg27[%add3A_50, %dma_start3A_53] : memref<10112x128xf32, #tpu.memory_space<vmem_shared>> -> memref<50x128xf32, #tpu.memory_space<vmem_shared>>
    tpu.enqueue_dma source(%arg10 : memref<50x128xf32, #tpu.memory_space<vmem>>) target(%dma_start3A_54 : memref<50x128xf32, #tpu.memory_space<vmem_shared>>) target_semaphore(%arg15 : memref<!tpu.dma_semaphore, #tpu.memory_space<semaphore_mem>>)
    %add3A_55 = arith.constant 400 : i32
    %add3A_56 = arith.addi %mul3A_2, %add3A_55 : i32
    %dma_start3A_57 = arith.constant 0 : i32
    %dma_start3A_58 = tpu.memref_slice %arg27[%add3A_56, %dma_start3A_57] : memref<10112x128xf32, #tpu.memory_space<vmem_shared>> -> memref<50x128xf32, #tpu.memory_space<vmem_shared>>
    %dma_start3A_59 = arith.constant 0 : i32
    %dma_start3A_60 = tpu.memref_slice %arg27[%add3A_56, %dma_start3A_59] : memref<10112x128xf32, #tpu.memory_space<vmem_shared>> -> memref<50x128xf32, #tpu.memory_space<vmem_shared>>
    tpu.enqueue_dma source(%arg10 : memref<50x128xf32, #tpu.memory_space<vmem>>) target(%dma_start3A_60 : memref<50x128xf32, #tpu.memory_space<vmem_shared>>) target_semaphore(%arg15 : memref<!tpu.dma_semaphore, #tpu.memory_space<semaphore_mem>>)
    %add3A_61 = arith.constant 450 : i32
    %add3A_62 = arith.addi %mul3A_2, %add3A_61 : i32
    %dma_start3A_63 = arith.constant 0 : i32
    %dma_start3A_64 = tpu.memref_slice %arg27[%add3A_62, %dma_start3A_63] : memref<10112x128xf32, #tpu.memory_space<vmem_shared>> -> memref<50x128xf32, #tpu.memory_space<vmem_shared>>
    %dma_start3A_65 = arith.constant 0 : i32
    %dma_start3A_66 = tpu.memref_slice %arg27[%add3A_62, %dma_start3A_65] : memref<10112x128xf32, #tpu.memory_space<vmem_shared>> -> memref<50x128xf32, #tpu.memory_space<vmem_shared>>
    tpu.enqueue_dma source(%arg10 : memref<50x128xf32, #tpu.memory_space<vmem>>) target(%dma_start3A_66 : memref<50x128xf32, #tpu.memory_space<vmem_shared>>) target_semaphore(%arg15 : memref<!tpu.dma_semaphore, #tpu.memory_space<semaphore_mem>>)
    %add3A_67 = arith.constant 500 : i32
    %add3A_68 = arith.addi %mul3A_2, %add3A_67 : i32
    %dma_start3A_69 = arith.constant 0 : i32
    %dma_start3A_70 = tpu.memref_slice %arg27[%add3A_68, %dma_start3A_69] : memref<10112x128xf32, #tpu.memory_space<vmem_shared>> -> memref<50x128xf32, #tpu.memory_space<vmem_shared>>
    %dma_start3A_71 = arith.constant 0 : i32
    %dma_start3A_72 = tpu.memref_slice %arg27[%add3A_68, %dma_start3A_71] : memref<10112x128xf32, #tpu.memory_space<vmem_shared>> -> memref<50x128xf32, #tpu.memory_space<vmem_shared>>
    tpu.enqueue_dma source(%arg10 : memref<50x128xf32, #tpu.memory_space<vmem>>) target(%dma_start3A_72 : memref<50x128xf32, #tpu.memory_space<vmem_shared>>) target_semaphore(%arg15 : memref<!tpu.dma_semaphore, #tpu.memory_space<semaphore_mem>>)
    %add3A_73 = arith.constant 550 : i32
    %add3A_74 = arith.addi %mul3A_2, %add3A_73 : i32
    %dma_start3A_75 = arith.constant 0 : i32
    %dma_start3A_76 = tpu.memref_slice %arg27[%add3A_74, %dma_start3A_75] : memref<10112x128xf32, #tpu.memory_space<vmem_shared>> -> memref<50x128xf32, #tpu.memory_space<vmem_shared>>
    %dma_start3A_77 = arith.constant 0 : i32
    %dma_start3A_78 = tpu.memref_slice %arg27[%add3A_74, %dma_start3A_77] : memref<10112x128xf32, #tpu.memory_space<vmem_shared>> -> memref<50x128xf32, #tpu.memory_space<vmem_shared>>
    tpu.enqueue_dma source(%arg10 : memref<50x128xf32, #tpu.memory_space<vmem>>) target(%dma_start3A_78 : memref<50x128xf32, #tpu.memory_space<vmem_shared>>) target_semaphore(%arg15 : memref<!tpu.dma_semaphore, #tpu.memory_space<semaphore_mem>>)
    %add3A_79 = arith.constant 582 : i32
    %add3A_80 = arith.addi %mul3A_2, %add3A_79 : i32
    %dma_start3A_81 = arith.constant 0 : i32
    %dma_start3A_82 = tpu.memref_slice %arg27[%add3A_80, %dma_start3A_81] : memref<10112x128xf32, #tpu.memory_space<vmem_shared>> -> memref<50x128xf32, #tpu.memory_space<vmem_shared>>
    %dma_start3A_83 = arith.constant 0 : i32
    %dma_start3A_84 = tpu.memref_slice %arg27[%add3A_80, %dma_start3A_83] : memref<10112x128xf32, #tpu.memory_space<vmem_shared>> -> memref<50x128xf32, #tpu.memory_space<vmem_shared>>
    tpu.enqueue_dma source(%arg10 : memref<50x128xf32, #tpu.memory_space<vmem>>) target(%dma_start3A_84 : memref<50x128xf32, #tpu.memory_space<vmem_shared>>) target_semaphore(%arg15 : memref<!tpu.dma_semaphore, #tpu.memory_space<semaphore_mem>>)
    %dma_wait3A = arith.constant 0 : i32
    %dma_wait3A_85 = tpu.memref_slice %arg27[%add3A_9, %dma_wait3A] : memref<10112x128xf32, #tpu.memory_space<vmem_shared>> -> memref<50x128xf32, #tpu.memory_space<vmem_shared>>
    %dma_wait3A_86 = arith.constant 0 : i32
    %dma_wait3A_87 = tpu.memref_slice %arg27[%add3A_9, %dma_wait3A_86] : memref<10112x128xf32, #tpu.memory_space<vmem_shared>> -> memref<50x128xf32, #tpu.memory_space<vmem_shared>>
    tpu.wait_dma2 semaphore(%arg15 : memref<!tpu.dma_semaphore, #tpu.memory_space<semaphore_mem>>) src(%arg10 : memref<50x128xf32, #tpu.memory_space<vmem>>) dst(%dma_wait3A_87 : memref<50x128xf32, #tpu.memory_space<vmem_shared>>)
    %dma_wait3A_88 = arith.constant 0 : i32
    %dma_wait3A_89 = tpu.memref_slice %arg27[%add3A_14, %dma_wait3A_88] : memref<10112x128xf32, #tpu.memory_space<vmem_shared>> -> memref<50x128xf32, #tpu.memory_space<vmem_shared>>
    %dma_wait3A_90 = arith.constant 0 : i32
    %dma_wait3A_91 = tpu.memref_slice %arg27[%add3A_14, %dma_wait3A_90] : memref<10112x128xf32, #tpu.memory_space<vmem_shared>> -> memref<50x128xf32, #tpu.memory_space<vmem_shared>>
    tpu.wait_dma2 semaphore(%arg15 : memref<!tpu.dma_semaphore, #tpu.memory_space<semaphore_mem>>) src(%arg10 : memref<50x128xf32, #tpu.memory_space<vmem>>) dst(%dma_wait3A_91 : memref<50x128xf32, #tpu.memory_space<vmem_shared>>)
    %dma_wait3A_92 = arith.constant 0 : i32
    %dma_wait3A_93 = tpu.memref_slice %arg27[%add3A_20, %dma_wait3A_92] : memref<10112x128xf32, #tpu.memory_space<vmem_shared>> -> memref<50x128xf32, #tpu.memory_space<vmem_shared>>
    %dma_wait3A_94 = arith.constant 0 : i32
    %dma_wait3A_95 = tpu.memref_slice %arg27[%add3A_20, %dma_wait3A_94] : memref<10112x128xf32, #tpu.memory_space<vmem_shared>> -> memref<50x128xf32, #tpu.memory_space<vmem_shared>>
    tpu.wait_dma2 semaphore(%arg15 : memref<!tpu.dma_semaphore, #tpu.memory_space<semaphore_mem>>) src(%arg10 : memref<50x128xf32, #tpu.memory_space<vmem>>) dst(%dma_wait3A_95 : memref<50x128xf32, #tpu.memory_space<vmem_shared>>)
    %dma_wait3A_96 = arith.constant 0 : i32
    %dma_wait3A_97 = tpu.memref_slice %arg27[%add3A_26, %dma_wait3A_96] : memref<10112x128xf32, #tpu.memory_space<vmem_shared>> -> memref<50x128xf32, #tpu.memory_space<vmem_shared>>
    %dma_wait3A_98 = arith.constant 0 : i32
    %dma_wait3A_99 = tpu.memref_slice %arg27[%add3A_26, %dma_wait3A_98] : memref<10112x128xf32, #tpu.memory_space<vmem_shared>> -> memref<50x128xf32, #tpu.memory_space<vmem_shared>>
    tpu.wait_dma2 semaphore(%arg15 : memref<!tpu.dma_semaphore, #tpu.memory_space<semaphore_mem>>) src(%arg10 : memref<50x128xf32, #tpu.memory_space<vmem>>) dst(%dma_wait3A_99 : memref<50x128xf32, #tpu.memory_space<vmem_shared>>)
    %dma_wait3A_100 = arith.constant 0 : i32
    %dma_wait3A_101 = tpu.memref_slice %arg27[%add3A_32, %dma_wait3A_100] : memref<10112x128xf32, #tpu.memory_space<vmem_shared>> -> memref<50x128xf32, #tpu.memory_space<vmem_shared>>
    %dma_wait3A_102 = arith.constant 0 : i32
    %dma_wait3A_103 = tpu.memref_slice %arg27[%add3A_32, %dma_wait3A_102] : memref<10112x128xf32, #tpu.memory_space<vmem_shared>> -> memref<50x128xf32, #tpu.memory_space<vmem_shared>>
    tpu.wait_dma2 semaphore(%arg15 : memref<!tpu.dma_semaphore, #tpu.memory_space<semaphore_mem>>) src(%arg10 : memref<50x128xf32, #tpu.memory_space<vmem>>) dst(%dma_wait3A_103 : memref<50x128xf32, #tpu.memory_space<vmem_shared>>)
    %dma_wait3A_104 = arith.constant 0 : i32
    %dma_wait3A_105 = tpu.memref_slice %arg27[%add3A_38, %dma_wait3A_104] : memref<10112x128xf32, #tpu.memory_space<vmem_shared>> -> memref<50x128xf32, #tpu.memory_space<vmem_shared>>
    %dma_wait3A_106 = arith.constant 0 : i32
    %dma_wait3A_107 = tpu.memref_slice %arg27[%add3A_38, %dma_wait3A_106] : memref<10112x128xf32, #tpu.memory_space<vmem_shared>> -> memref<50x128xf32, #tpu.memory_space<vmem_shared>>
    tpu.wait_dma2 semaphore(%arg15 : memref<!tpu.dma_semaphore, #tpu.memory_space<semaphore_mem>>) src(%arg10 : memref<50x128xf32, #tpu.memory_space<vmem>>) dst(%dma_wait3A_107 : memref<50x128xf32, #tpu.memory_space<vmem_shared>>)
    %dma_wait3A_108 = arith.constant 0 : i32
    %dma_wait3A_109 = tpu.memref_slice %arg27[%add3A_44, %dma_wait3A_108] : memref<10112x128xf32, #tpu.memory_space<vmem_shared>> -> memref<50x128xf32, #tpu.memory_space<vmem_shared>>
    %dma_wait3A_110 = arith.constant 0 : i32
    %dma_wait3A_111 = tpu.memref_slice %arg27[%add3A_44, %dma_wait3A_110] : memref<10112x128xf32, #tpu.memory_space<vmem_shared>> -> memref<50x128xf32, #tpu.memory_space<vmem_shared>>
    tpu.wait_dma2 semaphore(%arg15 : memref<!tpu.dma_semaphore, #tpu.memory_space<semaphore_mem>>) src(%arg10 : memref<50x128xf32, #tpu.memory_space<vmem>>) dst(%dma_wait3A_111 : memref<50x128xf32, #tpu.memory_space<vmem_shared>>)
    %dma_wait3A_112 = arith.constant 0 : i32
    %dma_wait3A_113 = tpu.memref_slice %arg27[%add3A_50, %dma_wait3A_112] : memref<10112x128xf32, #tpu.memory_space<vmem_shared>> -> memref<50x128xf32, #tpu.memory_space<vmem_shared>>
    %dma_wait3A_114 = arith.constant 0 : i32
    %dma_wait3A_115 = tpu.memref_slice %arg27[%add3A_50, %dma_wait3A_114] : memref<10112x128xf32, #tpu.memory_space<vmem_shared>> -> memref<50x128xf32, #tpu.memory_space<vmem_shared>>
    tpu.wait_dma2 semaphore(%arg15 : memref<!tpu.dma_semaphore, #tpu.memory_space<semaphore_mem>>) src(%arg10 : memref<50x128xf32, #tpu.memory_space<vmem>>) dst(%dma_wait3A_115 : memref<50x128xf32, #tpu.memory_space<vmem_shared>>)
    %dma_wait3A_116 = arith.constant 0 : i32
    %dma_wait3A_117 = tpu.memref_slice %arg27[%add3A_56, %dma_wait3A_116] : memref<10112x128xf32, #tpu.memory_space<vmem_shared>> -> memref<50x128xf32, #tpu.memory_space<vmem_shared>>
    %dma_wait3A_118 = arith.constant 0 : i32
    %dma_wait3A_119 = tpu.memref_slice %arg27[%add3A_56, %dma_wait3A_118] : memref<10112x128xf32, #tpu.memory_space<vmem_shared>> -> memref<50x128xf32, #tpu.memory_space<vmem_shared>>
    tpu.wait_dma2 semaphore(%arg15 : memref<!tpu.dma_semaphore, #tpu.memory_space<semaphore_mem>>) src(%arg10 : memref<50x128xf32, #tpu.memory_space<vmem>>) dst(%dma_wait3A_119 : memref<50x128xf32, #tpu.memory_space<vmem_shared>>)
    %dma_wait3A_120 = arith.constant 0 : i32
    %dma_wait3A_121 = tpu.memref_slice %arg27[%add3A_62, %dma_wait3A_120] : memref<10112x128xf32, #tpu.memory_space<vmem_shared>> -> memref<50x128xf32, #tpu.memory_space<vmem_shared>>
    %dma_wait3A_122 = arith.constant 0 : i32
    %dma_wait3A_123 = tpu.memref_slice %arg27[%add3A_62, %dma_wait3A_122] : memref<10112x128xf32, #tpu.memory_space<vmem_shared>> -> memref<50x128xf32, #tpu.memory_space<vmem_shared>>
    tpu.wait_dma2 semaphore(%arg15 : memref<!tpu.dma_semaphore, #tpu.memory_space<semaphore_mem>>) src(%arg10 : memref<50x128xf32, #tpu.memory_space<vmem>>) dst(%dma_wait3A_123 : memref<50x128xf32, #tpu.memory_space<vmem_shared>>)
    %dma_wait3A_124 = arith.constant 0 : i32
    %dma_wait3A_125 = tpu.memref_slice %arg27[%add3A_68, %dma_wait3A_124] : memref<10112x128xf32, #tpu.memory_space<vmem_shared>> -> memref<50x128xf32, #tpu.memory_space<vmem_shared>>
    %dma_wait3A_126 = arith.constant 0 : i32
    %dma_wait3A_127 = tpu.memref_slice %arg27[%add3A_68, %dma_wait3A_126] : memref<10112x128xf32, #tpu.memory_space<vmem_shared>> -> memref<50x128xf32, #tpu.memory_space<vmem_shared>>
    tpu.wait_dma2 semaphore(%arg15 : memref<!tpu.dma_semaphore, #tpu.memory_space<semaphore_mem>>) src(%arg10 : memref<50x128xf32, #tpu.memory_space<vmem>>) dst(%dma_wait3A_127 : memref<50x128xf32, #tpu.memory_space<vmem_shared>>)
    %dma_wait3A_128 = arith.constant 0 : i32
    %dma_wait3A_129 = tpu.memref_slice %arg27[%add3A_74, %dma_wait3A_128] : memref<10112x128xf32, #tpu.memory_space<vmem_shared>> -> memref<50x128xf32, #tpu.memory_space<vmem_shared>>
    %dma_wait3A_130 = arith.constant 0 : i32
    %dma_wait3A_131 = tpu.memref_slice %arg27[%add3A_74, %dma_wait3A_130] : memref<10112x128xf32, #tpu.memory_space<vmem_shared>> -> memref<50x128xf32, #tpu.memory_space<vmem_shared>>
    tpu.wait_dma2 semaphore(%arg15 : memref<!tpu.dma_semaphore, #tpu.memory_space<semaphore_mem>>) src(%arg10 : memref<50x128xf32, #tpu.memory_space<vmem>>) dst(%dma_wait3A_131 : memref<50x128xf32, #tpu.memory_space<vmem_shared>>)
    %dma_wait3A_132 = arith.constant 0 : i32
    %dma_wait3A_133 = tpu.memref_slice %arg27[%add3A_80, %dma_wait3A_132] : memref<10112x128xf32, #tpu.memory_space<vmem_shared>> -> memref<50x128xf32, #tpu.memory_space<vmem_shared>>
    %dma_wait3A_134 = arith.constant 0 : i32
    %dma_wait3A_135 = tpu.memref_slice %arg27[%add3A_80, %dma_wait3A_134] : memref<10112x128xf32, #tpu.memory_space<vmem_shared>> -> memref<50x128xf32, #tpu.memory_space<vmem_shared>>
    tpu.wait_dma2 semaphore(%arg15 : memref<!tpu.dma_semaphore, #tpu.memory_space<semaphore_mem>>) src(%arg10 : memref<50x128xf32, #tpu.memory_space<vmem>>) dst(%dma_wait3A_135 : memref<50x128xf32, #tpu.memory_space<vmem_shared>>)
    %barrier3A = arith.constant 0 : index
    tpu.barrier barrier_id(%barrier3A)
    %mul3A_136 = arith.constant 40 : i32
    %mul3A_137 = arith.muli %add3A, %mul3A_136 : i32
    %add3A_138 = arith.constant 0 : i32
    %add3A_139 = arith.addi %mul3A_137, %add3A_138 : i32
    %dma_start3A_140 = arith.constant 0 : i32
    %dma_start3A_141 = arith.constant 0 : i32
    %dma_start3A_142 = arith.constant 0 : i32
    %dma_start3A_143 = tpu.memref_slice %arg4[%dma_start3A_140, %add3A_139, %dma_start3A_141, %dma_start3A_142] : memref<2x1280x5x50xi32, #tpu.memory_space<hbm>> -> memref<1x1x5x50xi32, #tpu.memory_space<hbm>>
    %dma_start3A_144 = tpu.memref_squeeze %dma_start3A_143 : memref<1x1x5x50xi32, #tpu.memory_space<hbm>> -> memref<5x50xi32, #tpu.memory_space<hbm>>
    %dma_start3A_145 = arith.constant 0 : i32
    %dma_start3A_146 = arith.constant 0 : i32
    %dma_start3A_147 = tpu.memref_slice %arg4[%dma_start3A_140, %add3A_139, %dma_start3A_145, %dma_start3A_146] : memref<2x1280x5x50xi32, #tpu.memory_space<hbm>> -> memref<1x1x5x50xi32, #tpu.memory_space<hbm>>
    %dma_start3A_148 = tpu.memref_squeeze %dma_start3A_147 : memref<1x1x5x50xi32, #tpu.memory_space<hbm>> -> memref<5x50xi32, #tpu.memory_space<hbm>>
    tpu.enqueue_dma source(%dma_start3A_148 : memref<5x50xi32, #tpu.memory_space<hbm>>) target(%arg7 : memref<5x50xi32, #tpu.memory_space<vmem>>) target_semaphore(%arg25 : memref<!tpu.dma_semaphore, #tpu.memory_space<semaphore_mem>>)
    %dma_start3A_149 = arith.constant 1 : i32
    %dma_start3A_150 = arith.constant 0 : i32
    %dma_start3A_151 = arith.constant 0 : i32
    %dma_start3A_152 = tpu.memref_slice %arg4[%dma_start3A_149, %add3A_139, %dma_start3A_150, %dma_start3A_151] : memref<2x1280x5x50xi32, #tpu.memory_space<hbm>> -> memref<1x1x5x50xi32, #tpu.memory_space<hbm>>
    %dma_start3A_153 = tpu.memref_squeeze %dma_start3A_152 : memref<1x1x5x50xi32, #tpu.memory_space<hbm>> -> memref<5x50xi32, #tpu.memory_space<hbm>>
    %dma_start3A_154 = arith.constant 0 : i32
    %dma_start3A_155 = arith.constant 0 : i32
    %dma_start3A_156 = tpu.memref_slice %arg4[%dma_start3A_149, %add3A_139, %dma_start3A_154, %dma_start3A_155] : memref<2x1280x5x50xi32, #tpu.memory_space<hbm>> -> memref<1x1x5x50xi32, #tpu.memory_space<hbm>>
    %dma_start3A_157 = tpu.memref_squeeze %dma_start3A_156 : memref<1x1x5x50xi32, #tpu.memory_space<hbm>> -> memref<5x50xi32, #tpu.memory_space<hbm>>
    tpu.enqueue_dma source(%dma_start3A_157 : memref<5x50xi32, #tpu.memory_space<hbm>>) target(%arg8 : memref<5x50xi32, #tpu.memory_space<vmem>>) target_semaphore(%arg26 : memref<!tpu.dma_semaphore, #tpu.memory_space<semaphore_mem>>)
    %scan3A_158 = arith.constant 0 : i32
    %scan3A_159 = arith.constant 40 : i32
    %scan3A_160 = arith.addi %scan3A_158, %scan3A_159 : i32
    %scan3A_161 = arith.constant 1 : i32
    scf.for %scan3A_164 = %scan3A_158 to %scan3A_160 step %scan3A_161  : i32 {
      %mul3A_165 = arith.constant 1 : i32
      %mul3A_166 = arith.muli %scan3A_164, %mul3A_165 : i32
      %add3A_167 = arith.constant 0 : i32
      %add3A_168 = arith.addi %add3A_167, %mul3A_166 : i32
      %mul3A_169 = arith.constant 40 : i32
      %mul3A_170 = arith.muli %add3A, %mul3A_169 : i32
      %dma_wait3A_171 = arith.constant 0 : i32
      %dma_wait3A_172 = arith.constant 0 : i32
      %dma_wait3A_173 = arith.constant 0 : i32
      %dma_wait3A_174 = tpu.memref_slice %arg4[%dma_wait3A_171, %mul3A_170, %dma_wait3A_172, %dma_wait3A_173] : memref<2x1280x5x50xi32, #tpu.memory_space<hbm>> -> memref<1x1x5x50xi32, #tpu.memory_space<hbm>>
      %dma_wait3A_175 = tpu.memref_squeeze %dma_wait3A_174 : memref<1x1x5x50xi32, #tpu.memory_space<hbm>> -> memref<5x50xi32, #tpu.memory_space<hbm>>
      %dma_wait3A_176 = arith.constant 0 : i32
      %dma_wait3A_177 = arith.constant 0 : i32
      %dma_wait3A_178 = tpu.memref_slice %arg4[%dma_wait3A_171, %mul3A_170, %dma_wait3A_176, %dma_wait3A_177] : memref<2x1280x5x50xi32, #tpu.memory_space<hbm>> -> memref<1x1x5x50xi32, #tpu.memory_space<hbm>>
      %dma_wait3A_179 = tpu.memref_squeeze %dma_wait3A_178 : memref<1x1x5x50xi32, #tpu.memory_space<hbm>> -> memref<5x50xi32, #tpu.memory_space<hbm>>
      tpu.wait_dma2 semaphore(%arg25 : memref<!tpu.dma_semaphore, #tpu.memory_space<semaphore_mem>>) src(%dma_wait3A_179 : memref<5x50xi32, #tpu.memory_space<hbm>>) dst(%arg7 : memref<5x50xi32, #tpu.memory_space<vmem>>)
      %mul3A_180 = arith.constant 40 : i32
      %mul3A_181 = arith.muli %add3A, %mul3A_180 : i32
      %dma_wait3A_182 = arith.constant 1 : i32
      %dma_wait3A_183 = arith.constant 0 : i32
      %dma_wait3A_184 = arith.constant 0 : i32
      %dma_wait3A_185 = tpu.memref_slice %arg4[%dma_wait3A_182, %mul3A_181, %dma_wait3A_183, %dma_wait3A_184] : memref<2x1280x5x50xi32, #tpu.memory_space<hbm>> -> memref<1x1x5x50xi32, #tpu.memory_space<hbm>>
      %dma_wait3A_186 = tpu.memref_squeeze %dma_wait3A_185 : memref<1x1x5x50xi32, #tpu.memory_space<hbm>> -> memref<5x50xi32, #tpu.memory_space<hbm>>
      %dma_wait3A_187 = arith.constant 0 : i32
      %dma_wait3A_188 = arith.constant 0 : i32
      %dma_wait3A_189 = tpu.memref_slice %arg4[%dma_wait3A_182, %mul3A_181, %dma_wait3A_187, %dma_wait3A_188] : memref<2x1280x5x50xi32, #tpu.memory_space<hbm>> -> memref<1x1x5x50xi32, #tpu.memory_space<hbm>>
      %dma_wait3A_190 = tpu.memref_squeeze %dma_wait3A_189 : memref<1x1x5x50xi32, #tpu.memory_space<hbm>> -> memref<5x50xi32, #tpu.memory_space<hbm>>
      tpu.wait_dma2 semaphore(%arg26 : memref<!tpu.dma_semaphore, #tpu.memory_space<semaphore_mem>>) src(%dma_wait3A_190 : memref<5x50xi32, #tpu.memory_space<hbm>>) dst(%arg8 : memref<5x50xi32, #tpu.memory_space<vmem>>)
      %dma_start3A_191 = arith.constant 0 : i32
      %dma_start3A_192 = arith.constant 0 : i32
      %dma_start3A_193 = tpu.memref_slice %arg7[%dma_start3A_191, %dma_start3A_192] : memref<5x50xi32, #tpu.memory_space<vmem>> -> memref<1x50xi32, #tpu.memory_space<vmem>>
      %dma_start3A_194 = tpu.memref_squeeze %dma_start3A_193 : memref<1x50xi32, #tpu.memory_space<vmem>> -> memref<50xi32, #tpu.memory_space<vmem>>
      %dma_start3A_195 = arith.constant 0 : i32
      %dma_start3A_196 = arith.constant 0 : i32
      %dma_start3A_197 = tpu.memref_slice %arg2[%dma_start3A_195, %dma_start3A_196] : memref<10000x128xf32, #tpu.memory_space<hbm>> -> memref<10000x128xf32, #tpu.memory_space<hbm>>
      tpu.enqueue_indirect_dma source(%dma_start3A_197 : memref<10000x128xf32, #tpu.memory_space<hbm>>) target(%arg10 : memref<50x128xf32, #tpu.memory_space<vmem>>) offsets(%dma_start3A_194 : memref<50xi32, #tpu.memory_space<vmem>>) semaphore(%arg15 : memref<!tpu.dma_semaphore, #tpu.memory_space<semaphore_mem>>)
      %dma_start3A_198 = arith.constant 1 : i32
      %dma_start3A_199 = arith.constant 0 : i32
      %dma_start3A_200 = tpu.memref_slice %arg7[%dma_start3A_198, %dma_start3A_199] : memref<5x50xi32, #tpu.memory_space<vmem>> -> memref<1x50xi32, #tpu.memory_space<vmem>>
      %dma_start3A_201 = tpu.memref_squeeze %dma_start3A_200 : memref<1x50xi32, #tpu.memory_space<vmem>> -> memref<50xi32, #tpu.memory_space<vmem>>
      %dma_start3A_202 = arith.constant 0 : i32
      %dma_start3A_203 = arith.constant 0 : i32
      %dma_start3A_204 = tpu.memref_slice %arg2[%dma_start3A_202, %dma_start3A_203] : memref<10000x128xf32, #tpu.memory_space<hbm>> -> memref<10000x128xf32, #tpu.memory_space<hbm>>
      tpu.enqueue_indirect_dma source(%dma_start3A_204 : memref<10000x128xf32, #tpu.memory_space<hbm>>) target(%arg11 : memref<50x128xf32, #tpu.memory_space<vmem>>) offsets(%dma_start3A_201 : memref<50xi32, #tpu.memory_space<vmem>>) semaphore(%arg16 : memref<!tpu.dma_semaphore, #tpu.memory_space<semaphore_mem>>)
      %dma_start3A_205 = arith.constant 2 : i32
      %dma_start3A_206 = arith.constant 0 : i32
      %dma_start3A_207 = tpu.memref_slice %arg7[%dma_start3A_205, %dma_start3A_206] : memref<5x50xi32, #tpu.memory_space<vmem>> -> memref<1x50xi32, #tpu.memory_space<vmem>>
      %dma_start3A_208 = tpu.memref_squeeze %dma_start3A_207 : memref<1x50xi32, #tpu.memory_space<vmem>> -> memref<50xi32, #tpu.memory_space<vmem>>
      %dma_start3A_209 = arith.constant 0 : i32
      %dma_start3A_210 = arith.constant 0 : i32
      %dma_start3A_211 = tpu.memref_slice %arg2[%dma_start3A_209, %dma_start3A_210] : memref<10000x128xf32, #tpu.memory_space<hbm>> -> memref<10000x128xf32, #tpu.memory_space<hbm>>
      tpu.enqueue_indirect_dma source(%dma_start3A_211 : memref<10000x128xf32, #tpu.memory_space<hbm>>) target(%arg12 : memref<50x128xf32, #tpu.memory_space<vmem>>) offsets(%dma_start3A_208 : memref<50xi32, #tpu.memory_space<vmem>>) semaphore(%arg17 : memref<!tpu.dma_semaphore, #tpu.memory_space<semaphore_mem>>)
      %dma_start3A_212 = arith.constant 3 : i32
      %dma_start3A_213 = arith.constant 0 : i32
      %dma_start3A_214 = tpu.memref_slice %arg7[%dma_start3A_212, %dma_start3A_213] : memref<5x50xi32, #tpu.memory_space<vmem>> -> memref<1x50xi32, #tpu.memory_space<vmem>>
      %dma_start3A_215 = tpu.memref_squeeze %dma_start3A_214 : memref<1x50xi32, #tpu.memory_space<vmem>> -> memref<50xi32, #tpu.memory_space<vmem>>
      %dma_start3A_216 = arith.constant 0 : i32
      %dma_start3A_217 = arith.constant 0 : i32
      %dma_start3A_218 = tpu.memref_slice %arg2[%dma_start3A_216, %dma_start3A_217] : memref<10000x128xf32, #tpu.memory_space<hbm>> -> memref<10000x128xf32, #tpu.memory_space<hbm>>
      tpu.enqueue_indirect_dma source(%dma_start3A_218 : memref<10000x128xf32, #tpu.memory_space<hbm>>) target(%arg13 : memref<50x128xf32, #tpu.memory_space<vmem>>) offsets(%dma_start3A_215 : memref<50xi32, #tpu.memory_space<vmem>>) semaphore(%arg18 : memref<!tpu.dma_semaphore, #tpu.memory_space<semaphore_mem>>)
      %dma_start3A_219 = arith.constant 4 : i32
      %dma_start3A_220 = arith.constant 0 : i32
      %dma_start3A_221 = tpu.memref_slice %arg7[%dma_start3A_219, %dma_start3A_220] : memref<5x50xi32, #tpu.memory_space<vmem>> -> memref<1x50xi32, #tpu.memory_space<vmem>>
      %dma_start3A_222 = tpu.memref_squeeze %dma_start3A_221 : memref<1x50xi32, #tpu.memory_space<vmem>> -> memref<50xi32, #tpu.memory_space<vmem>>
      %dma_start3A_223 = arith.constant 0 : i32
      %dma_start3A_224 = arith.constant 0 : i32
      %dma_start3A_225 = tpu.memref_slice %arg2[%dma_start3A_223, %dma_start3A_224] : memref<10000x128xf32, #tpu.memory_space<hbm>> -> memref<10000x128xf32, #tpu.memory_space<hbm>>
      tpu.enqueue_indirect_dma source(%dma_start3A_225 : memref<10000x128xf32, #tpu.memory_space<hbm>>) target(%arg14 : memref<50x128xf32, #tpu.memory_space<vmem>>) offsets(%dma_start3A_222 : memref<50xi32, #tpu.memory_space<vmem>>) semaphore(%arg19 : memref<!tpu.dma_semaphore, #tpu.memory_space<semaphore_mem>>)
      %get3A = arith.constant 0 : i32
      %get3A_226 = arith.index_cast %get3A : i32 to index
      %get3A_227 = arith.constant 0 : index
      %get3A_228 = tpu.vector_load %arg7[%get3A_226, %get3A_227] {strides = array<i32>} : memref<5x50xi32, #tpu.memory_space<vmem>>, vector<16xi32>,
      %get3A_229 = arith.constant 0 : i32
      %get3A_230 = arith.index_cast %get3A_229 : i32 to index
      %get3A_231 = arith.constant 0 : index
      %get3A_232 = tpu.vector_load %arg8[%get3A_230, %get3A_231] {strides = array<i32>} : memref<5x50xi32, #tpu.memory_space<vmem>>, vector<16xi32>,
      %gather3A = tpu.vector_load_idx %arg6[%get3A_228] : memref<10000xi32, #tpu.memory_space<vmem>>[vector<16xi32>], vector<16xi32>,
      %gather3A_233 = tpu.vector_load_idx %arg6[%get3A_232] : memref<10000xi32, #tpu.memory_space<vmem>>[vector<16xi32>], vector<16xi32>,
      %shift_left3A = arith.constant 16 : i32
      %shift_left3A_234 = vector.broadcast %shift_left3A : i32 to vector<16xi32>
      %shift_left3A_235 = arith.shli %gather3A, %shift_left3A_234 : vector<16xi32>
      %bitcast3A = vector.bitcast %shift_left3A_235 : vector<16xi32> to vector<16xf32>
      %and3A = arith.constant -65536 : i32
      %and3A_236 = vector.broadcast %and3A : i32 to vector<16xi32>
      %and3A_237 = arith.andi %gather3A_233, %and3A_236 : vector<16xi32>
      %bitcast3A_238 = vector.bitcast %and3A_237 : vector<16xi32> to vector<16xf32>
      %add3A_239 = arith.addf %bitcast3A, %bitcast3A_238 : vector<16xf32>
      %neg3A = arith.constant 0.000000e+00 : f32
      %neg3A_240 = vector.broadcast %neg3A : f32 to vector<16xf32>
      %neg3A_241 = arith.subf %neg3A_240, %add3A_239 : vector<16xf32>
      %exp3A = math.exp %neg3A_241 : vector<16xf32>
      %add3A_242 = arith.constant 1.000000e+00 : f32
      %add3A_243 = vector.broadcast %add3A_242 : f32 to vector<16xf32>
      %add3A_244 = arith.addf %add3A_243, %exp3A : vector<16xf32>
      %div3A = arith.constant 1.000000e+00 : f32
      %div3A_245 = vector.broadcast %div3A : f32 to vector<16xf32>
      %div3A_246 = arith.divf %div3A_245, %add3A_244 : vector<16xf32>
      %swap3A = arith.constant 0 : index
      %swap3A_247 = tpu.vector_load %arg9[%swap3A] {strides = array<i32>} : memref<250xf32, #tpu.memory_space<vmem>>, vector<16xf32>,
      tpu.vector_store %arg9[%swap3A], %div3A_246 {strides = array<i32>} : memref<250xf32, #tpu.memory_space<vmem>>, vector<16xf32>,
      %get3A_248 = arith.constant 0 : i32
      %get3A_249 = arith.index_cast %get3A_248 : i32 to index
      %get3A_250 = arith.constant 16 : index
      %get3A_251 = tpu.vector_load %arg7[%get3A_249, %get3A_250] {strides = array<i32>} : memref<5x50xi32, #tpu.memory_space<vmem>>, vector<16xi32>,
      %get3A_252 = arith.constant 0 : i32
      %get3A_253 = arith.index_cast %get3A_252 : i32 to index
      %get3A_254 = arith.constant 16 : index
      %get3A_255 = tpu.vector_load %arg8[%get3A_253, %get3A_254] {strides = array<i32>} : memref<5x50xi32, #tpu.memory_space<vmem>>, vector<16xi32>,
      %gather3A_256 = tpu.vector_load_idx %arg6[%get3A_251] : memref<10000xi32, #tpu.memory_space<vmem>>[vector<16xi32>], vector<16xi32>,
      %gather3A_257 = tpu.vector_load_idx %arg6[%get3A_255] : memref<10000xi32, #tpu.memory_space<vmem>>[vector<16xi32>], vector<16xi32>,
      %shift_left3A_258 = arith.constant 16 : i32
      %shift_left3A_259 = vector.broadcast %shift_left3A_258 : i32 to vector<16xi32>
      %shift_left3A_260 = arith.shli %gather3A_256, %shift_left3A_259 : vector<16xi32>
      %bitcast3A_261 = vector.bitcast %shift_left3A_260 : vector<16xi32> to vector<16xf32>
      %and3A_262 = arith.constant -65536 : i32
      %and3A_263 = vector.broadcast %and3A_262 : i32 to vector<16xi32>
      %and3A_264 = arith.andi %gather3A_257, %and3A_263 : vector<16xi32>
      %bitcast3A_265 = vector.bitcast %and3A_264 : vector<16xi32> to vector<16xf32>
      %add3A_266 = arith.addf %bitcast3A_261, %bitcast3A_265 : vector<16xf32>
      %neg3A_267 = arith.constant 0.000000e+00 : f32
      %neg3A_268 = vector.broadcast %neg3A_267 : f32 to vector<16xf32>
      %neg3A_269 = arith.subf %neg3A_268, %add3A_266 : vector<16xf32>
      %exp3A_270 = math.exp %neg3A_269 : vector<16xf32>
      %add3A_271 = arith.constant 1.000000e+00 : f32
      %add3A_272 = vector.broadcast %add3A_271 : f32 to vector<16xf32>
      %add3A_273 = arith.addf %add3A_272, %exp3A_270 : vector<16xf32>
      %div3A_274 = arith.constant 1.000000e+00 : f32
      %div3A_275 = vector.broadcast %div3A_274 : f32 to vector<16xf32>
      %div3A_276 = arith.divf %div3A_275, %add3A_273 : vector<16xf32>
      %swap3A_277 = arith.constant 16 : index
      %swap3A_278 = tpu.vector_load %arg9[%swap3A_277] {strides = array<i32>} : memref<250xf32, #tpu.memory_space<vmem>>, vector<16xf32>,
      tpu.vector_store %arg9[%swap3A_277], %div3A_276 {strides = array<i32>} : memref<250xf32, #tpu.memory_space<vmem>>, vector<16xf32>,
      %get3A_279 = arith.constant 0 : i32
      %get3A_280 = arith.index_cast %get3A_279 : i32 to index
      %get3A_281 = arith.constant 32 : index
      %get3A_282 = tpu.vector_load %arg7[%get3A_280, %get3A_281] {strides = array<i32>} : memref<5x50xi32, #tpu.memory_space<vmem>>, vector<16xi32>,
      %get3A_283 = arith.constant 0 : i32
      %get3A_284 = arith.index_cast %get3A_283 : i32 to index
      %get3A_285 = arith.constant 32 : index
      %get3A_286 = tpu.vector_load %arg8[%get3A_284, %get3A_285] {strides = array<i32>} : memref<5x50xi32, #tpu.memory_space<vmem>>, vector<16xi32>,
      %gather3A_287 = tpu.vector_load_idx %arg6[%get3A_282] : memref<10000xi32, #tpu.memory_space<vmem>>[vector<16xi32>], vector<16xi32>,
      %gather3A_288 = tpu.vector_load_idx %arg6[%get3A_286] : memref<10000xi32, #tpu.memory_space<vmem>>[vector<16xi32>], vector<16xi32>,
      %shift_left3A_289 = arith.constant 16 : i32
      %shift_left3A_290 = vector.broadcast %shift_left3A_289 : i32 to vector<16xi32>
      %shift_left3A_291 = arith.shli %gather3A_287, %shift_left3A_290 : vector<16xi32>
      %bitcast3A_292 = vector.bitcast %shift_left3A_291 : vector<16xi32> to vector<16xf32>
      %and3A_293 = arith.constant -65536 : i32
      %and3A_294 = vector.broadcast %and3A_293 : i32 to vector<16xi32>
      %and3A_295 = arith.andi %gather3A_288, %and3A_294 : vector<16xi32>
      %bitcast3A_296 = vector.bitcast %and3A_295 : vector<16xi32> to vector<16xf32>
      %add3A_297 = arith.addf %bitcast3A_292, %bitcast3A_296 : vector<16xf32>
      %neg3A_298 = arith.constant 0.000000e+00 : f32
      %neg3A_299 = vector.broadcast %neg3A_298 : f32 to vector<16xf32>
      %neg3A_300 = arith.subf %neg3A_299, %add3A_297 : vector<16xf32>
      %exp3A_301 = math.exp %neg3A_300 : vector<16xf32>
      %add3A_302 = arith.constant 1.000000e+00 : f32
      %add3A_303 = vector.broadcast %add3A_302 : f32 to vector<16xf32>
      %add3A_304 = arith.addf %add3A_303, %exp3A_301 : vector<16xf32>
      %div3A_305 = arith.constant 1.000000e+00 : f32
      %div3A_306 = vector.broadcast %div3A_305 : f32 to vector<16xf32>
      %div3A_307 = arith.divf %div3A_306, %add3A_304 : vector<16xf32>
      %swap3A_308 = arith.constant 32 : index
      %swap3A_309 = tpu.vector_load %arg9[%swap3A_308] {strides = array<i32>} : memref<250xf32, #tpu.memory_space<vmem>>, vector<16xf32>,
      tpu.vector_store %arg9[%swap3A_308], %div3A_307 {strides = array<i32>} : memref<250xf32, #tpu.memory_space<vmem>>, vector<16xf32>,
      %get3A_310 = arith.constant 0 : i32
      %get3A_311 = arith.index_cast %get3A_310 : i32 to index
      %get3A_312 = arith.constant 34 : index
      %get3A_313 = tpu.vector_load %arg7[%get3A_311, %get3A_312] {strides = array<i32>} : memref<5x50xi32, #tpu.memory_space<vmem>>, vector<16xi32>,
      %get3A_314 = arith.constant 0 : i32
      %get3A_315 = arith.index_cast %get3A_314 : i32 to index
      %get3A_316 = arith.constant 34 : index
      %get3A_317 = tpu.vector_load %arg8[%get3A_315, %get3A_316] {strides = array<i32>} : memref<5x50xi32, #tpu.memory_space<vmem>>, vector<16xi32>,
      %gather3A_318 = tpu.vector_load_idx %arg6[%get3A_313] : memref<10000xi32, #tpu.memory_space<vmem>>[vector<16xi32>], vector<16xi32>,
      %gather3A_319 = tpu.vector_load_idx %arg6[%get3A_317] : memref<10000xi32, #tpu.memory_space<vmem>>[vector<16xi32>], vector<16xi32>,
      %shift_left3A_320 = arith.constant 16 : i32
      %shift_left3A_321 = vector.broadcast %shift_left3A_320 : i32 to vector<16xi32>
      %shift_left3A_322 = arith.shli %gather3A_318, %shift_left3A_321 : vector<16xi32>
      %bitcast3A_323 = vector.bitcast %shift_left3A_322 : vector<16xi32> to vector<16xf32>
      %and3A_324 = arith.constant -65536 : i32
      %and3A_325 = vector.broadcast %and3A_324 : i32 to vector<16xi32>
      %and3A_326 = arith.andi %gather3A_319, %and3A_325 : vector<16xi32>
      %bitcast3A_327 = vector.bitcast %and3A_326 : vector<16xi32> to vector<16xf32>
      %add3A_328 = arith.addf %bitcast3A_323, %bitcast3A_327 : vector<16xf32>
      %neg3A_329 = arith.constant 0.000000e+00 : f32
      %neg3A_330 = vector.broadcast %neg3A_329 : f32 to vector<16xf32>
      %neg3A_331 = arith.subf %neg3A_330, %add3A_328 : vector<16xf32>
      %exp3A_332 = math.exp %neg3A_331 : vector<16xf32>
      %add3A_333 = arith.constant 1.000000e+00 : f32
      %add3A_334 = vector.broadcast %add3A_333 : f32 to vector<16xf32>
      %add3A_335 = arith.addf %add3A_334, %exp3A_332 : vector<16xf32>
      %div3A_336 = arith.constant 1.000000e+00 : f32
      %div3A_337 = vector.broadcast %div3A_336 : f32 to vector<16xf32>
      %div3A_338 = arith.divf %div3A_337, %add3A_335 : vector<16xf32>
      %swap3A_339 = arith.constant 34 : index
      %swap3A_340 = tpu.vector_load %arg9[%swap3A_339] {strides = array<i32>} : memref<250xf32, #tpu.memory_space<vmem>>, vector<16xf32>,
      tpu.vector_store %arg9[%swap3A_339], %div3A_338 {strides = array<i32>} : memref<250xf32, #tpu.memory_space<vmem>>, vector<16xf32>,
      %get3A_341 = arith.constant 1 : i32
      %get3A_342 = arith.index_cast %get3A_341 : i32 to index
      %get3A_343 = arith.constant 0 : index
      %get3A_344 = tpu.vector_load %arg7[%get3A_342, %get3A_343] {strides = array<i32>} : memref<5x50xi32, #tpu.memory_space<vmem>>, vector<16xi32>,
      %get3A_345 = arith.constant 1 : i32
      %get3A_346 = arith.index_cast %get3A_345 : i32 to index
      %get3A_347 = arith.constant 0 : index
      %get3A_348 = tpu.vector_load %arg8[%get3A_346, %get3A_347] {strides = array<i32>} : memref<5x50xi32, #tpu.memory_space<vmem>>, vector<16xi32>,
      %gather3A_349 = tpu.vector_load_idx %arg6[%get3A_344] : memref<10000xi32, #tpu.memory_space<vmem>>[vector<16xi32>], vector<16xi32>,
      %gather3A_350 = tpu.vector_load_idx %arg6[%get3A_348] : memref<10000xi32, #tpu.memory_space<vmem>>[vector<16xi32>], vector<16xi32>,
      %shift_left3A_351 = arith.constant 16 : i32
      %shift_left3A_352 = vector.broadcast %shift_left3A_351 : i32 to vector<16xi32>
      %shift_left3A_353 = arith.shli %gather3A_349, %shift_left3A_352 : vector<16xi32>
      %bitcast3A_354 = vector.bitcast %shift_left3A_353 : vector<16xi32> to vector<16xf32>
      %and3A_355 = arith.constant -65536 : i32
      %and3A_356 = vector.broadcast %and3A_355 : i32 to vector<16xi32>
      %and3A_357 = arith.andi %gather3A_350, %and3A_356 : vector<16xi32>
      %bitcast3A_358 = vector.bitcast %and3A_357 : vector<16xi32> to vector<16xf32>
      %add3A_359 = arith.addf %bitcast3A_354, %bitcast3A_358 : vector<16xf32>
      %neg3A_360 = arith.constant 0.000000e+00 : f32
      %neg3A_361 = vector.broadcast %neg3A_360 : f32 to vector<16xf32>
      %neg3A_362 = arith.subf %neg3A_361, %add3A_359 : vector<16xf32>
      %exp3A_363 = math.exp %neg3A_362 : vector<16xf32>
      %add3A_364 = arith.constant 1.000000e+00 : f32
      %add3A_365 = vector.broadcast %add3A_364 : f32 to vector<16xf32>
      %add3A_366 = arith.addf %add3A_365, %exp3A_363 : vector<16xf32>
      %div3A_367 = arith.constant 1.000000e+00 : f32
      %div3A_368 = vector.broadcast %div3A_367 : f32 to vector<16xf32>
      %div3A_369 = arith.divf %div3A_368, %add3A_366 : vector<16xf32>
      %swap3A_370 = arith.constant 50 : index
      %swap3A_371 = tpu.vector_load %arg9[%swap3A_370] {strides = array<i32>} : memref<250xf32, #tpu.memory_space<vmem>>, vector<16xf32>,
      tpu.vector_store %arg9[%swap3A_370], %div3A_369 {strides = array<i32>} : memref<250xf32, #tpu.memory_space<vmem>>, vector<16xf32>,
      %get3A_372 = arith.constant 1 : i32
      %get3A_373 = arith.index_cast %get3A_372 : i32 to index
      %get3A_374 = arith.constant 16 : index
      %get3A_375 = tpu.vector_load %arg7[%get3A_373, %get3A_374] {strides = array<i32>} : memref<5x50xi32, #tpu.memory_space<vmem>>, vector<16xi32>,
      %get3A_376 = arith.constant 1 : i32
      %get3A_377 = arith.index_cast %get3A_376 : i32 to index
      %get3A_378 = arith.constant 16 : index
      %get3A_379 = tpu.vector_load %arg8[%get3A_377, %get3A_378] {strides = array<i32>} : memref<5x50xi32, #tpu.memory_space<vmem>>, vector<16xi32>,
      %gather3A_380 = tpu.vector_load_idx %arg6[%get3A_375] : memref<10000xi32, #tpu.memory_space<vmem>>[vector<16xi32>], vector<16xi32>,
      %gather3A_381 = tpu.vector_load_idx %arg6[%get3A_379] : memref<10000xi32, #tpu.memory_space<vmem>>[vector<16xi32>], vector<16xi32>,
      %shift_left3A_382 = arith.constant 16 : i32
      %shift_left3A_383 = vector.broadcast %shift_left3A_382 : i32 to vector<16xi32>
      %shift_left3A_384 = arith.shli %gather3A_380, %shift_left3A_383 : vector<16xi32>
      %bitcast3A_385 = vector.bitcast %shift_left3A_384 : vector<16xi32> to vector<16xf32>
      %and3A_386 = arith.constant -65536 : i32
      %and3A_387 = vector.broadcast %and3A_386 : i32 to vector<16xi32>
      %and3A_388 = arith.andi %gather3A_381, %and3A_387 : vector<16xi32>
      %bitcast3A_389 = vector.bitcast %and3A_388 : vector<16xi32> to vector<16xf32>
      %add3A_390 = arith.addf %bitcast3A_385, %bitcast3A_389 : vector<16xf32>
      %neg3A_391 = arith.constant 0.000000e+00 : f32
      %neg3A_392 = vector.broadcast %neg3A_391 : f32 to vector<16xf32>
      %neg3A_393 = arith.subf %neg3A_392, %add3A_390 : vector<16xf32>
      %exp3A_394 = math.exp %neg3A_393 : vector<16xf32>
      %add3A_395 = arith.constant 1.000000e+00 : f32
      %add3A_396 = vector.broadcast %add3A_395 : f32 to vector<16xf32>
      %add3A_397 = arith.addf %add3A_396, %exp3A_394 : vector<16xf32>
      %div3A_398 = arith.constant 1.000000e+00 : f32
      %div3A_399 = vector.broadcast %div3A_398 : f32 to vector<16xf32>
      %div3A_400 = arith.divf %div3A_399, %add3A_397 : vector<16xf32>
      %swap3A_401 = arith.constant 66 : index
      %swap3A_402 = tpu.vector_load %arg9[%swap3A_401] {strides = array<i32>} : memref<250xf32, #tpu.memory_space<vmem>>, vector<16xf32>,
      tpu.vector_store %arg9[%swap3A_401], %div3A_400 {strides = array<i32>} : memref<250xf32, #tpu.memory_space<vmem>>, vector<16xf32>,
      %get3A_403 = arith.constant 1 : i32
      %get3A_404 = arith.index_cast %get3A_403 : i32 to index
      %get3A_405 = arith.constant 32 : index
      %get3A_406 = tpu.vector_load %arg7[%get3A_404, %get3A_405] {strides = array<i32>} : memref<5x50xi32, #tpu.memory_space<vmem>>, vector<16xi32>,
      %get3A_407 = arith.constant 1 : i32
      %get3A_408 = arith.index_cast %get3A_407 : i32 to index
      %get3A_409 = arith.constant 32 : index
      %get3A_410 = tpu.vector_load %arg8[%get3A_408, %get3A_409] {strides = array<i32>} : memref<5x50xi32, #tpu.memory_space<vmem>>, vector<16xi32>,
      %gather3A_411 = tpu.vector_load_idx %arg6[%get3A_406] : memref<10000xi32, #tpu.memory_space<vmem>>[vector<16xi32>], vector<16xi32>,
      %gather3A_412 = tpu.vector_load_idx %arg6[%get3A_410] : memref<10000xi32, #tpu.memory_space<vmem>>[vector<16xi32>], vector<16xi32>,
      %shift_left3A_413 = arith.constant 16 : i32
      %shift_left3A_414 = vector.broadcast %shift_left3A_413 : i32 to vector<16xi32>
      %shift_left3A_415 = arith.shli %gather3A_411, %shift_left3A_414 : vector<16xi32>
      %bitcast3A_416 = vector.bitcast %shift_left3A_415 : vector<16xi32> to vector<16xf32>
      %and3A_417 = arith.constant -65536 : i32
      %and3A_418 = vector.broadcast %and3A_417 : i32 to vector<16xi32>
      %and3A_419 = arith.andi %gather3A_412, %and3A_418 : vector<16xi32>
      %bitcast3A_420 = vector.bitcast %and3A_419 : vector<16xi32> to vector<16xf32>
      %add3A_421 = arith.addf %bitcast3A_416, %bitcast3A_420 : vector<16xf32>
      %neg3A_422 = arith.constant 0.000000e+00 : f32
      %neg3A_423 = vector.broadcast %neg3A_422 : f32 to vector<16xf32>
      %neg3A_424 = arith.subf %neg3A_423, %add3A_421 : vector<16xf32>
      %exp3A_425 = math.exp %neg3A_424 : vector<16xf32>
      %add3A_426 = arith.constant 1.000000e+00 : f32
      %add3A_427 = vector.broadcast %add3A_426 : f32 to vector<16xf32>
      %add3A_428 = arith.addf %add3A_427, %exp3A_425 : vector<16xf32>
      %div3A_429 = arith.constant 1.000000e+00 : f32
      %div3A_430 = vector.broadcast %div3A_429 : f32 to vector<16xf32>
      %div3A_431 = arith.divf %div3A_430, %add3A_428 : vector<16xf32>
      %swap3A_432 = arith.constant 82 : index
      %swap3A_433 = tpu.vector_load %arg9[%swap3A_432] {strides = array<i32>} : memref<250xf32, #tpu.memory_space<vmem>>, vector<16xf32>,
      tpu.vector_store %arg9[%swap3A_432], %div3A_431 {strides = array<i32>} : memref<250xf32, #tpu.memory_space<vmem>>, vector<16xf32>,
      %get3A_434 = arith.constant 1 : i32
      %get3A_435 = arith.index_cast %get3A_434 : i32 to index
      %get3A_436 = arith.constant 34 : index
      %get3A_437 = tpu.vector_load %arg7[%get3A_435, %get3A_436] {strides = array<i32>} : memref<5x50xi32, #tpu.memory_space<vmem>>, vector<16xi32>,
      %get3A_438 = arith.constant 1 : i32
      %get3A_439 = arith.index_cast %get3A_438 : i32 to index
      %get3A_440 = arith.constant 34 : index
      %get3A_441 = tpu.vector_load %arg8[%get3A_439, %get3A_440] {strides = array<i32>} : memref<5x50xi32, #tpu.memory_space<vmem>>, vector<16xi32>,
      %gather3A_442 = tpu.vector_load_idx %arg6[%get3A_437] : memref<10000xi32, #tpu.memory_space<vmem>>[vector<16xi32>], vector<16xi32>,
      %gather3A_443 = tpu.vector_load_idx %arg6[%get3A_441] : memref<10000xi32, #tpu.memory_space<vmem>>[vector<16xi32>], vector<16xi32>,
      %shift_left3A_444 = arith.constant 16 : i32
      %shift_left3A_445 = vector.broadcast %shift_left3A_444 : i32 to vector<16xi32>
      %shift_left3A_446 = arith.shli %gather3A_442, %shift_left3A_445 : vector<16xi32>
      %bitcast3A_447 = vector.bitcast %shift_left3A_446 : vector<16xi32> to vector<16xf32>
      %and3A_448 = arith.constant -65536 : i32
      %and3A_449 = vector.broadcast %and3A_448 : i32 to vector<16xi32>
      %and3A_450 = arith.andi %gather3A_443, %and3A_449 : vector<16xi32>
      %bitcast3A_451 = vector.bitcast %and3A_450 : vector<16xi32> to vector<16xf32>
      %add3A_452 = arith.addf %bitcast3A_447, %bitcast3A_451 : vector<16xf32>
      %neg3A_453 = arith.constant 0.000000e+00 : f32
      %neg3A_454 = vector.broadcast %neg3A_453 : f32 to vector<16xf32>
      %neg3A_455 = arith.subf %neg3A_454, %add3A_452 : vector<16xf32>
      %exp3A_456 = math.exp %neg3A_455 : vector<16xf32>
      %add3A_457 = arith.constant 1.000000e+00 : f32
      %add3A_458 = vector.broadcast %add3A_457 : f32 to vector<16xf32>
      %add3A_459 = arith.addf %add3A_458, %exp3A_456 : vector<16xf32>
      %div3A_460 = arith.constant 1.000000e+00 : f32
      %div3A_461 = vector.broadcast %div3A_460 : f32 to vector<16xf32>
      %div3A_462 = arith.divf %div3A_461, %add3A_459 : vector<16xf32>
      %swap3A_463 = arith.constant 84 : index
      %swap3A_464 = tpu.vector_load %arg9[%swap3A_463] {strides = array<i32>} : memref<250xf32, #tpu.memory_space<vmem>>, vector<16xf32>,
      tpu.vector_store %arg9[%swap3A_463], %div3A_462 {strides = array<i32>} : memref<250xf32, #tpu.memory_space<vmem>>, vector<16xf32>,
      %get3A_465 = arith.constant 2 : i32
      %get3A_466 = arith.index_cast %get3A_465 : i32 to index
      %get3A_467 = arith.constant 0 : index
      %get3A_468 = tpu.vector_load %arg7[%get3A_466, %get3A_467] {strides = array<i32>} : memref<5x50xi32, #tpu.memory_space<vmem>>, vector<16xi32>,
      %get3A_469 = arith.constant 2 : i32
      %get3A_470 = arith.index_cast %get3A_469 : i32 to index
      %get3A_471 = arith.constant 0 : index
      %get3A_472 = tpu.vector_load %arg8[%get3A_470, %get3A_471] {strides = array<i32>} : memref<5x50xi32, #tpu.memory_space<vmem>>, vector<16xi32>,
      %gather3A_473 = tpu.vector_load_idx %arg6[%get3A_468] : memref<10000xi32, #tpu.memory_space<vmem>>[vector<16xi32>], vector<16xi32>,
      %gather3A_474 = tpu.vector_load_idx %arg6[%get3A_472] : memref<10000xi32, #tpu.memory_space<vmem>>[vector<16xi32>], vector<16xi32>,
      %shift_left3A_475 = arith.constant 16 : i32
      %shift_left3A_476 = vector.broadcast %shift_left3A_475 : i32 to vector<16xi32>
      %shift_left3A_477 = arith.shli %gather3A_473, %shift_left3A_476 : vector<16xi32>
      %bitcast3A_478 = vector.bitcast %shift_left3A_477 : vector<16xi32> to vector<16xf32>
      %and3A_479 = arith.constant -65536 : i32
      %and3A_480 = vector.broadcast %and3A_479 : i32 to vector<16xi32>
      %and3A_481 = arith.andi %gather3A_474, %and3A_480 : vector<16xi32>
      %bitcast3A_482 = vector.bitcast %and3A_481 : vector<16xi32> to vector<16xf32>
      %add3A_483 = arith.addf %bitcast3A_478, %bitcast3A_482 : vector<16xf32>
      %neg3A_484 = arith.constant 0.000000e+00 : f32
      %neg3A_485 = vector.broadcast %neg3A_484 : f32 to vector<16xf32>
      %neg3A_486 = arith.subf %neg3A_485, %add3A_483 : vector<16xf32>
      %exp3A_487 = math.exp %neg3A_486 : vector<16xf32>
      %add3A_488 = arith.constant 1.000000e+00 : f32
      %add3A_489 = vector.broadcast %add3A_488 : f32 to vector<16xf32>
      %add3A_490 = arith.addf %add3A_489, %exp3A_487 : vector<16xf32>
      %div3A_491 = arith.constant 1.000000e+00 : f32
      %div3A_492 = vector.broadcast %div3A_491 : f32 to vector<16xf32>
      %div3A_493 = arith.divf %div3A_492, %add3A_490 : vector<16xf32>
      %swap3A_494 = arith.constant 100 : index
      %swap3A_495 = tpu.vector_load %arg9[%swap3A_494] {strides = array<i32>} : memref<250xf32, #tpu.memory_space<vmem>>, vector<16xf32>,
      tpu.vector_store %arg9[%swap3A_494], %div3A_493 {strides = array<i32>} : memref<250xf32, #tpu.memory_space<vmem>>, vector<16xf32>,
      %get3A_496 = arith.constant 2 : i32
      %get3A_497 = arith.index_cast %get3A_496 : i32 to index
      %get3A_498 = arith.constant 16 : index
      %get3A_499 = tpu.vector_load %arg7[%get3A_497, %get3A_498] {strides = array<i32>} : memref<5x50xi32, #tpu.memory_space<vmem>>, vector<16xi32>,
      %get3A_500 = arith.constant 2 : i32
      %get3A_501 = arith.index_cast %get3A_500 : i32 to index
      %get3A_502 = arith.constant 16 : index
      %get3A_503 = tpu.vector_load %arg8[%get3A_501, %get3A_502] {strides = array<i32>} : memref<5x50xi32, #tpu.memory_space<vmem>>, vector<16xi32>,
      %gather3A_504 = tpu.vector_load_idx %arg6[%get3A_499] : memref<10000xi32, #tpu.memory_space<vmem>>[vector<16xi32>], vector<16xi32>,
      %gather3A_505 = tpu.vector_load_idx %arg6[%get3A_503] : memref<10000xi32, #tpu.memory_space<vmem>>[vector<16xi32>], vector<16xi32>,
      %shift_left3A_506 = arith.constant 16 : i32
      %shift_left3A_507 = vector.broadcast %shift_left3A_506 : i32 to vector<16xi32>
      %shift_left3A_508 = arith.shli %gather3A_504, %shift_left3A_507 : vector<16xi32>
      %bitcast3A_509 = vector.bitcast %shift_left3A_508 : vector<16xi32> to vector<16xf32>
      %and3A_510 = arith.constant -65536 : i32
      %and3A_511 = vector.broadcast %and3A_510 : i32 to vector<16xi32>
      %and3A_512 = arith.andi %gather3A_505, %and3A_511 : vector<16xi32>
      %bitcast3A_513 = vector.bitcast %and3A_512 : vector<16xi32> to vector<16xf32>
      %add3A_514 = arith.addf %bitcast3A_509, %bitcast3A_513 : vector<16xf32>
      %neg3A_515 = arith.constant 0.000000e+00 : f32
      %neg3A_516 = vector.broadcast %neg3A_515 : f32 to vector<16xf32>
      %neg3A_517 = arith.subf %neg3A_516, %add3A_514 : vector<16xf32>
      %exp3A_518 = math.exp %neg3A_517 : vector<16xf32>
      %add3A_519 = arith.constant 1.000000e+00 : f32
      %add3A_520 = vector.broadcast %add3A_519 : f32 to vector<16xf32>
      %add3A_521 = arith.addf %add3A_520, %exp3A_518 : vector<16xf32>
      %div3A_522 = arith.constant 1.000000e+00 : f32
      %div3A_523 = vector.broadcast %div3A_522 : f32 to vector<16xf32>
      %div3A_524 = arith.divf %div3A_523, %add3A_521 : vector<16xf32>
      %swap3A_525 = arith.constant 116 : index
      %swap3A_526 = tpu.vector_load %arg9[%swap3A_525] {strides = array<i32>} : memref<250xf32, #tpu.memory_space<vmem>>, vector<16xf32>,
      tpu.vector_store %arg9[%swap3A_525], %div3A_524 {strides = array<i32>} : memref<250xf32, #tpu.memory_space<vmem>>, vector<16xf32>,
      %get3A_527 = arith.constant 2 : i32
      %get3A_528 = arith.index_cast %get3A_527 : i32 to index
      %get3A_529 = arith.constant 32 : index
      %get3A_530 = tpu.vector_load %arg7[%get3A_528, %get3A_529] {strides = array<i32>} : memref<5x50xi32, #tpu.memory_space<vmem>>, vector<16xi32>,
      %get3A_531 = arith.constant 2 : i32
      %get3A_532 = arith.index_cast %get3A_531 : i32 to index
      %get3A_533 = arith.constant 32 : index
      %get3A_534 = tpu.vector_load %arg8[%get3A_532, %get3A_533] {strides = array<i32>} : memref<5x50xi32, #tpu.memory_space<vmem>>, vector<16xi32>,
      %gather3A_535 = tpu.vector_load_idx %arg6[%get3A_530] : memref<10000xi32, #tpu.memory_space<vmem>>[vector<16xi32>], vector<16xi32>,
      %gather3A_536 = tpu.vector_load_idx %arg6[%get3A_534] : memref<10000xi32, #tpu.memory_space<vmem>>[vector<16xi32>], vector<16xi32>,
      %shift_left3A_537 = arith.constant 16 : i32
      %shift_left3A_538 = vector.broadcast %shift_left3A_537 : i32 to vector<16xi32>
      %shift_left3A_539 = arith.shli %gather3A_535, %shift_left3A_538 : vector<16xi32>
      %bitcast3A_540 = vector.bitcast %shift_left3A_539 : vector<16xi32> to vector<16xf32>
      %and3A_541 = arith.constant -65536 : i32
      %and3A_542 = vector.broadcast %and3A_541 : i32 to vector<16xi32>
      %and3A_543 = arith.andi %gather3A_536, %and3A_542 : vector<16xi32>
      %bitcast3A_544 = vector.bitcast %and3A_543 : vector<16xi32> to vector<16xf32>
      %add3A_545 = arith.addf %bitcast3A_540, %bitcast3A_544 : vector<16xf32>
      %neg3A_546 = arith.constant 0.000000e+00 : f32
      %neg3A_547 = vector.broadcast %neg3A_546 : f32 to vector<16xf32>
      %neg3A_548 = arith.subf %neg3A_547, %add3A_545 : vector<16xf32>
      %exp3A_549 = math.exp %neg3A_548 : vector<16xf32>
      %add3A_550 = arith.constant 1.000000e+00 : f32
      %add3A_551 = vector.broadcast %add3A_550 : f32 to vector<16xf32>
      %add3A_552 = arith.addf %add3A_551, %exp3A_549 : vector<16xf32>
      %div3A_553 = arith.constant 1.000000e+00 : f32
      %div3A_554 = vector.broadcast %div3A_553 : f32 to vector<16xf32>
      %div3A_555 = arith.divf %div3A_554, %add3A_552 : vector<16xf32>
      %swap3A_556 = arith.constant 132 : index
      %swap3A_557 = tpu.vector_load %arg9[%swap3A_556] {strides = array<i32>} : memref<250xf32, #tpu.memory_space<vmem>>, vector<16xf32>,
      tpu.vector_store %arg9[%swap3A_556], %div3A_555 {strides = array<i32>} : memref<250xf32, #tpu.memory_space<vmem>>, vector<16xf32>,
      %get3A_558 = arith.constant 2 : i32
      %get3A_559 = arith.index_cast %get3A_558 : i32 to index
      %get3A_560 = arith.constant 34 : index
      %get3A_561 = tpu.vector_load %arg7[%get3A_559, %get3A_560] {strides = array<i32>} : memref<5x50xi32, #tpu.memory_space<vmem>>, vector<16xi32>,
      %get3A_562 = arith.constant 2 : i32
      %get3A_563 = arith.index_cast %get3A_562 : i32 to index
      %get3A_564 = arith.constant 34 : index
      %get3A_565 = tpu.vector_load %arg8[%get3A_563, %get3A_564] {strides = array<i32>} : memref<5x50xi32, #tpu.memory_space<vmem>>, vector<16xi32>,
      %gather3A_566 = tpu.vector_load_idx %arg6[%get3A_561] : memref<10000xi32, #tpu.memory_space<vmem>>[vector<16xi32>], vector<16xi32>,
      %gather3A_567 = tpu.vector_load_idx %arg6[%get3A_565] : memref<10000xi32, #tpu.memory_space<vmem>>[vector<16xi32>], vector<16xi32>,
      %shift_left3A_568 = arith.constant 16 : i32
      %shift_left3A_569 = vector.broadcast %shift_left3A_568 : i32 to vector<16xi32>
      %shift_left3A_570 = arith.shli %gather3A_566, %shift_left3A_569 : vector<16xi32>
      %bitcast3A_571 = vector.bitcast %shift_left3A_570 : vector<16xi32> to vector<16xf32>
      %and3A_572 = arith.constant -65536 : i32
      %and3A_573 = vector.broadcast %and3A_572 : i32 to vector<16xi32>
      %and3A_574 = arith.andi %gather3A_567, %and3A_573 : vector<16xi32>
      %bitcast3A_575 = vector.bitcast %and3A_574 : vector<16xi32> to vector<16xf32>
      %add3A_576 = arith.addf %bitcast3A_571, %bitcast3A_575 : vector<16xf32>
      %neg3A_577 = arith.constant 0.000000e+00 : f32
      %neg3A_578 = vector.broadcast %neg3A_577 : f32 to vector<16xf32>
      %neg3A_579 = arith.subf %neg3A_578, %add3A_576 : vector<16xf32>
      %exp3A_580 = math.exp %neg3A_579 : vector<16xf32>
      %add3A_581 = arith.constant 1.000000e+00 : f32
      %add3A_582 = vector.broadcast %add3A_581 : f32 to vector<16xf32>
      %add3A_583 = arith.addf %add3A_582, %exp3A_580 : vector<16xf32>
      %div3A_584 = arith.constant 1.000000e+00 : f32
      %div3A_585 = vector.broadcast %div3A_584 : f32 to vector<16xf32>
      %div3A_586 = arith.divf %div3A_585, %add3A_583 : vector<16xf32>
      %swap3A_587 = arith.constant 134 : index
      %swap3A_588 = tpu.vector_load %arg9[%swap3A_587] {strides = array<i32>} : memref<250xf32, #tpu.memory_space<vmem>>, vector<16xf32>,
      tpu.vector_store %arg9[%swap3A_587], %div3A_586 {strides = array<i32>} : memref<250xf32, #tpu.memory_space<vmem>>, vector<16xf32>,
      %get3A_589 = arith.constant 3 : i32
      %get3A_590 = arith.index_cast %get3A_589 : i32 to index
      %get3A_591 = arith.constant 0 : index
      %get3A_592 = tpu.vector_load %arg7[%get3A_590, %get3A_591] {strides = array<i32>} : memref<5x50xi32, #tpu.memory_space<vmem>>, vector<16xi32>,
      %get3A_593 = arith.constant 3 : i32
      %get3A_594 = arith.index_cast %get3A_593 : i32 to index
      %get3A_595 = arith.constant 0 : index
      %get3A_596 = tpu.vector_load %arg8[%get3A_594, %get3A_595] {strides = array<i32>} : memref<5x50xi32, #tpu.memory_space<vmem>>, vector<16xi32>,
      %gather3A_597 = tpu.vector_load_idx %arg6[%get3A_592] : memref<10000xi32, #tpu.memory_space<vmem>>[vector<16xi32>], vector<16xi32>,
      %gather3A_598 = tpu.vector_load_idx %arg6[%get3A_596] : memref<10000xi32, #tpu.memory_space<vmem>>[vector<16xi32>], vector<16xi32>,
      %shift_left3A_599 = arith.constant 16 : i32
      %shift_left3A_600 = vector.broadcast %shift_left3A_599 : i32 to vector<16xi32>
      %shift_left3A_601 = arith.shli %gather3A_597, %shift_left3A_600 : vector<16xi32>
      %bitcast3A_602 = vector.bitcast %shift_left3A_601 : vector<16xi32> to vector<16xf32>
      %and3A_603 = arith.constant -65536 : i32
      %and3A_604 = vector.broadcast %and3A_603 : i32 to vector<16xi32>
      %and3A_605 = arith.andi %gather3A_598, %and3A_604 : vector<16xi32>
      %bitcast3A_606 = vector.bitcast %and3A_605 : vector<16xi32> to vector<16xf32>
      %add3A_607 = arith.addf %bitcast3A_602, %bitcast3A_606 : vector<16xf32>
      %neg3A_608 = arith.constant 0.000000e+00 : f32
      %neg3A_609 = vector.broadcast %neg3A_608 : f32 to vector<16xf32>
      %neg3A_610 = arith.subf %neg3A_609, %add3A_607 : vector<16xf32>
      %exp3A_611 = math.exp %neg3A_610 : vector<16xf32>
      %add3A_612 = arith.constant 1.000000e+00 : f32
      %add3A_613 = vector.broadcast %add3A_612 : f32 to vector<16xf32>
      %add3A_614 = arith.addf %add3A_613, %exp3A_611 : vector<16xf32>
      %div3A_615 = arith.constant 1.000000e+00 : f32
      %div3A_616 = vector.broadcast %div3A_615 : f32 to vector<16xf32>
      %div3A_617 = arith.divf %div3A_616, %add3A_614 : vector<16xf32>
      %swap3A_618 = arith.constant 150 : index
      %swap3A_619 = tpu.vector_load %arg9[%swap3A_618] {strides = array<i32>} : memref<250xf32, #tpu.memory_space<vmem>>, vector<16xf32>,
      tpu.vector_store %arg9[%swap3A_618], %div3A_617 {strides = array<i32>} : memref<250xf32, #tpu.memory_space<vmem>>, vector<16xf32>,
      %get3A_620 = arith.constant 3 : i32
      %get3A_621 = arith.index_cast %get3A_620 : i32 to index
      %get3A_622 = arith.constant 16 : index
      %get3A_623 = tpu.vector_load %arg7[%get3A_621, %get3A_622] {strides = array<i32>} : memref<5x50xi32, #tpu.memory_space<vmem>>, vector<16xi32>,
      %get3A_624 = arith.constant 3 : i32
      %get3A_625 = arith.index_cast %get3A_624 : i32 to index
      %get3A_626 = arith.constant 16 : index
      %get3A_627 = tpu.vector_load %arg8[%get3A_625, %get3A_626] {strides = array<i32>} : memref<5x50xi32, #tpu.memory_space<vmem>>, vector<16xi32>,
      %gather3A_628 = tpu.vector_load_idx %arg6[%get3A_623] : memref<10000xi32, #tpu.memory_space<vmem>>[vector<16xi32>], vector<16xi32>,
      %gather3A_629 = tpu.vector_load_idx %arg6[%get3A_627] : memref<10000xi32, #tpu.memory_space<vmem>>[vector<16xi32>], vector<16xi32>,
      %shift_left3A_630 = arith.constant 16 : i32
      %shift_left3A_631 = vector.broadcast %shift_left3A_630 : i32 to vector<16xi32>
      %shift_left3A_632 = arith.shli %gather3A_628, %shift_left3A_631 : vector<16xi32>
      %bitcast3A_633 = vector.bitcast %shift_left3A_632 : vector<16xi32> to vector<16xf32>
      %and3A_634 = arith.constant -65536 : i32
      %and3A_635 = vector.broadcast %and3A_634 : i32 to vector<16xi32>
      %and3A_636 = arith.andi %gather3A_629, %and3A_635 : vector<16xi32>
      %bitcast3A_637 = vector.bitcast %and3A_636 : vector<16xi32> to vector<16xf32>
      %add3A_638 = arith.addf %bitcast3A_633, %bitcast3A_637 : vector<16xf32>
      %neg3A_639 = arith.constant 0.000000e+00 : f32
      %neg3A_640 = vector.broadcast %neg3A_639 : f32 to vector<16xf32>
      %neg3A_641 = arith.subf %neg3A_640, %add3A_638 : vector<16xf32>
      %exp3A_642 = math.exp %neg3A_641 : vector<16xf32>
      %add3A_643 = arith.constant 1.000000e+00 : f32
      %add3A_644 = vector.broadcast %add3A_643 : f32 to vector<16xf32>
      %add3A_645 = arith.addf %add3A_644, %exp3A_642 : vector<16xf32>
      %div3A_646 = arith.constant 1.000000e+00 : f32
      %div3A_647 = vector.broadcast %div3A_646 : f32 to vector<16xf32>
      %div3A_648 = arith.divf %div3A_647, %add3A_645 : vector<16xf32>
      %swap3A_649 = arith.constant 166 : index
      %swap3A_650 = tpu.vector_load %arg9[%swap3A_649] {strides = array<i32>} : memref<250xf32, #tpu.memory_space<vmem>>, vector<16xf32>,
      tpu.vector_store %arg9[%swap3A_649], %div3A_648 {strides = array<i32>} : memref<250xf32, #tpu.memory_space<vmem>>, vector<16xf32>,
      %get3A_651 = arith.constant 3 : i32
      %get3A_652 = arith.index_cast %get3A_651 : i32 to index
      %get3A_653 = arith.constant 32 : index
      %get3A_654 = tpu.vector_load %arg7[%get3A_652, %get3A_653] {strides = array<i32>} : memref<5x50xi32, #tpu.memory_space<vmem>>, vector<16xi32>,
      %get3A_655 = arith.constant 3 : i32
      %get3A_656 = arith.index_cast %get3A_655 : i32 to index
      %get3A_657 = arith.constant 32 : index
      %get3A_658 = tpu.vector_load %arg8[%get3A_656, %get3A_657] {strides = array<i32>} : memref<5x50xi32, #tpu.memory_space<vmem>>, vector<16xi32>,
      %gather3A_659 = tpu.vector_load_idx %arg6[%get3A_654] : memref<10000xi32, #tpu.memory_space<vmem>>[vector<16xi32>], vector<16xi32>,
      %gather3A_660 = tpu.vector_load_idx %arg6[%get3A_658] : memref<10000xi32, #tpu.memory_space<vmem>>[vector<16xi32>], vector<16xi32>,
      %shift_left3A_661 = arith.constant 16 : i32
      %shift_left3A_662 = vector.broadcast %shift_left3A_661 : i32 to vector<16xi32>
      %shift_left3A_663 = arith.shli %gather3A_659, %shift_left3A_662 : vector<16xi32>
      %bitcast3A_664 = vector.bitcast %shift_left3A_663 : vector<16xi32> to vector<16xf32>
      %and3A_665 = arith.constant -65536 : i32
      %and3A_666 = vector.broadcast %and3A_665 : i32 to vector<16xi32>
      %and3A_667 = arith.andi %gather3A_660, %and3A_666 : vector<16xi32>
      %bitcast3A_668 = vector.bitcast %and3A_667 : vector<16xi32> to vector<16xf32>
      %add3A_669 = arith.addf %bitcast3A_664, %bitcast3A_668 : vector<16xf32>
      %neg3A_670 = arith.constant 0.000000e+00 : f32
      %neg3A_671 = vector.broadcast %neg3A_670 : f32 to vector<16xf32>
      %neg3A_672 = arith.subf %neg3A_671, %add3A_669 : vector<16xf32>
      %exp3A_673 = math.exp %neg3A_672 : vector<16xf32>
      %add3A_674 = arith.constant 1.000000e+00 : f32
      %add3A_675 = vector.broadcast %add3A_674 : f32 to vector<16xf32>
      %add3A_676 = arith.addf %add3A_675, %exp3A_673 : vector<16xf32>
      %div3A_677 = arith.constant 1.000000e+00 : f32
      %div3A_678 = vector.broadcast %div3A_677 : f32 to vector<16xf32>
      %div3A_679 = arith.divf %div3A_678, %add3A_676 : vector<16xf32>
      %swap3A_680 = arith.constant 182 : index
      %swap3A_681 = tpu.vector_load %arg9[%swap3A_680] {strides = array<i32>} : memref<250xf32, #tpu.memory_space<vmem>>, vector<16xf32>,
      tpu.vector_store %arg9[%swap3A_680], %div3A_679 {strides = array<i32>} : memref<250xf32, #tpu.memory_space<vmem>>, vector<16xf32>,
      %get3A_682 = arith.constant 3 : i32
      %get3A_683 = arith.index_cast %get3A_682 : i32 to index
      %get3A_684 = arith.constant 34 : index
      %get3A_685 = tpu.vector_load %arg7[%get3A_683, %get3A_684] {strides = array<i32>} : memref<5x50xi32, #tpu.memory_space<vmem>>, vector<16xi32>,
      %get3A_686 = arith.constant 3 : i32
      %get3A_687 = arith.index_cast %get3A_686 : i32 to index
      %get3A_688 = arith.constant 34 : index
      %get3A_689 = tpu.vector_load %arg8[%get3A_687, %get3A_688] {strides = array<i32>} : memref<5x50xi32, #tpu.memory_space<vmem>>, vector<16xi32>,
      %gather3A_690 = tpu.vector_load_idx %arg6[%get3A_685] : memref<10000xi32, #tpu.memory_space<vmem>>[vector<16xi32>], vector<16xi32>,
      %gather3A_691 = tpu.vector_load_idx %arg6[%get3A_689] : memref<10000xi32, #tpu.memory_space<vmem>>[vector<16xi32>], vector<16xi32>,
      %shift_left3A_692 = arith.constant 16 : i32
      %shift_left3A_693 = vector.broadcast %shift_left3A_692 : i32 to vector<16xi32>
      %shift_left3A_694 = arith.shli %gather3A_690, %shift_left3A_693 : vector<16xi32>
      %bitcast3A_695 = vector.bitcast %shift_left3A_694 : vector<16xi32> to vector<16xf32>
      %and3A_696 = arith.constant -65536 : i32
      %and3A_697 = vector.broadcast %and3A_696 : i32 to vector<16xi32>
      %and3A_698 = arith.andi %gather3A_691, %and3A_697 : vector<16xi32>
      %bitcast3A_699 = vector.bitcast %and3A_698 : vector<16xi32> to vector<16xf32>
      %add3A_700 = arith.addf %bitcast3A_695, %bitcast3A_699 : vector<16xf32>
      %neg3A_701 = arith.constant 0.000000e+00 : f32
      %neg3A_702 = vector.broadcast %neg3A_701 : f32 to vector<16xf32>
      %neg3A_703 = arith.subf %neg3A_702, %add3A_700 : vector<16xf32>
      %exp3A_704 = math.exp %neg3A_703 : vector<16xf32>
      %add3A_705 = arith.constant 1.000000e+00 : f32
      %add3A_706 = vector.broadcast %add3A_705 : f32 to vector<16xf32>
      %add3A_707 = arith.addf %add3A_706, %exp3A_704 : vector<16xf32>
      %div3A_708 = arith.constant 1.000000e+00 : f32
      %div3A_709 = vector.broadcast %div3A_708 : f32 to vector<16xf32>
      %div3A_710 = arith.divf %div3A_709, %add3A_707 : vector<16xf32>
      %swap3A_711 = arith.constant 184 : index
      %swap3A_712 = tpu.vector_load %arg9[%swap3A_711] {strides = array<i32>} : memref<250xf32, #tpu.memory_space<vmem>>, vector<16xf32>,
      tpu.vector_store %arg9[%swap3A_711], %div3A_710 {strides = array<i32>} : memref<250xf32, #tpu.memory_space<vmem>>, vector<16xf32>,
      %get3A_713 = arith.constant 4 : i32
      %get3A_714 = arith.index_cast %get3A_713 : i32 to index
      %get3A_715 = arith.constant 0 : index
      %get3A_716 = tpu.vector_load %arg7[%get3A_714, %get3A_715] {strides = array<i32>} : memref<5x50xi32, #tpu.memory_space<vmem>>, vector<16xi32>,
      %get3A_717 = arith.constant 4 : i32
      %get3A_718 = arith.index_cast %get3A_717 : i32 to index
      %get3A_719 = arith.constant 0 : index
      %get3A_720 = tpu.vector_load %arg8[%get3A_718, %get3A_719] {strides = array<i32>} : memref<5x50xi32, #tpu.memory_space<vmem>>, vector<16xi32>,
      %gather3A_721 = tpu.vector_load_idx %arg6[%get3A_716] : memref<10000xi32, #tpu.memory_space<vmem>>[vector<16xi32>], vector<16xi32>,
      %gather3A_722 = tpu.vector_load_idx %arg6[%get3A_720] : memref<10000xi32, #tpu.memory_space<vmem>>[vector<16xi32>], vector<16xi32>,
      %shift_left3A_723 = arith.constant 16 : i32
      %shift_left3A_724 = vector.broadcast %shift_left3A_723 : i32 to vector<16xi32>
      %shift_left3A_725 = arith.shli %gather3A_721, %shift_left3A_724 : vector<16xi32>
      %bitcast3A_726 = vector.bitcast %shift_left3A_725 : vector<16xi32> to vector<16xf32>
      %and3A_727 = arith.constant -65536 : i32
      %and3A_728 = vector.broadcast %and3A_727 : i32 to vector<16xi32>
      %and3A_729 = arith.andi %gather3A_722, %and3A_728 : vector<16xi32>
      %bitcast3A_730 = vector.bitcast %and3A_729 : vector<16xi32> to vector<16xf32>
      %add3A_731 = arith.addf %bitcast3A_726, %bitcast3A_730 : vector<16xf32>
      %neg3A_732 = arith.constant 0.000000e+00 : f32
      %neg3A_733 = vector.broadcast %neg3A_732 : f32 to vector<16xf32>
      %neg3A_734 = arith.subf %neg3A_733, %add3A_731 : vector<16xf32>
      %exp3A_735 = math.exp %neg3A_734 : vector<16xf32>
      %add3A_736 = arith.constant 1.000000e+00 : f32
      %add3A_737 = vector.broadcast %add3A_736 : f32 to vector<16xf32>
      %add3A_738 = arith.addf %add3A_737, %exp3A_735 : vector<16xf32>
      %div3A_739 = arith.constant 1.000000e+00 : f32
      %div3A_740 = vector.broadcast %div3A_739 : f32 to vector<16xf32>
      %div3A_741 = arith.divf %div3A_740, %add3A_738 : vector<16xf32>
      %swap3A_742 = arith.constant 200 : index
      %swap3A_743 = tpu.vector_load %arg9[%swap3A_742] {strides = array<i32>} : memref<250xf32, #tpu.memory_space<vmem>>, vector<16xf32>,
      tpu.vector_store %arg9[%swap3A_742], %div3A_741 {strides = array<i32>} : memref<250xf32, #tpu.memory_space<vmem>>, vector<16xf32>,
      %get3A_744 = arith.constant 4 : i32
      %get3A_745 = arith.index_cast %get3A_744 : i32 to index
      %get3A_746 = arith.constant 16 : index
      %get3A_747 = tpu.vector_load %arg7[%get3A_745, %get3A_746] {strides = array<i32>} : memref<5x50xi32, #tpu.memory_space<vmem>>, vector<16xi32>,
      %get3A_748 = arith.constant 4 : i32
      %get3A_749 = arith.index_cast %get3A_748 : i32 to index
      %get3A_750 = arith.constant 16 : index
      %get3A_751 = tpu.vector_load %arg8[%get3A_749, %get3A_750] {strides = array<i32>} : memref<5x50xi32, #tpu.memory_space<vmem>>, vector<16xi32>,
      %gather3A_752 = tpu.vector_load_idx %arg6[%get3A_747] : memref<10000xi32, #tpu.memory_space<vmem>>[vector<16xi32>], vector<16xi32>,
      %gather3A_753 = tpu.vector_load_idx %arg6[%get3A_751] : memref<10000xi32, #tpu.memory_space<vmem>>[vector<16xi32>], vector<16xi32>,
      %shift_left3A_754 = arith.constant 16 : i32
      %shift_left3A_755 = vector.broadcast %shift_left3A_754 : i32 to vector<16xi32>
      %shift_left3A_756 = arith.shli %gather3A_752, %shift_left3A_755 : vector<16xi32>
      %bitcast3A_757 = vector.bitcast %shift_left3A_756 : vector<16xi32> to vector<16xf32>
      %and3A_758 = arith.constant -65536 : i32
      %and3A_759 = vector.broadcast %and3A_758 : i32 to vector<16xi32>
      %and3A_760 = arith.andi %gather3A_753, %and3A_759 : vector<16xi32>
      %bitcast3A_761 = vector.bitcast %and3A_760 : vector<16xi32> to vector<16xf32>
      %add3A_762 = arith.addf %bitcast3A_757, %bitcast3A_761 : vector<16xf32>
      %neg3A_763 = arith.constant 0.000000e+00 : f32
      %neg3A_764 = vector.broadcast %neg3A_763 : f32 to vector<16xf32>
      %neg3A_765 = arith.subf %neg3A_764, %add3A_762 : vector<16xf32>
      %exp3A_766 = math.exp %neg3A_765 : vector<16xf32>
      %add3A_767 = arith.constant 1.000000e+00 : f32
      %add3A_768 = vector.broadcast %add3A_767 : f32 to vector<16xf32>
      %add3A_769 = arith.addf %add3A_768, %exp3A_766 : vector<16xf32>
      %div3A_770 = arith.constant 1.000000e+00 : f32
      %div3A_771 = vector.broadcast %div3A_770 : f32 to vector<16xf32>
      %div3A_772 = arith.divf %div3A_771, %add3A_769 : vector<16xf32>
      %swap3A_773 = arith.constant 216 : index
      %swap3A_774 = tpu.vector_load %arg9[%swap3A_773] {strides = array<i32>} : memref<250xf32, #tpu.memory_space<vmem>>, vector<16xf32>,
      tpu.vector_store %arg9[%swap3A_773], %div3A_772 {strides = array<i32>} : memref<250xf32, #tpu.memory_space<vmem>>, vector<16xf32>,
      %get3A_775 = arith.constant 4 : i32
      %get3A_776 = arith.index_cast %get3A_775 : i32 to index
      %get3A_777 = arith.constant 32 : index
      %get3A_778 = tpu.vector_load %arg7[%get3A_776, %get3A_777] {strides = array<i32>} : memref<5x50xi32, #tpu.memory_space<vmem>>, vector<16xi32>,
      %get3A_779 = arith.constant 4 : i32
      %get3A_780 = arith.index_cast %get3A_779 : i32 to index
      %get3A_781 = arith.constant 32 : index
      %get3A_782 = tpu.vector_load %arg8[%get3A_780, %get3A_781] {strides = array<i32>} : memref<5x50xi32, #tpu.memory_space<vmem>>, vector<16xi32>,
      %gather3A_783 = tpu.vector_load_idx %arg6[%get3A_778] : memref<10000xi32, #tpu.memory_space<vmem>>[vector<16xi32>], vector<16xi32>,
      %gather3A_784 = tpu.vector_load_idx %arg6[%get3A_782] : memref<10000xi32, #tpu.memory_space<vmem>>[vector<16xi32>], vector<16xi32>,
      %shift_left3A_785 = arith.constant 16 : i32
      %shift_left3A_786 = vector.broadcast %shift_left3A_785 : i32 to vector<16xi32>
      %shift_left3A_787 = arith.shli %gather3A_783, %shift_left3A_786 : vector<16xi32>
      %bitcast3A_788 = vector.bitcast %shift_left3A_787 : vector<16xi32> to vector<16xf32>
      %and3A_789 = arith.constant -65536 : i32
      %and3A_790 = vector.broadcast %and3A_789 : i32 to vector<16xi32>
      %and3A_791 = arith.andi %gather3A_784, %and3A_790 : vector<16xi32>
      %bitcast3A_792 = vector.bitcast %and3A_791 : vector<16xi32> to vector<16xf32>
      %add3A_793 = arith.addf %bitcast3A_788, %bitcast3A_792 : vector<16xf32>
      %neg3A_794 = arith.constant 0.000000e+00 : f32
      %neg3A_795 = vector.broadcast %neg3A_794 : f32 to vector<16xf32>
      %neg3A_796 = arith.subf %neg3A_795, %add3A_793 : vector<16xf32>
      %exp3A_797 = math.exp %neg3A_796 : vector<16xf32>
      %add3A_798 = arith.constant 1.000000e+00 : f32
      %add3A_799 = vector.broadcast %add3A_798 : f32 to vector<16xf32>
      %add3A_800 = arith.addf %add3A_799, %exp3A_797 : vector<16xf32>
      %div3A_801 = arith.constant 1.000000e+00 : f32
      %div3A_802 = vector.broadcast %div3A_801 : f32 to vector<16xf32>
      %div3A_803 = arith.divf %div3A_802, %add3A_800 : vector<16xf32>
      %swap3A_804 = arith.constant 232 : index
      %swap3A_805 = tpu.vector_load %arg9[%swap3A_804] {strides = array<i32>} : memref<250xf32, #tpu.memory_space<vmem>>, vector<16xf32>,
      tpu.vector_store %arg9[%swap3A_804], %div3A_803 {strides = array<i32>} : memref<250xf32, #tpu.memory_space<vmem>>, vector<16xf32>,
      %get3A_806 = arith.constant 4 : i32
      %get3A_807 = arith.index_cast %get3A_806 : i32 to index
      %get3A_808 = arith.constant 34 : index
      %get3A_809 = tpu.vector_load %arg7[%get3A_807, %get3A_808] {strides = array<i32>} : memref<5x50xi32, #tpu.memory_space<vmem>>, vector<16xi32>,
      %get3A_810 = arith.constant 4 : i32
      %get3A_811 = arith.index_cast %get3A_810 : i32 to index
      %get3A_812 = arith.constant 34 : index
      %get3A_813 = tpu.vector_load %arg8[%get3A_811, %get3A_812] {strides = array<i32>} : memref<5x50xi32, #tpu.memory_space<vmem>>, vector<16xi32>,
      %gather3A_814 = tpu.vector_load_idx %arg6[%get3A_809] : memref<10000xi32, #tpu.memory_space<vmem>>[vector<16xi32>], vector<16xi32>,
      %gather3A_815 = tpu.vector_load_idx %arg6[%get3A_813] : memref<10000xi32, #tpu.memory_space<vmem>>[vector<16xi32>], vector<16xi32>,
      %shift_left3A_816 = arith.constant 16 : i32
      %shift_left3A_817 = vector.broadcast %shift_left3A_816 : i32 to vector<16xi32>
      %shift_left3A_818 = arith.shli %gather3A_814, %shift_left3A_817 : vector<16xi32>
      %bitcast3A_819 = vector.bitcast %shift_left3A_818 : vector<16xi32> to vector<16xf32>
      %and3A_820 = arith.constant -65536 : i32
      %and3A_821 = vector.broadcast %and3A_820 : i32 to vector<16xi32>
      %and3A_822 = arith.andi %gather3A_815, %and3A_821 : vector<16xi32>
      %bitcast3A_823 = vector.bitcast %and3A_822 : vector<16xi32> to vector<16xf32>
      %add3A_824 = arith.addf %bitcast3A_819, %bitcast3A_823 : vector<16xf32>
      %neg3A_825 = arith.constant 0.000000e+00 : f32
      %neg3A_826 = vector.broadcast %neg3A_825 : f32 to vector<16xf32>
      %neg3A_827 = arith.subf %neg3A_826, %add3A_824 : vector<16xf32>
      %exp3A_828 = math.exp %neg3A_827 : vector<16xf32>
      %add3A_829 = arith.constant 1.000000e+00 : f32
      %add3A_830 = vector.broadcast %add3A_829 : f32 to vector<16xf32>
      %add3A_831 = arith.addf %add3A_830, %exp3A_828 : vector<16xf32>
      %div3A_832 = arith.constant 1.000000e+00 : f32
      %div3A_833 = vector.broadcast %div3A_832 : f32 to vector<16xf32>
      %div3A_834 = arith.divf %div3A_833, %add3A_831 : vector<16xf32>
      %swap3A_835 = arith.constant 234 : index
      %swap3A_836 = tpu.vector_load %arg9[%swap3A_835] {strides = array<i32>} : memref<250xf32, #tpu.memory_space<vmem>>, vector<16xf32>,
      tpu.vector_store %arg9[%swap3A_835], %div3A_834 {strides = array<i32>} : memref<250xf32, #tpu.memory_space<vmem>>, vector<16xf32>,
      %dma_wait3A_837 = arith.constant 0 : i32
      %dma_wait3A_838 = arith.constant 0 : i32
      %dma_wait3A_839 = tpu.memref_slice %arg7[%dma_wait3A_837, %dma_wait3A_838] : memref<5x50xi32, #tpu.memory_space<vmem>> -> memref<1x50xi32, #tpu.memory_space<vmem>>
      %dma_wait3A_840 = tpu.memref_squeeze %dma_wait3A_839 : memref<1x50xi32, #tpu.memory_space<vmem>> -> memref<50xi32, #tpu.memory_space<vmem>>
      %dma_wait3A_841 = arith.constant 0 : i32
      %dma_wait3A_842 = arith.constant 0 : i32
      %dma_wait3A_843 = tpu.memref_slice %arg2[%dma_wait3A_841, %dma_wait3A_842] : memref<10000x128xf32, #tpu.memory_space<hbm>> -> memref<10000x128xf32, #tpu.memory_space<hbm>>
      tpu.wait_indirect_dma semaphore(%arg15 : memref<!tpu.dma_semaphore, #tpu.memory_space<semaphore_mem>>) src(%dma_wait3A_843 : memref<10000x128xf32, #tpu.memory_space<hbm>>) dst(%arg10 : memref<50x128xf32, #tpu.memory_space<vmem>>)
      %parallel_loop3A = arith.constant 0 : i32
      %parallel_loop3A_844 = arith.constant 50 : i32
      %parallel_loop3A_845 = arith.constant 1 : i32
      scf.for %parallel_loop3A_960 = %parallel_loop3A to %parallel_loop3A_844 step %parallel_loop3A_845  : i32 {
        %parallel_loop3A_961 = arith.constant 0 : i32
        %parallel_loop3A_962 = arith.addi %parallel_loop3A_961, %parallel_loop3A_960 : i32
        %parallel_loop3A_963 = vector.broadcast %parallel_loop3A_962 : i32 to vector<16xi32>
        %parallel_loop3A_964 = tpu.vector_load_idx %arg9[%parallel_loop3A_963] : memref<250xf32, #tpu.memory_space<vmem>>[vector<16xi32>], vector<16xf32>,
        %parallel_loop3A_965 = arith.index_cast %parallel_loop3A_960 : i32 to index
        %parallel_loop3A_966 = arith.constant 0 : index
        %parallel_loop3A_967 = tpu.vector_load %arg10[%parallel_loop3A_965, %parallel_loop3A_966] {strides = array<i32>} : memref<50x128xf32, #tpu.memory_space<vmem>>, vector<16xf32>,
        %parallel_loop3A_968 = arith.mulf %parallel_loop3A_967, %parallel_loop3A_964 : vector<16xf32>
        %parallel_loop3A_969 = arith.index_cast %parallel_loop3A_960 : i32 to index
        %parallel_loop3A_970 = arith.constant 0 : index
        %parallel_loop3A_971 = tpu.vector_load %arg10[%parallel_loop3A_969, %parallel_loop3A_970] {strides = array<i32>} : memref<50x128xf32, #tpu.memory_space<vmem>>, vector<16xf32>,
        tpu.vector_store %arg10[%parallel_loop3A_969, %parallel_loop3A_970], %parallel_loop3A_968 {strides = array<i32>} : memref<50x128xf32, #tpu.memory_space<vmem>>, vector<16xf32>,
        %parallel_loop3A_972 = arith.index_cast %parallel_loop3A_960 : i32 to index
        %parallel_loop3A_973 = arith.constant 16 : index
        %parallel_loop3A_974 = tpu.vector_load %arg10[%parallel_loop3A_972, %parallel_loop3A_973] {strides = array<i32>} : memref<50x128xf32, #tpu.memory_space<vmem>>, vector<16xf32>,
        %parallel_loop3A_975 = arith.mulf %parallel_loop3A_974, %parallel_loop3A_964 : vector<16xf32>
        %parallel_loop3A_976 = arith.index_cast %parallel_loop3A_960 : i32 to index
        %parallel_loop3A_977 = arith.constant 16 : index
        %parallel_loop3A_978 = tpu.vector_load %arg10[%parallel_loop3A_976, %parallel_loop3A_977] {strides = array<i32>} : memref<50x128xf32, #tpu.memory_space<vmem>>, vector<16xf32>,
        tpu.vector_store %arg10[%parallel_loop3A_976, %parallel_loop3A_977], %parallel_loop3A_975 {strides = array<i32>} : memref<50x128xf32, #tpu.memory_space<vmem>>, vector<16xf32>,
        %parallel_loop3A_979 = arith.index_cast %parallel_loop3A_960 : i32 to index
        %parallel_loop3A_980 = arith.constant 32 : index
        %parallel_loop3A_981 = tpu.vector_load %arg10[%parallel_loop3A_979, %parallel_loop3A_980] {strides = array<i32>} : memref<50x128xf32, #tpu.memory_space<vmem>>, vector<16xf32>,
        %parallel_loop3A_982 = arith.mulf %parallel_loop3A_981, %parallel_loop3A_964 : vector<16xf32>
        %parallel_loop3A_983 = arith.index_cast %parallel_loop3A_960 : i32 to index
        %parallel_loop3A_984 = arith.constant 32 : index
        %parallel_loop3A_985 = tpu.vector_load %arg10[%parallel_loop3A_983, %parallel_loop3A_984] {strides = array<i32>} : memref<50x128xf32, #tpu.memory_space<vmem>>, vector<16xf32>,
        tpu.vector_store %arg10[%parallel_loop3A_983, %parallel_loop3A_984], %parallel_loop3A_982 {strides = array<i32>} : memref<50x128xf32, #tpu.memory_space<vmem>>, vector<16xf32>,
        %parallel_loop3A_986 = arith.index_cast %parallel_loop3A_960 : i32 to index
        %parallel_loop3A_987 = arith.constant 48 : index
        %parallel_loop3A_988 = tpu.vector_load %arg10[%parallel_loop3A_986, %parallel_loop3A_987] {strides = array<i32>} : memref<50x128xf32, #tpu.memory_space<vmem>>, vector<16xf32>,
        %parallel_loop3A_989 = arith.mulf %parallel_loop3A_988, %parallel_loop3A_964 : vector<16xf32>
        %parallel_loop3A_990 = arith.index_cast %parallel_loop3A_960 : i32 to index
        %parallel_loop3A_991 = arith.constant 48 : index
        %parallel_loop3A_992 = tpu.vector_load %arg10[%parallel_loop3A_990, %parallel_loop3A_991] {strides = array<i32>} : memref<50x128xf32, #tpu.memory_space<vmem>>, vector<16xf32>,
        tpu.vector_store %arg10[%parallel_loop3A_990, %parallel_loop3A_991], %parallel_loop3A_989 {strides = array<i32>} : memref<50x128xf32, #tpu.memory_space<vmem>>, vector<16xf32>,
        %parallel_loop3A_993 = arith.index_cast %parallel_loop3A_960 : i32 to index
        %parallel_loop3A_994 = arith.constant 64 : index
        %parallel_loop3A_995 = tpu.vector_load %arg10[%parallel_loop3A_993, %parallel_loop3A_994] {strides = array<i32>} : memref<50x128xf32, #tpu.memory_space<vmem>>, vector<16xf32>,
        %parallel_loop3A_996 = arith.mulf %parallel_loop3A_995, %parallel_loop3A_964 : vector<16xf32>
        %parallel_loop3A_997 = arith.index_cast %parallel_loop3A_960 : i32 to index
        %parallel_loop3A_998 = arith.constant 64 : index
        %parallel_loop3A_999 = tpu.vector_load %arg10[%parallel_loop3A_997, %parallel_loop3A_998] {strides = array<i32>} : memref<50x128xf32, #tpu.memory_space<vmem>>, vector<16xf32>,
        tpu.vector_store %arg10[%parallel_loop3A_997, %parallel_loop3A_998], %parallel_loop3A_996 {strides = array<i32>} : memref<50x128xf32, #tpu.memory_space<vmem>>, vector<16xf32>,
        %parallel_loop3A_1000 = arith.index_cast %parallel_loop3A_960 : i32 to index
        %parallel_loop3A_1001 = arith.constant 80 : index
        %parallel_loop3A_1002 = tpu.vector_load %arg10[%parallel_loop3A_1000, %parallel_loop3A_1001] {strides = array<i32>} : memref<50x128xf32, #tpu.memory_space<vmem>>, vector<16xf32>,
        %parallel_loop3A_1003 = arith.mulf %parallel_loop3A_1002, %parallel_loop3A_964 : vector<16xf32>
        %parallel_loop3A_1004 = arith.index_cast %parallel_loop3A_960 : i32 to index
        %parallel_loop3A_1005 = arith.constant 80 : index
        %parallel_loop3A_1006 = tpu.vector_load %arg10[%parallel_loop3A_1004, %parallel_loop3A_1005] {strides = array<i32>} : memref<50x128xf32, #tpu.memory_space<vmem>>, vector<16xf32>,
        tpu.vector_store %arg10[%parallel_loop3A_1004, %parallel_loop3A_1005], %parallel_loop3A_1003 {strides = array<i32>} : memref<50x128xf32, #tpu.memory_space<vmem>>, vector<16xf32>,
        %parallel_loop3A_1007 = arith.index_cast %parallel_loop3A_960 : i32 to index
        %parallel_loop3A_1008 = arith.constant 96 : index
        %parallel_loop3A_1009 = tpu.vector_load %arg10[%parallel_loop3A_1007, %parallel_loop3A_1008] {strides = array<i32>} : memref<50x128xf32, #tpu.memory_space<vmem>>, vector<16xf32>,
        %parallel_loop3A_1010 = arith.mulf %parallel_loop3A_1009, %parallel_loop3A_964 : vector<16xf32>
        %parallel_loop3A_1011 = arith.index_cast %parallel_loop3A_960 : i32 to index
        %parallel_loop3A_1012 = arith.constant 96 : index
        %parallel_loop3A_1013 = tpu.vector_load %arg10[%parallel_loop3A_1011, %parallel_loop3A_1012] {strides = array<i32>} : memref<50x128xf32, #tpu.memory_space<vmem>>, vector<16xf32>,
        tpu.vector_store %arg10[%parallel_loop3A_1011, %parallel_loop3A_1012], %parallel_loop3A_1010 {strides = array<i32>} : memref<50x128xf32, #tpu.memory_space<vmem>>, vector<16xf32>,
        %parallel_loop3A_1014 = arith.index_cast %parallel_loop3A_960 : i32 to index
        %parallel_loop3A_1015 = arith.constant 112 : index
        %parallel_loop3A_1016 = tpu.vector_load %arg10[%parallel_loop3A_1014, %parallel_loop3A_1015] {strides = array<i32>} : memref<50x128xf32, #tpu.memory_space<vmem>>, vector<16xf32>,
        %parallel_loop3A_1017 = arith.mulf %parallel_loop3A_1016, %parallel_loop3A_964 : vector<16xf32>
        %parallel_loop3A_1018 = arith.index_cast %parallel_loop3A_960 : i32 to index
        %parallel_loop3A_1019 = arith.constant 112 : index
        %parallel_loop3A_1020 = tpu.vector_load %arg10[%parallel_loop3A_1018, %parallel_loop3A_1019] {strides = array<i32>} : memref<50x128xf32, #tpu.memory_space<vmem>>, vector<16xf32>,
        tpu.vector_store %arg10[%parallel_loop3A_1018, %parallel_loop3A_1019], %parallel_loop3A_1017 {strides = array<i32>} : memref<50x128xf32, #tpu.memory_space<vmem>>, vector<16xf32>,
      } {sc.loop_unroll_factor = 4 : i64, sc.parallel_access}
      %dma_start3A_846 = arith.constant 0 : i32
      %dma_start3A_847 = arith.constant 0 : i32
      %dma_start3A_848 = tpu.memref_slice %arg8[%dma_start3A_846, %dma_start3A_847] : memref<5x50xi32, #tpu.memory_space<vmem>> -> memref<1x50xi32, #tpu.memory_space<vmem>>
      %dma_start3A_849 = tpu.memref_squeeze %dma_start3A_848 : memref<1x50xi32, #tpu.memory_space<vmem>> -> memref<50xi32, #tpu.memory_space<vmem>>
      %dma_start3A_850 = arith.constant 0 : i32
      %dma_start3A_851 = arith.constant 0 : i32
      %dma_start3A_852 = tpu.memref_slice %arg27[%dma_start3A_850, %dma_start3A_851] : memref<10112x128xf32, #tpu.memory_space<vmem_shared>> -> memref<10112x128xf32, #tpu.memory_space<vmem_shared>>
      tpu.enqueue_indirect_dma source(%arg10 : memref<50x128xf32, #tpu.memory_space<vmem>>) target(%dma_start3A_852 : memref<10112x128xf32, #tpu.memory_space<vmem_shared>>) offsets(%dma_start3A_849 : memref<50xi32, #tpu.memory_space<vmem>>) semaphore(%arg20 : memref<!tpu.dma_semaphore, #tpu.memory_space<semaphore_mem>>) {add = true}
      %dma_wait3A_853 = arith.constant 1 : i32
      %dma_wait3A_854 = arith.constant 0 : i32
      %dma_wait3A_855 = tpu.memref_slice %arg7[%dma_wait3A_853, %dma_wait3A_854] : memref<5x50xi32, #tpu.memory_space<vmem>> -> memref<1x50xi32, #tpu.memory_space<vmem>>
      %dma_wait3A_856 = tpu.memref_squeeze %dma_wait3A_855 : memref<1x50xi32, #tpu.memory_space<vmem>> -> memref<50xi32, #tpu.memory_space<vmem>>
      %dma_wait3A_857 = arith.constant 0 : i32
      %dma_wait3A_858 = arith.constant 0 : i32
      %dma_wait3A_859 = tpu.memref_slice %arg2[%dma_wait3A_857, %dma_wait3A_858] : memref<10000x128xf32, #tpu.memory_space<hbm>> -> memref<10000x128xf32, #tpu.memory_space<hbm>>
      tpu.wait_indirect_dma semaphore(%arg16 : memref<!tpu.dma_semaphore, #tpu.memory_space<semaphore_mem>>) src(%dma_wait3A_859 : memref<10000x128xf32, #tpu.memory_space<hbm>>) dst(%arg11 : memref<50x128xf32, #tpu.memory_space<vmem>>)
      %parallel_loop3A_860 = arith.constant 0 : i32
      %parallel_loop3A_861 = arith.constant 50 : i32
      %parallel_loop3A_862 = arith.constant 1 : i32
      scf.for %parallel_loop3A_960 = %parallel_loop3A_860 to %parallel_loop3A_861 step %parallel_loop3A_862  : i32 {
        %parallel_loop3A_961 = arith.constant 50 : i32
        %parallel_loop3A_962 = arith.addi %parallel_loop3A_961, %parallel_loop3A_960 : i32
        %parallel_loop3A_963 = vector.broadcast %parallel_loop3A_962 : i32 to vector<16xi32>
        %parallel_loop3A_964 = tpu.vector_load_idx %arg9[%parallel_loop3A_963] : memref<250xf32, #tpu.memory_space<vmem>>[vector<16xi32>], vector<16xf32>,
        %parallel_loop3A_965 = arith.index_cast %parallel_loop3A_960 : i32 to index
        %parallel_loop3A_966 = arith.constant 0 : index
        %parallel_loop3A_967 = tpu.vector_load %arg11[%parallel_loop3A_965, %parallel_loop3A_966] {strides = array<i32>} : memref<50x128xf32, #tpu.memory_space<vmem>>, vector<16xf32>,
        %parallel_loop3A_968 = arith.mulf %parallel_loop3A_967, %parallel_loop3A_964 : vector<16xf32>
        %parallel_loop3A_969 = arith.index_cast %parallel_loop3A_960 : i32 to index
        %parallel_loop3A_970 = arith.constant 0 : index
        %parallel_loop3A_971 = tpu.vector_load %arg11[%parallel_loop3A_969, %parallel_loop3A_970] {strides = array<i32>} : memref<50x128xf32, #tpu.memory_space<vmem>>, vector<16xf32>,
        tpu.vector_store %arg11[%parallel_loop3A_969, %parallel_loop3A_970], %parallel_loop3A_968 {strides = array<i32>} : memref<50x128xf32, #tpu.memory_space<vmem>>, vector<16xf32>,
        %parallel_loop3A_972 = arith.index_cast %parallel_loop3A_960 : i32 to index
        %parallel_loop3A_973 = arith.constant 16 : index
        %parallel_loop3A_974 = tpu.vector_load %arg11[%parallel_loop3A_972, %parallel_loop3A_973] {strides = array<i32>} : memref<50x128xf32, #tpu.memory_space<vmem>>, vector<16xf32>,
        %parallel_loop3A_975 = arith.mulf %parallel_loop3A_974, %parallel_loop3A_964 : vector<16xf32>
        %parallel_loop3A_976 = arith.index_cast %parallel_loop3A_960 : i32 to index
        %parallel_loop3A_977 = arith.constant 16 : index
        %parallel_loop3A_978 = tpu.vector_load %arg11[%parallel_loop3A_976, %parallel_loop3A_977] {strides = array<i32>} : memref<50x128xf32, #tpu.memory_space<vmem>>, vector<16xf32>,
        tpu.vector_store %arg11[%parallel_loop3A_976, %parallel_loop3A_977], %parallel_loop3A_975 {strides = array<i32>} : memref<50x128xf32, #tpu.memory_space<vmem>>, vector<16xf32>,
        %parallel_loop3A_979 = arith.index_cast %parallel_loop3A_960 : i32 to index
        %parallel_loop3A_980 = arith.constant 32 : index
        %parallel_loop3A_981 = tpu.vector_load %arg11[%parallel_loop3A_979, %parallel_loop3A_980] {strides = array<i32>} : memref<50x128xf32, #tpu.memory_space<vmem>>, vector<16xf32>,
        %parallel_loop3A_982 = arith.mulf %parallel_loop3A_981, %parallel_loop3A_964 : vector<16xf32>
        %parallel_loop3A_983 = arith.index_cast %parallel_loop3A_960 : i32 to index
        %parallel_loop3A_984 = arith.constant 32 : index
        %parallel_loop3A_985 = tpu.vector_load %arg11[%parallel_loop3A_983, %parallel_loop3A_984] {strides = array<i32>} : memref<50x128xf32, #tpu.memory_space<vmem>>, vector<16xf32>,
        tpu.vector_store %arg11[%parallel_loop3A_983, %parallel_loop3A_984], %parallel_loop3A_982 {strides = array<i32>} : memref<50x128xf32, #tpu.memory_space<vmem>>, vector<16xf32>,
        %parallel_loop3A_986 = arith.index_cast %parallel_loop3A_960 : i32 to index
        %parallel_loop3A_987 = arith.constant 48 : index
        %parallel_loop3A_988 = tpu.vector_load %arg11[%parallel_loop3A_986, %parallel_loop3A_987] {strides = array<i32>} : memref<50x128xf32, #tpu.memory_space<vmem>>, vector<16xf32>,
        %parallel_loop3A_989 = arith.mulf %parallel_loop3A_988, %parallel_loop3A_964 : vector<16xf32>
        %parallel_loop3A_990 = arith.index_cast %parallel_loop3A_960 : i32 to index
        %parallel_loop3A_991 = arith.constant 48 : index
        %parallel_loop3A_992 = tpu.vector_load %arg11[%parallel_loop3A_990, %parallel_loop3A_991] {strides = array<i32>} : memref<50x128xf32, #tpu.memory_space<vmem>>, vector<16xf32>,
        tpu.vector_store %arg11[%parallel_loop3A_990, %parallel_loop3A_991], %parallel_loop3A_989 {strides = array<i32>} : memref<50x128xf32, #tpu.memory_space<vmem>>, vector<16xf32>,
        %parallel_loop3A_993 = arith.index_cast %parallel_loop3A_960 : i32 to index
        %parallel_loop3A_994 = arith.constant 64 : index
        %parallel_loop3A_995 = tpu.vector_load %arg11[%parallel_loop3A_993, %parallel_loop3A_994] {strides = array<i32>} : memref<50x128xf32, #tpu.memory_space<vmem>>, vector<16xf32>,
        %parallel_loop3A_996 = arith.mulf %parallel_loop3A_995, %parallel_loop3A_964 : vector<16xf32>
        %parallel_loop3A_997 = arith.index_cast %parallel_loop3A_960 : i32 to index
        %parallel_loop3A_998 = arith.constant 64 : index
        %parallel_loop3A_999 = tpu.vector_load %arg11[%parallel_loop3A_997, %parallel_loop3A_998] {strides = array<i32>} : memref<50x128xf32, #tpu.memory_space<vmem>>, vector<16xf32>,
        tpu.vector_store %arg11[%parallel_loop3A_997, %parallel_loop3A_998], %parallel_loop3A_996 {strides = array<i32>} : memref<50x128xf32, #tpu.memory_space<vmem>>, vector<16xf32>,
        %parallel_loop3A_1000 = arith.index_cast %parallel_loop3A_960 : i32 to index
        %parallel_loop3A_1001 = arith.constant 80 : index
        %parallel_loop3A_1002 = tpu.vector_load %arg11[%parallel_loop3A_1000, %parallel_loop3A_1001] {strides = array<i32>} : memref<50x128xf32, #tpu.memory_space<vmem>>, vector<16xf32>,
        %parallel_loop3A_1003 = arith.mulf %parallel_loop3A_1002, %parallel_loop3A_964 : vector<16xf32>
        %parallel_loop3A_1004 = arith.index_cast %parallel_loop3A_960 : i32 to index
        %parallel_loop3A_1005 = arith.constant 80 : index
        %parallel_loop3A_1006 = tpu.vector_load %arg11[%parallel_loop3A_1004, %parallel_loop3A_1005] {strides = array<i32>} : memref<50x128xf32, #tpu.memory_space<vmem>>, vector<16xf32>,
        tpu.vector_store %arg11[%parallel_loop3A_1004, %parallel_loop3A_1005], %parallel_loop3A_1003 {strides = array<i32>} : memref<50x128xf32, #tpu.memory_space<vmem>>, vector<16xf32>,
        %parallel_loop3A_1007 = arith.index_cast %parallel_loop3A_960 : i32 to index
        %parallel_loop3A_1008 = arith.constant 96 : index
        %parallel_loop3A_1009 = tpu.vector_load %arg11[%parallel_loop3A_1007, %parallel_loop3A_1008] {strides = array<i32>} : memref<50x128xf32, #tpu.memory_space<vmem>>, vector<16xf32>,
        %parallel_loop3A_1010 = arith.mulf %parallel_loop3A_1009, %parallel_loop3A_964 : vector<16xf32>
        %parallel_loop3A_1011 = arith.index_cast %parallel_loop3A_960 : i32 to index
        %parallel_loop3A_1012 = arith.constant 96 : index
        %parallel_loop3A_1013 = tpu.vector_load %arg11[%parallel_loop3A_1011, %parallel_loop3A_1012] {strides = array<i32>} : memref<50x128xf32, #tpu.memory_space<vmem>>, vector<16xf32>,
        tpu.vector_store %arg11[%parallel_loop3A_1011, %parallel_loop3A_1012], %parallel_loop3A_1010 {strides = array<i32>} : memref<50x128xf32, #tpu.memory_space<vmem>>, vector<16xf32>,
        %parallel_loop3A_1014 = arith.index_cast %parallel_loop3A_960 : i32 to index
        %parallel_loop3A_1015 = arith.constant 112 : index
        %parallel_loop3A_1016 = tpu.vector_load %arg11[%parallel_loop3A_1014, %parallel_loop3A_1015] {strides = array<i32>} : memref<50x128xf32, #tpu.memory_space<vmem>>, vector<16xf32>,
        %parallel_loop3A_1017 = arith.mulf %parallel_loop3A_1016, %parallel_loop3A_964 : vector<16xf32>
        %parallel_loop3A_1018 = arith.index_cast %parallel_loop3A_960 : i32 to index
        %parallel_loop3A_1019 = arith.constant 112 : index
        %parallel_loop3A_1020 = tpu.vector_load %arg11[%parallel_loop3A_1018, %parallel_loop3A_1019] {strides = array<i32>} : memref<50x128xf32, #tpu.memory_space<vmem>>, vector<16xf32>,
        tpu.vector_store %arg11[%parallel_loop3A_1018, %parallel_loop3A_1019], %parallel_loop3A_1017 {strides = array<i32>} : memref<50x128xf32, #tpu.memory_space<vmem>>, vector<16xf32>,
      } {sc.loop_unroll_factor = 4 : i64, sc.parallel_access}
      %dma_start3A_863 = arith.constant 1 : i32
      %dma_start3A_864 = arith.constant 0 : i32
      %dma_start3A_865 = tpu.memref_slice %arg8[%dma_start3A_863, %dma_start3A_864] : memref<5x50xi32, #tpu.memory_space<vmem>> -> memref<1x50xi32, #tpu.memory_space<vmem>>
      %dma_start3A_866 = tpu.memref_squeeze %dma_start3A_865 : memref<1x50xi32, #tpu.memory_space<vmem>> -> memref<50xi32, #tpu.memory_space<vmem>>
      %dma_start3A_867 = arith.constant 0 : i32
      %dma_start3A_868 = arith.constant 0 : i32
      %dma_start3A_869 = tpu.memref_slice %arg27[%dma_start3A_867, %dma_start3A_868] : memref<10112x128xf32, #tpu.memory_space<vmem_shared>> -> memref<10112x128xf32, #tpu.memory_space<vmem_shared>>
      tpu.enqueue_indirect_dma source(%arg11 : memref<50x128xf32, #tpu.memory_space<vmem>>) target(%dma_start3A_869 : memref<10112x128xf32, #tpu.memory_space<vmem_shared>>) offsets(%dma_start3A_866 : memref<50xi32, #tpu.memory_space<vmem>>) semaphore(%arg21 : memref<!tpu.dma_semaphore, #tpu.memory_space<semaphore_mem>>) {add = true}
      %dma_wait3A_870 = arith.constant 2 : i32
      %dma_wait3A_871 = arith.constant 0 : i32
      %dma_wait3A_872 = tpu.memref_slice %arg7[%dma_wait3A_870, %dma_wait3A_871] : memref<5x50xi32, #tpu.memory_space<vmem>> -> memref<1x50xi32, #tpu.memory_space<vmem>>
      %dma_wait3A_873 = tpu.memref_squeeze %dma_wait3A_872 : memref<1x50xi32, #tpu.memory_space<vmem>> -> memref<50xi32, #tpu.memory_space<vmem>>
      %dma_wait3A_874 = arith.constant 0 : i32
      %dma_wait3A_875 = arith.constant 0 : i32
      %dma_wait3A_876 = tpu.memref_slice %arg2[%dma_wait3A_874, %dma_wait3A_875] : memref<10000x128xf32, #tpu.memory_space<hbm>> -> memref<10000x128xf32, #tpu.memory_space<hbm>>
      tpu.wait_indirect_dma semaphore(%arg17 : memref<!tpu.dma_semaphore, #tpu.memory_space<semaphore_mem>>) src(%dma_wait3A_876 : memref<10000x128xf32, #tpu.memory_space<hbm>>) dst(%arg12 : memref<50x128xf32, #tpu.memory_space<vmem>>)
      %parallel_loop3A_877 = arith.constant 0 : i32
      %parallel_loop3A_878 = arith.constant 50 : i32
      %parallel_loop3A_879 = arith.constant 1 : i32
      scf.for %parallel_loop3A_960 = %parallel_loop3A_877 to %parallel_loop3A_878 step %parallel_loop3A_879  : i32 {
        %parallel_loop3A_961 = arith.constant 100 : i32
        %parallel_loop3A_962 = arith.addi %parallel_loop3A_961, %parallel_loop3A_960 : i32
        %parallel_loop3A_963 = vector.broadcast %parallel_loop3A_962 : i32 to vector<16xi32>
        %parallel_loop3A_964 = tpu.vector_load_idx %arg9[%parallel_loop3A_963] : memref<250xf32, #tpu.memory_space<vmem>>[vector<16xi32>], vector<16xf32>,
        %parallel_loop3A_965 = arith.index_cast %parallel_loop3A_960 : i32 to index
        %parallel_loop3A_966 = arith.constant 0 : index
        %parallel_loop3A_967 = tpu.vector_load %arg12[%parallel_loop3A_965, %parallel_loop3A_966] {strides = array<i32>} : memref<50x128xf32, #tpu.memory_space<vmem>>, vector<16xf32>,
        %parallel_loop3A_968 = arith.mulf %parallel_loop3A_967, %parallel_loop3A_964 : vector<16xf32>
        %parallel_loop3A_969 = arith.index_cast %parallel_loop3A_960 : i32 to index
        %parallel_loop3A_970 = arith.constant 0 : index
        %parallel_loop3A_971 = tpu.vector_load %arg12[%parallel_loop3A_969, %parallel_loop3A_970] {strides = array<i32>} : memref<50x128xf32, #tpu.memory_space<vmem>>, vector<16xf32>,
        tpu.vector_store %arg12[%parallel_loop3A_969, %parallel_loop3A_970], %parallel_loop3A_968 {strides = array<i32>} : memref<50x128xf32, #tpu.memory_space<vmem>>, vector<16xf32>,
        %parallel_loop3A_972 = arith.index_cast %parallel_loop3A_960 : i32 to index
        %parallel_loop3A_973 = arith.constant 16 : index
        %parallel_loop3A_974 = tpu.vector_load %arg12[%parallel_loop3A_972, %parallel_loop3A_973] {strides = array<i32>} : memref<50x128xf32, #tpu.memory_space<vmem>>, vector<16xf32>,
        %parallel_loop3A_975 = arith.mulf %parallel_loop3A_974, %parallel_loop3A_964 : vector<16xf32>
        %parallel_loop3A_976 = arith.index_cast %parallel_loop3A_960 : i32 to index
        %parallel_loop3A_977 = arith.constant 16 : index
        %parallel_loop3A_978 = tpu.vector_load %arg12[%parallel_loop3A_976, %parallel_loop3A_977] {strides = array<i32>} : memref<50x128xf32, #tpu.memory_space<vmem>>, vector<16xf32>,
        tpu.vector_store %arg12[%parallel_loop3A_976, %parallel_loop3A_977], %parallel_loop3A_975 {strides = array<i32>} : memref<50x128xf32, #tpu.memory_space<vmem>>, vector<16xf32>,
        %parallel_loop3A_979 = arith.index_cast %parallel_loop3A_960 : i32 to index
        %parallel_loop3A_980 = arith.constant 32 : index
        %parallel_loop3A_981 = tpu.vector_load %arg12[%parallel_loop3A_979, %parallel_loop3A_980] {strides = array<i32>} : memref<50x128xf32, #tpu.memory_space<vmem>>, vector<16xf32>,
        %parallel_loop3A_982 = arith.mulf %parallel_loop3A_981, %parallel_loop3A_964 : vector<16xf32>
        %parallel_loop3A_983 = arith.index_cast %parallel_loop3A_960 : i32 to index
        %parallel_loop3A_984 = arith.constant 32 : index
        %parallel_loop3A_985 = tpu.vector_load %arg12[%parallel_loop3A_983, %parallel_loop3A_984] {strides = array<i32>} : memref<50x128xf32, #tpu.memory_space<vmem>>, vector<16xf32>,
        tpu.vector_store %arg12[%parallel_loop3A_983, %parallel_loop3A_984], %parallel_loop3A_982 {strides = array<i32>} : memref<50x128xf32, #tpu.memory_space<vmem>>, vector<16xf32>,
        %parallel_loop3A_986 = arith.index_cast %parallel_loop3A_960 : i32 to index
        %parallel_loop3A_987 = arith.constant 48 : index
        %parallel_loop3A_988 = tpu.vector_load %arg12[%parallel_loop3A_986, %parallel_loop3A_987] {strides = array<i32>} : memref<50x128xf32, #tpu.memory_space<vmem>>, vector<16xf32>,
        %parallel_loop3A_989 = arith.mulf %parallel_loop3A_988, %parallel_loop3A_964 : vector<16xf32>
        %parallel_loop3A_990 = arith.index_cast %parallel_loop3A_960 : i32 to index
        %parallel_loop3A_991 = arith.constant 48 : index
        %parallel_loop3A_992 = tpu.vector_load %arg12[%parallel_loop3A_990, %parallel_loop3A_991] {strides = array<i32>} : memref<50x128xf32, #tpu.memory_space<vmem>>, vector<16xf32>,
        tpu.vector_store %arg12[%parallel_loop3A_990, %parallel_loop3A_991], %parallel_loop3A_989 {strides = array<i32>} : memref<50x128xf32, #tpu.memory_space<vmem>>, vector<16xf32>,
        %parallel_loop3A_993 = arith.index_cast %parallel_loop3A_960 : i32 to index
        %parallel_loop3A_994 = arith.constant 64 : index
        %parallel_loop3A_995 = tpu.vector_load %arg12[%parallel_loop3A_993, %parallel_loop3A_994] {strides = array<i32>} : memref<50x128xf32, #tpu.memory_space<vmem>>, vector<16xf32>,
        %parallel_loop3A_996 = arith.mulf %parallel_loop3A_995, %parallel_loop3A_964 : vector<16xf32>
        %parallel_loop3A_997 = arith.index_cast %parallel_loop3A_960 : i32 to index
        %parallel_loop3A_998 = arith.constant 64 : index
        %parallel_loop3A_999 = tpu.vector_load %arg12[%parallel_loop3A_997, %parallel_loop3A_998] {strides = array<i32>} : memref<50x128xf32, #tpu.memory_space<vmem>>, vector<16xf32>,
        tpu.vector_store %arg12[%parallel_loop3A_997, %parallel_loop3A_998], %parallel_loop3A_996 {strides = array<i32>} : memref<50x128xf32, #tpu.memory_space<vmem>>, vector<16xf32>,
        %parallel_loop3A_1000 = arith.index_cast %parallel_loop3A_960 : i32 to index
        %parallel_loop3A_1001 = arith.constant 80 : index
        %parallel_loop3A_1002 = tpu.vector_load %arg12[%parallel_loop3A_1000, %parallel_loop3A_1001] {strides = array<i32>} : memref<50x128xf32, #tpu.memory_space<vmem>>, vector<16xf32>,
        %parallel_loop3A_1003 = arith.mulf %parallel_loop3A_1002, %parallel_loop3A_964 : vector<16xf32>
        %parallel_loop3A_1004 = arith.index_cast %parallel_loop3A_960 : i32 to index
        %parallel_loop3A_1005 = arith.constant 80 : index
        %parallel_loop3A_1006 = tpu.vector_load %arg12[%parallel_loop3A_1004, %parallel_loop3A_1005] {strides = array<i32>} : memref<50x128xf32, #tpu.memory_space<vmem>>, vector<16xf32>,
        tpu.vector_store %arg12[%parallel_loop3A_1004, %parallel_loop3A_1005], %parallel_loop3A_1003 {strides = array<i32>} : memref<50x128xf32, #tpu.memory_space<vmem>>, vector<16xf32>,
        %parallel_loop3A_1007 = arith.index_cast %parallel_loop3A_960 : i32 to index
        %parallel_loop3A_1008 = arith.constant 96 : index
        %parallel_loop3A_1009 = tpu.vector_load %arg12[%parallel_loop3A_1007, %parallel_loop3A_1008] {strides = array<i32>} : memref<50x128xf32, #tpu.memory_space<vmem>>, vector<16xf32>,
        %parallel_loop3A_1010 = arith.mulf %parallel_loop3A_1009, %parallel_loop3A_964 : vector<16xf32>
        %parallel_loop3A_1011 = arith.index_cast %parallel_loop3A_960 : i32 to index
        %parallel_loop3A_1012 = arith.constant 96 : index
        %parallel_loop3A_1013 = tpu.vector_load %arg12[%parallel_loop3A_1011, %parallel_loop3A_1012] {strides = array<i32>} : memref<50x128xf32, #tpu.memory_space<vmem>>, vector<16xf32>,
        tpu.vector_store %arg12[%parallel_loop3A_1011, %parallel_loop3A_1012], %parallel_loop3A_1010 {strides = array<i32>} : memref<50x128xf32, #tpu.memory_space<vmem>>, vector<16xf32>,
        %parallel_loop3A_1014 = arith.index_cast %parallel_loop3A_960 : i32 to index
        %parallel_loop3A_1015 = arith.constant 112 : index
        %parallel_loop3A_1016 = tpu.vector_load %arg12[%parallel_loop3A_1014, %parallel_loop3A_1015] {strides = array<i32>} : memref<50x128xf32, #tpu.memory_space<vmem>>, vector<16xf32>,
        %parallel_loop3A_1017 = arith.mulf %parallel_loop3A_1016, %parallel_loop3A_964 : vector<16xf32>
        %parallel_loop3A_1018 = arith.index_cast %parallel_loop3A_960 : i32 to index
        %parallel_loop3A_1019 = arith.constant 112 : index
        %parallel_loop3A_1020 = tpu.vector_load %arg12[%parallel_loop3A_1018, %parallel_loop3A_1019] {strides = array<i32>} : memref<50x128xf32, #tpu.memory_space<vmem>>, vector<16xf32>,
        tpu.vector_store %arg12[%parallel_loop3A_1018, %parallel_loop3A_1019], %parallel_loop3A_1017 {strides = array<i32>} : memref<50x128xf32, #tpu.memory_space<vmem>>, vector<16xf32>,
      } {sc.loop_unroll_factor = 4 : i64, sc.parallel_access}
      %dma_start3A_880 = arith.constant 2 : i32
      %dma_start3A_881 = arith.constant 0 : i32
      %dma_start3A_882 = tpu.memref_slice %arg8[%dma_start3A_880, %dma_start3A_881] : memref<5x50xi32, #tpu.memory_space<vmem>> -> memref<1x50xi32, #tpu.memory_space<vmem>>
      %dma_start3A_883 = tpu.memref_squeeze %dma_start3A_882 : memref<1x50xi32, #tpu.memory_space<vmem>> -> memref<50xi32, #tpu.memory_space<vmem>>
      %dma_start3A_884 = arith.constant 0 : i32
      %dma_start3A_885 = arith.constant 0 : i32
      %dma_start3A_886 = tpu.memref_slice %arg27[%dma_start3A_884, %dma_start3A_885] : memref<10112x128xf32, #tpu.memory_space<vmem_shared>> -> memref<10112x128xf32, #tpu.memory_space<vmem_shared>>
      tpu.enqueue_indirect_dma source(%arg12 : memref<50x128xf32, #tpu.memory_space<vmem>>) target(%dma_start3A_886 : memref<10112x128xf32, #tpu.memory_space<vmem_shared>>) offsets(%dma_start3A_883 : memref<50xi32, #tpu.memory_space<vmem>>) semaphore(%arg22 : memref<!tpu.dma_semaphore, #tpu.memory_space<semaphore_mem>>) {add = true}
      %dma_wait3A_887 = arith.constant 3 : i32
      %dma_wait3A_888 = arith.constant 0 : i32
      %dma_wait3A_889 = tpu.memref_slice %arg7[%dma_wait3A_887, %dma_wait3A_888] : memref<5x50xi32, #tpu.memory_space<vmem>> -> memref<1x50xi32, #tpu.memory_space<vmem>>
      %dma_wait3A_890 = tpu.memref_squeeze %dma_wait3A_889 : memref<1x50xi32, #tpu.memory_space<vmem>> -> memref<50xi32, #tpu.memory_space<vmem>>
      %dma_wait3A_891 = arith.constant 0 : i32
      %dma_wait3A_892 = arith.constant 0 : i32
      %dma_wait3A_893 = tpu.memref_slice %arg2[%dma_wait3A_891, %dma_wait3A_892] : memref<10000x128xf32, #tpu.memory_space<hbm>> -> memref<10000x128xf32, #tpu.memory_space<hbm>>
      tpu.wait_indirect_dma semaphore(%arg18 : memref<!tpu.dma_semaphore, #tpu.memory_space<semaphore_mem>>) src(%dma_wait3A_893 : memref<10000x128xf32, #tpu.memory_space<hbm>>) dst(%arg13 : memref<50x128xf32, #tpu.memory_space<vmem>>)
      %parallel_loop3A_894 = arith.constant 0 : i32
      %parallel_loop3A_895 = arith.constant 50 : i32
      %parallel_loop3A_896 = arith.constant 1 : i32
      scf.for %parallel_loop3A_960 = %parallel_loop3A_894 to %parallel_loop3A_895 step %parallel_loop3A_896  : i32 {
        %parallel_loop3A_961 = arith.constant 150 : i32
        %parallel_loop3A_962 = arith.addi %parallel_loop3A_961, %parallel_loop3A_960 : i32
        %parallel_loop3A_963 = vector.broadcast %parallel_loop3A_962 : i32 to vector<16xi32>
        %parallel_loop3A_964 = tpu.vector_load_idx %arg9[%parallel_loop3A_963] : memref<250xf32, #tpu.memory_space<vmem>>[vector<16xi32>], vector<16xf32>,
        %parallel_loop3A_965 = arith.index_cast %parallel_loop3A_960 : i32 to index
        %parallel_loop3A_966 = arith.constant 0 : index
        %parallel_loop3A_967 = tpu.vector_load %arg13[%parallel_loop3A_965, %parallel_loop3A_966] {strides = array<i32>} : memref<50x128xf32, #tpu.memory_space<vmem>>, vector<16xf32>,
        %parallel_loop3A_968 = arith.mulf %parallel_loop3A_967, %parallel_loop3A_964 : vector<16xf32>
        %parallel_loop3A_969 = arith.index_cast %parallel_loop3A_960 : i32 to index
        %parallel_loop3A_970 = arith.constant 0 : index
        %parallel_loop3A_971 = tpu.vector_load %arg13[%parallel_loop3A_969, %parallel_loop3A_970] {strides = array<i32>} : memref<50x128xf32, #tpu.memory_space<vmem>>, vector<16xf32>,
        tpu.vector_store %arg13[%parallel_loop3A_969, %parallel_loop3A_970], %parallel_loop3A_968 {strides = array<i32>} : memref<50x128xf32, #tpu.memory_space<vmem>>, vector<16xf32>,
        %parallel_loop3A_972 = arith.index_cast %parallel_loop3A_960 : i32 to index
        %parallel_loop3A_973 = arith.constant 16 : index
        %parallel_loop3A_974 = tpu.vector_load %arg13[%parallel_loop3A_972, %parallel_loop3A_973] {strides = array<i32>} : memref<50x128xf32, #tpu.memory_space<vmem>>, vector<16xf32>,
        %parallel_loop3A_975 = arith.mulf %parallel_loop3A_974, %parallel_loop3A_964 : vector<16xf32>
        %parallel_loop3A_976 = arith.index_cast %parallel_loop3A_960 : i32 to index
        %parallel_loop3A_977 = arith.constant 16 : index
        %parallel_loop3A_978 = tpu.vector_load %arg13[%parallel_loop3A_976, %parallel_loop3A_977] {strides = array<i32>} : memref<50x128xf32, #tpu.memory_space<vmem>>, vector<16xf32>,
        tpu.vector_store %arg13[%parallel_loop3A_976, %parallel_loop3A_977], %parallel_loop3A_975 {strides = array<i32>} : memref<50x128xf32, #tpu.memory_space<vmem>>, vector<16xf32>,
        %parallel_loop3A_979 = arith.index_cast %parallel_loop3A_960 : i32 to index
        %parallel_loop3A_980 = arith.constant 32 : index
        %parallel_loop3A_981 = tpu.vector_load %arg13[%parallel_loop3A_979, %parallel_loop3A_980] {strides = array<i32>} : memref<50x128xf32, #tpu.memory_space<vmem>>, vector<16xf32>,
        %parallel_loop3A_982 = arith.mulf %parallel_loop3A_981, %parallel_loop3A_964 : vector<16xf32>
        %parallel_loop3A_983 = arith.index_cast %parallel_loop3A_960 : i32 to index
        %parallel_loop3A_984 = arith.constant 32 : index
        %parallel_loop3A_985 = tpu.vector_load %arg13[%parallel_loop3A_983, %parallel_loop3A_984] {strides = array<i32>} : memref<50x128xf32, #tpu.memory_space<vmem>>, vector<16xf32>,
        tpu.vector_store %arg13[%parallel_loop3A_983, %parallel_loop3A_984], %parallel_loop3A_982 {strides = array<i32>} : memref<50x128xf32, #tpu.memory_space<vmem>>, vector<16xf32>,
        %parallel_loop3A_986 = arith.index_cast %parallel_loop3A_960 : i32 to index
        %parallel_loop3A_987 = arith.constant 48 : index
        %parallel_loop3A_988 = tpu.vector_load %arg13[%parallel_loop3A_986, %parallel_loop3A_987] {strides = array<i32>} : memref<50x128xf32, #tpu.memory_space<vmem>>, vector<16xf32>,
        %parallel_loop3A_989 = arith.mulf %parallel_loop3A_988, %parallel_loop3A_964 : vector<16xf32>
        %parallel_loop3A_990 = arith.index_cast %parallel_loop3A_960 : i32 to index
        %parallel_loop3A_991 = arith.constant 48 : index
        %parallel_loop3A_992 = tpu.vector_load %arg13[%parallel_loop3A_990, %parallel_loop3A_991] {strides = array<i32>} : memref<50x128xf32, #tpu.memory_space<vmem>>, vector<16xf32>,
        tpu.vector_store %arg13[%parallel_loop3A_990, %parallel_loop3A_991], %parallel_loop3A_989 {strides = array<i32>} : memref<50x128xf32, #tpu.memory_space<vmem>>, vector<16xf32>,
        %parallel_loop3A_993 = arith.index_cast %parallel_loop3A_960 : i32 to index
        %parallel_loop3A_994 = arith.constant 64 : index
        %parallel_loop3A_995 = tpu.vector_load %arg13[%parallel_loop3A_993, %parallel_loop3A_994] {strides = array<i32>} : memref<50x128xf32, #tpu.memory_space<vmem>>, vector<16xf32>,
        %parallel_loop3A_996 = arith.mulf %parallel_loop3A_995, %parallel_loop3A_964 : vector<16xf32>
        %parallel_loop3A_997 = arith.index_cast %parallel_loop3A_960 : i32 to index
        %parallel_loop3A_998 = arith.constant 64 : index
        %parallel_loop3A_999 = tpu.vector_load %arg13[%parallel_loop3A_997, %parallel_loop3A_998] {strides = array<i32>} : memref<50x128xf32, #tpu.memory_space<vmem>>, vector<16xf32>,
        tpu.vector_store %arg13[%parallel_loop3A_997, %parallel_loop3A_998], %parallel_loop3A_996 {strides = array<i32>} : memref<50x128xf32, #tpu.memory_space<vmem>>, vector<16xf32>,
        %parallel_loop3A_1000 = arith.index_cast %parallel_loop3A_960 : i32 to index
        %parallel_loop3A_1001 = arith.constant 80 : index
        %parallel_loop3A_1002 = tpu.vector_load %arg13[%parallel_loop3A_1000, %parallel_loop3A_1001] {strides = array<i32>} : memref<50x128xf32, #tpu.memory_space<vmem>>, vector<16xf32>,
        %parallel_loop3A_1003 = arith.mulf %parallel_loop3A_1002, %parallel_loop3A_964 : vector<16xf32>
        %parallel_loop3A_1004 = arith.index_cast %parallel_loop3A_960 : i32 to index
        %parallel_loop3A_1005 = arith.constant 80 : index
        %parallel_loop3A_1006 = tpu.vector_load %arg13[%parallel_loop3A_1004, %parallel_loop3A_1005] {strides = array<i32>} : memref<50x128xf32, #tpu.memory_space<vmem>>, vector<16xf32>,
        tpu.vector_store %arg13[%parallel_loop3A_1004, %parallel_loop3A_1005], %parallel_loop3A_1003 {strides = array<i32>} : memref<50x128xf32, #tpu.memory_space<vmem>>, vector<16xf32>,
        %parallel_loop3A_1007 = arith.index_cast %parallel_loop3A_960 : i32 to index
        %parallel_loop3A_1008 = arith.constant 96 : index
        %parallel_loop3A_1009 = tpu.vector_load %arg13[%parallel_loop3A_1007, %parallel_loop3A_1008] {strides = array<i32>} : memref<50x128xf32, #tpu.memory_space<vmem>>, vector<16xf32>,
        %parallel_loop3A_1010 = arith.mulf %parallel_loop3A_1009, %parallel_loop3A_964 : vector<16xf32>
        %parallel_loop3A_1011 = arith.index_cast %parallel_loop3A_960 : i32 to index
        %parallel_loop3A_1012 = arith.constant 96 : index
        %parallel_loop3A_1013 = tpu.vector_load %arg13[%parallel_loop3A_1011, %parallel_loop3A_1012] {strides = array<i32>} : memref<50x128xf32, #tpu.memory_space<vmem>>, vector<16xf32>,
        tpu.vector_store %arg13[%parallel_loop3A_1011, %parallel_loop3A_1012], %parallel_loop3A_1010 {strides = array<i32>} : memref<50x128xf32, #tpu.memory_space<vmem>>, vector<16xf32>,
        %parallel_loop3A_1014 = arith.index_cast %parallel_loop3A_960 : i32 to index
        %parallel_loop3A_1015 = arith.constant 112 : index
        %parallel_loop3A_1016 = tpu.vector_load %arg13[%parallel_loop3A_1014, %parallel_loop3A_1015] {strides = array<i32>} : memref<50x128xf32, #tpu.memory_space<vmem>>, vector<16xf32>,
        %parallel_loop3A_1017 = arith.mulf %parallel_loop3A_1016, %parallel_loop3A_964 : vector<16xf32>
        %parallel_loop3A_1018 = arith.index_cast %parallel_loop3A_960 : i32 to index
        %parallel_loop3A_1019 = arith.constant 112 : index
        %parallel_loop3A_1020 = tpu.vector_load %arg13[%parallel_loop3A_1018, %parallel_loop3A_1019] {strides = array<i32>} : memref<50x128xf32, #tpu.memory_space<vmem>>, vector<16xf32>,
        tpu.vector_store %arg13[%parallel_loop3A_1018, %parallel_loop3A_1019], %parallel_loop3A_1017 {strides = array<i32>} : memref<50x128xf32, #tpu.memory_space<vmem>>, vector<16xf32>,
      } {sc.loop_unroll_factor = 4 : i64, sc.parallel_access}
      %dma_start3A_897 = arith.constant 3 : i32
      %dma_start3A_898 = arith.constant 0 : i32
      %dma_start3A_899 = tpu.memref_slice %arg8[%dma_start3A_897, %dma_start3A_898] : memref<5x50xi32, #tpu.memory_space<vmem>> -> memref<1x50xi32, #tpu.memory_space<vmem>>
      %dma_start3A_900 = tpu.memref_squeeze %dma_start3A_899 : memref<1x50xi32, #tpu.memory_space<vmem>> -> memref<50xi32, #tpu.memory_space<vmem>>
      %dma_start3A_901 = arith.constant 0 : i32
      %dma_start3A_902 = arith.constant 0 : i32
      %dma_start3A_903 = tpu.memref_slice %arg27[%dma_start3A_901, %dma_start3A_902] : memref<10112x128xf32, #tpu.memory_space<vmem_shared>> -> memref<10112x128xf32, #tpu.memory_space<vmem_shared>>
      tpu.enqueue_indirect_dma source(%arg13 : memref<50x128xf32, #tpu.memory_space<vmem>>) target(%dma_start3A_903 : memref<10112x128xf32, #tpu.memory_space<vmem_shared>>) offsets(%dma_start3A_900 : memref<50xi32, #tpu.memory_space<vmem>>) semaphore(%arg23 : memref<!tpu.dma_semaphore, #tpu.memory_space<semaphore_mem>>) {add = true}
      %dma_wait3A_904 = arith.constant 4 : i32
      %dma_wait3A_905 = arith.constant 0 : i32
      %dma_wait3A_906 = tpu.memref_slice %arg7[%dma_wait3A_904, %dma_wait3A_905] : memref<5x50xi32, #tpu.memory_space<vmem>> -> memref<1x50xi32, #tpu.memory_space<vmem>>
      %dma_wait3A_907 = tpu.memref_squeeze %dma_wait3A_906 : memref<1x50xi32, #tpu.memory_space<vmem>> -> memref<50xi32, #tpu.memory_space<vmem>>
      %dma_wait3A_908 = arith.constant 0 : i32
      %dma_wait3A_909 = arith.constant 0 : i32
      %dma_wait3A_910 = tpu.memref_slice %arg2[%dma_wait3A_908, %dma_wait3A_909] : memref<10000x128xf32, #tpu.memory_space<hbm>> -> memref<10000x128xf32, #tpu.memory_space<hbm>>
      tpu.wait_indirect_dma semaphore(%arg19 : memref<!tpu.dma_semaphore, #tpu.memory_space<semaphore_mem>>) src(%dma_wait3A_910 : memref<10000x128xf32, #tpu.memory_space<hbm>>) dst(%arg14 : memref<50x128xf32, #tpu.memory_space<vmem>>)
      %parallel_loop3A_911 = arith.constant 0 : i32
      %parallel_loop3A_912 = arith.constant 50 : i32
      %parallel_loop3A_913 = arith.constant 1 : i32
      scf.for %parallel_loop3A_960 = %parallel_loop3A_911 to %parallel_loop3A_912 step %parallel_loop3A_913  : i32 {
        %parallel_loop3A_961 = arith.constant 200 : i32
        %parallel_loop3A_962 = arith.addi %parallel_loop3A_961, %parallel_loop3A_960 : i32
        %parallel_loop3A_963 = vector.broadcast %parallel_loop3A_962 : i32 to vector<16xi32>
        %parallel_loop3A_964 = tpu.vector_load_idx %arg9[%parallel_loop3A_963] : memref<250xf32, #tpu.memory_space<vmem>>[vector<16xi32>], vector<16xf32>,
        %parallel_loop3A_965 = arith.index_cast %parallel_loop3A_960 : i32 to index
        %parallel_loop3A_966 = arith.constant 0 : index
        %parallel_loop3A_967 = tpu.vector_load %arg14[%parallel_loop3A_965, %parallel_loop3A_966] {strides = array<i32>} : memref<50x128xf32, #tpu.memory_space<vmem>>, vector<16xf32>,
        %parallel_loop3A_968 = arith.mulf %parallel_loop3A_967, %parallel_loop3A_964 : vector<16xf32>
        %parallel_loop3A_969 = arith.index_cast %parallel_loop3A_960 : i32 to index
        %parallel_loop3A_970 = arith.constant 0 : index
        %parallel_loop3A_971 = tpu.vector_load %arg14[%parallel_loop3A_969, %parallel_loop3A_970] {strides = array<i32>} : memref<50x128xf32, #tpu.memory_space<vmem>>, vector<16xf32>,
        tpu.vector_store %arg14[%parallel_loop3A_969, %parallel_loop3A_970], %parallel_loop3A_968 {strides = array<i32>} : memref<50x128xf32, #tpu.memory_space<vmem>>, vector<16xf32>,
        %parallel_loop3A_972 = arith.index_cast %parallel_loop3A_960 : i32 to index
        %parallel_loop3A_973 = arith.constant 16 : index
        %parallel_loop3A_974 = tpu.vector_load %arg14[%parallel_loop3A_972, %parallel_loop3A_973] {strides = array<i32>} : memref<50x128xf32, #tpu.memory_space<vmem>>, vector<16xf32>,
        %parallel_loop3A_975 = arith.mulf %parallel_loop3A_974, %parallel_loop3A_964 : vector<16xf32>
        %parallel_loop3A_976 = arith.index_cast %parallel_loop3A_960 : i32 to index
        %parallel_loop3A_977 = arith.constant 16 : index
        %parallel_loop3A_978 = tpu.vector_load %arg14[%parallel_loop3A_976, %parallel_loop3A_977] {strides = array<i32>} : memref<50x128xf32, #tpu.memory_space<vmem>>, vector<16xf32>,
        tpu.vector_store %arg14[%parallel_loop3A_976, %parallel_loop3A_977], %parallel_loop3A_975 {strides = array<i32>} : memref<50x128xf32, #tpu.memory_space<vmem>>, vector<16xf32>,
        %parallel_loop3A_979 = arith.index_cast %parallel_loop3A_960 : i32 to index
        %parallel_loop3A_980 = arith.constant 32 : index
        %parallel_loop3A_981 = tpu.vector_load %arg14[%parallel_loop3A_979, %parallel_loop3A_980] {strides = array<i32>} : memref<50x128xf32, #tpu.memory_space<vmem>>, vector<16xf32>,
        %parallel_loop3A_982 = arith.mulf %parallel_loop3A_981, %parallel_loop3A_964 : vector<16xf32>
        %parallel_loop3A_983 = arith.index_cast %parallel_loop3A_960 : i32 to index
        %parallel_loop3A_984 = arith.constant 32 : index
        %parallel_loop3A_985 = tpu.vector_load %arg14[%parallel_loop3A_983, %parallel_loop3A_984] {strides = array<i32>} : memref<50x128xf32, #tpu.memory_space<vmem>>, vector<16xf32>,
        tpu.vector_store %arg14[%parallel_loop3A_983, %parallel_loop3A_984], %parallel_loop3A_982 {strides = array<i32>} : memref<50x128xf32, #tpu.memory_space<vmem>>, vector<16xf32>,
        %parallel_loop3A_986 = arith.index_cast %parallel_loop3A_960 : i32 to index
        %parallel_loop3A_987 = arith.constant 48 : index
        %parallel_loop3A_988 = tpu.vector_load %arg14[%parallel_loop3A_986, %parallel_loop3A_987] {strides = array<i32>} : memref<50x128xf32, #tpu.memory_space<vmem>>, vector<16xf32>,
        %parallel_loop3A_989 = arith.mulf %parallel_loop3A_988, %parallel_loop3A_964 : vector<16xf32>
        %parallel_loop3A_990 = arith.index_cast %parallel_loop3A_960 : i32 to index
        %parallel_loop3A_991 = arith.constant 48 : index
        %parallel_loop3A_992 = tpu.vector_load %arg14[%parallel_loop3A_990, %parallel_loop3A_991] {strides = array<i32>} : memref<50x128xf32, #tpu.memory_space<vmem>>, vector<16xf32>,
        tpu.vector_store %arg14[%parallel_loop3A_990, %parallel_loop3A_991], %parallel_loop3A_989 {strides = array<i32>} : memref<50x128xf32, #tpu.memory_space<vmem>>, vector<16xf32>,
        %parallel_loop3A_993 = arith.index_cast %parallel_loop3A_960 : i32 to index
        %parallel_loop3A_994 = arith.constant 64 : index
        %parallel_loop3A_995 = tpu.vector_load %arg14[%parallel_loop3A_993, %parallel_loop3A_994] {strides = array<i32>} : memref<50x128xf32, #tpu.memory_space<vmem>>, vector<16xf32>,
        %parallel_loop3A_996 = arith.mulf %parallel_loop3A_995, %parallel_loop3A_964 : vector<16xf32>
        %parallel_loop3A_997 = arith.index_cast %parallel_loop3A_960 : i32 to index
        %parallel_loop3A_998 = arith.constant 64 : index
        %parallel_loop3A_999 = tpu.vector_load %arg14[%parallel_loop3A_997, %parallel_loop3A_998] {strides = array<i32>} : memref<50x128xf32, #tpu.memory_space<vmem>>, vector<16xf32>,
        tpu.vector_store %arg14[%parallel_loop3A_997, %parallel_loop3A_998], %parallel_loop3A_996 {strides = array<i32>} : memref<50x128xf32, #tpu.memory_space<vmem>>, vector<16xf32>,
        %parallel_loop3A_1000 = arith.index_cast %parallel_loop3A_960 : i32 to index
        %parallel_loop3A_1001 = arith.constant 80 : index
        %parallel_loop3A_1002 = tpu.vector_load %arg14[%parallel_loop3A_1000, %parallel_loop3A_1001] {strides = array<i32>} : memref<50x128xf32, #tpu.memory_space<vmem>>, vector<16xf32>,
        %parallel_loop3A_1003 = arith.mulf %parallel_loop3A_1002, %parallel_loop3A_964 : vector<16xf32>
        %parallel_loop3A_1004 = arith.index_cast %parallel_loop3A_960 : i32 to index
        %parallel_loop3A_1005 = arith.constant 80 : index
        %parallel_loop3A_1006 = tpu.vector_load %arg14[%parallel_loop3A_1004, %parallel_loop3A_1005] {strides = array<i32>} : memref<50x128xf32, #tpu.memory_space<vmem>>, vector<16xf32>,
        tpu.vector_store %arg14[%parallel_loop3A_1004, %parallel_loop3A_1005], %parallel_loop3A_1003 {strides = array<i32>} : memref<50x128xf32, #tpu.memory_space<vmem>>, vector<16xf32>,
        %parallel_loop3A_1007 = arith.index_cast %parallel_loop3A_960 : i32 to index
        %parallel_loop3A_1008 = arith.constant 96 : index
        %parallel_loop3A_1009 = tpu.vector_load %arg14[%parallel_loop3A_1007, %parallel_loop3A_1008] {strides = array<i32>} : memref<50x128xf32, #tpu.memory_space<vmem>>, vector<16xf32>,
        %parallel_loop3A_1010 = arith.mulf %parallel_loop3A_1009, %parallel_loop3A_964 : vector<16xf32>
        %parallel_loop3A_1011 = arith.index_cast %parallel_loop3A_960 : i32 to index
        %parallel_loop3A_1012 = arith.constant 96 : index
        %parallel_loop3A_1013 = tpu.vector_load %arg14[%parallel_loop3A_1011, %parallel_loop3A_1012] {strides = array<i32>} : memref<50x128xf32, #tpu.memory_space<vmem>>, vector<16xf32>,
        tpu.vector_store %arg14[%parallel_loop3A_1011, %parallel_loop3A_1012], %parallel_loop3A_1010 {strides = array<i32>} : memref<50x128xf32, #tpu.memory_space<vmem>>, vector<16xf32>,
        %parallel_loop3A_1014 = arith.index_cast %parallel_loop3A_960 : i32 to index
        %parallel_loop3A_1015 = arith.constant 112 : index
        %parallel_loop3A_1016 = tpu.vector_load %arg14[%parallel_loop3A_1014, %parallel_loop3A_1015] {strides = array<i32>} : memref<50x128xf32, #tpu.memory_space<vmem>>, vector<16xf32>,
        %parallel_loop3A_1017 = arith.mulf %parallel_loop3A_1016, %parallel_loop3A_964 : vector<16xf32>
        %parallel_loop3A_1018 = arith.index_cast %parallel_loop3A_960 : i32 to index
        %parallel_loop3A_1019 = arith.constant 112 : index
        %parallel_loop3A_1020 = tpu.vector_load %arg14[%parallel_loop3A_1018, %parallel_loop3A_1019] {strides = array<i32>} : memref<50x128xf32, #tpu.memory_space<vmem>>, vector<16xf32>,
        tpu.vector_store %arg14[%parallel_loop3A_1018, %parallel_loop3A_1019], %parallel_loop3A_1017 {strides = array<i32>} : memref<50x128xf32, #tpu.memory_space<vmem>>, vector<16xf32>,
      } {sc.loop_unroll_factor = 4 : i64, sc.parallel_access}
      %dma_start3A_914 = arith.constant 4 : i32
      %dma_start3A_915 = arith.constant 0 : i32
      %dma_start3A_916 = tpu.memref_slice %arg8[%dma_start3A_914, %dma_start3A_915] : memref<5x50xi32, #tpu.memory_space<vmem>> -> memref<1x50xi32, #tpu.memory_space<vmem>>
      %dma_start3A_917 = tpu.memref_squeeze %dma_start3A_916 : memref<1x50xi32, #tpu.memory_space<vmem>> -> memref<50xi32, #tpu.memory_space<vmem>>
      %dma_start3A_918 = arith.constant 0 : i32
      %dma_start3A_919 = arith.constant 0 : i32
      %dma_start3A_920 = tpu.memref_slice %arg27[%dma_start3A_918, %dma_start3A_919] : memref<10112x128xf32, #tpu.memory_space<vmem_shared>> -> memref<10112x128xf32, #tpu.memory_space<vmem_shared>>
      tpu.enqueue_indirect_dma source(%arg14 : memref<50x128xf32, #tpu.memory_space<vmem>>) target(%dma_start3A_920 : memref<10112x128xf32, #tpu.memory_space<vmem_shared>>) offsets(%dma_start3A_917 : memref<50xi32, #tpu.memory_space<vmem>>) semaphore(%arg24 : memref<!tpu.dma_semaphore, #tpu.memory_space<semaphore_mem>>) {add = true}
      %dma_wait3A_921 = arith.constant 0 : i32
      %dma_wait3A_922 = arith.constant 0 : i32
      %dma_wait3A_923 = tpu.memref_slice %arg8[%dma_wait3A_921, %dma_wait3A_922] : memref<5x50xi32, #tpu.memory_space<vmem>> -> memref<1x50xi32, #tpu.memory_space<vmem>>
      %dma_wait3A_924 = tpu.memref_squeeze %dma_wait3A_923 : memref<1x50xi32, #tpu.memory_space<vmem>> -> memref<50xi32, #tpu.memory_space<vmem>>
      %dma_wait3A_925 = arith.constant 0 : i32
      %dma_wait3A_926 = arith.constant 0 : i32
      %dma_wait3A_927 = tpu.memref_slice %arg27[%dma_wait3A_925, %dma_wait3A_926] : memref<10112x128xf32, #tpu.memory_space<vmem_shared>> -> memref<10112x128xf32, #tpu.memory_space<vmem_shared>>
      tpu.wait_indirect_dma semaphore(%arg20 : memref<!tpu.dma_semaphore, #tpu.memory_space<semaphore_mem>>) src(%arg10 : memref<50x128xf32, #tpu.memory_space<vmem>>) dst(%dma_wait3A_927 : memref<10112x128xf32, #tpu.memory_space<vmem_shared>>)
      %dma_wait3A_928 = arith.constant 1 : i32
      %dma_wait3A_929 = arith.constant 0 : i32
      %dma_wait3A_930 = tpu.memref_slice %arg8[%dma_wait3A_928, %dma_wait3A_929] : memref<5x50xi32, #tpu.memory_space<vmem>> -> memref<1x50xi32, #tpu.memory_space<vmem>>
      %dma_wait3A_931 = tpu.memref_squeeze %dma_wait3A_930 : memref<1x50xi32, #tpu.memory_space<vmem>> -> memref<50xi32, #tpu.memory_space<vmem>>
      %dma_wait3A_932 = arith.constant 0 : i32
      %dma_wait3A_933 = arith.constant 0 : i32
      %dma_wait3A_934 = tpu.memref_slice %arg27[%dma_wait3A_932, %dma_wait3A_933] : memref<10112x128xf32, #tpu.memory_space<vmem_shared>> -> memref<10112x128xf32, #tpu.memory_space<vmem_shared>>
      tpu.wait_indirect_dma semaphore(%arg21 : memref<!tpu.dma_semaphore, #tpu.memory_space<semaphore_mem>>) src(%arg11 : memref<50x128xf32, #tpu.memory_space<vmem>>) dst(%dma_wait3A_934 : memref<10112x128xf32, #tpu.memory_space<vmem_shared>>)
      %dma_wait3A_935 = arith.constant 2 : i32
      %dma_wait3A_936 = arith.constant 0 : i32
      %dma_wait3A_937 = tpu.memref_slice %arg8[%dma_wait3A_935, %dma_wait3A_936] : memref<5x50xi32, #tpu.memory_space<vmem>> -> memref<1x50xi32, #tpu.memory_space<vmem>>
      %dma_wait3A_938 = tpu.memref_squeeze %dma_wait3A_937 : memref<1x50xi32, #tpu.memory_space<vmem>> -> memref<50xi32, #tpu.memory_space<vmem>>
      %dma_wait3A_939 = arith.constant 0 : i32
      %dma_wait3A_940 = arith.constant 0 : i32
      %dma_wait3A_941 = tpu.memref_slice %arg27[%dma_wait3A_939, %dma_wait3A_940] : memref<10112x128xf32, #tpu.memory_space<vmem_shared>> -> memref<10112x128xf32, #tpu.memory_space<vmem_shared>>
      tpu.wait_indirect_dma semaphore(%arg22 : memref<!tpu.dma_semaphore, #tpu.memory_space<semaphore_mem>>) src(%arg12 : memref<50x128xf32, #tpu.memory_space<vmem>>) dst(%dma_wait3A_941 : memref<10112x128xf32, #tpu.memory_space<vmem_shared>>)
      %dma_wait3A_942 = arith.constant 3 : i32
      %dma_wait3A_943 = arith.constant 0 : i32
      %dma_wait3A_944 = tpu.memref_slice %arg8[%dma_wait3A_942, %dma_wait3A_943] : memref<5x50xi32, #tpu.memory_space<vmem>> -> memref<1x50xi32, #tpu.memory_space<vmem>>
      %dma_wait3A_945 = tpu.memref_squeeze %dma_wait3A_944 : memref<1x50xi32, #tpu.memory_space<vmem>> -> memref<50xi32, #tpu.memory_space<vmem>>
      %dma_wait3A_946 = arith.constant 0 : i32
      %dma_wait3A_947 = arith.constant 0 : i32
      %dma_wait3A_948 = tpu.memref_slice %arg27[%dma_wait3A_946, %dma_wait3A_947] : memref<10112x128xf32, #tpu.memory_space<vmem_shared>> -> memref<10112x128xf32, #tpu.memory_space<vmem_shared>>
      tpu.wait_indirect_dma semaphore(%arg23 : memref<!tpu.dma_semaphore, #tpu.memory_space<semaphore_mem>>) src(%arg13 : memref<50x128xf32, #tpu.memory_space<vmem>>) dst(%dma_wait3A_948 : memref<10112x128xf32, #tpu.memory_space<vmem_shared>>)
      %add3A_949 = arith.constant 1 : i32
      %add3A_950 = arith.addi %add3A_168, %add3A_949 : i32
      %lt3A = arith.constant 40 : i32
      %lt3A_951 = arith.cmpi slt, %add3A_950, %lt3A : i32
      %convert_element_type3A = arith.extui %lt3A_951 : i1 to i32
      %cond3A = arith.constant 0 : i32
      %cond3A_952 = arith.cmpi ne, %convert_element_type3A, %cond3A : i32
      scf.if %cond3A_952 {
        %add3A_960 = arith.constant 1 : i32
        %add3A_961 = arith.addi %add3A_168, %add3A_960 : i32
        %mul3A_962 = arith.constant 40 : i32
        %mul3A_963 = arith.muli %add3A, %mul3A_962 : i32
        %add3A_964 = arith.addi %mul3A_963, %add3A_961 : i32
        %dma_start3A_965 = arith.constant 0 : i32
        %dma_start3A_966 = arith.constant 0 : i32
        %dma_start3A_967 = arith.constant 0 : i32
        %dma_start3A_968 = tpu.memref_slice %arg4[%dma_start3A_965, %add3A_964, %dma_start3A_966, %dma_start3A_967] : memref<2x1280x5x50xi32, #tpu.memory_space<hbm>> -> memref<1x1x5x50xi32, #tpu.memory_space<hbm>>
        %dma_start3A_969 = tpu.memref_squeeze %dma_start3A_968 : memref<1x1x5x50xi32, #tpu.memory_space<hbm>> -> memref<5x50xi32, #tpu.memory_space<hbm>>
        %dma_start3A_970 = arith.constant 0 : i32
        %dma_start3A_971 = arith.constant 0 : i32
        %dma_start3A_972 = tpu.memref_slice %arg4[%dma_start3A_965, %add3A_964, %dma_start3A_970, %dma_start3A_971] : memref<2x1280x5x50xi32, #tpu.memory_space<hbm>> -> memref<1x1x5x50xi32, #tpu.memory_space<hbm>>
        %dma_start3A_973 = tpu.memref_squeeze %dma_start3A_972 : memref<1x1x5x50xi32, #tpu.memory_space<hbm>> -> memref<5x50xi32, #tpu.memory_space<hbm>>
        tpu.enqueue_dma source(%dma_start3A_973 : memref<5x50xi32, #tpu.memory_space<hbm>>) target(%arg7 : memref<5x50xi32, #tpu.memory_space<vmem>>) target_semaphore(%arg25 : memref<!tpu.dma_semaphore, #tpu.memory_space<semaphore_mem>>)
        %dma_start3A_974 = arith.constant 1 : i32
        %dma_start3A_975 = arith.constant 0 : i32
        %dma_start3A_976 = arith.constant 0 : i32
        %dma_start3A_977 = tpu.memref_slice %arg4[%dma_start3A_974, %add3A_964, %dma_start3A_975, %dma_start3A_976] : memref<2x1280x5x50xi32, #tpu.memory_space<hbm>> -> memref<1x1x5x50xi32, #tpu.memory_space<hbm>>
        %dma_start3A_978 = tpu.memref_squeeze %dma_start3A_977 : memref<1x1x5x50xi32, #tpu.memory_space<hbm>> -> memref<5x50xi32, #tpu.memory_space<hbm>>
        %dma_start3A_979 = arith.constant 0 : i32
        %dma_start3A_980 = arith.constant 0 : i32
        %dma_start3A_981 = tpu.memref_slice %arg4[%dma_start3A_974, %add3A_964, %dma_start3A_979, %dma_start3A_980] : memref<2x1280x5x50xi32, #tpu.memory_space<hbm>> -> memref<1x1x5x50xi32, #tpu.memory_space<hbm>>
        %dma_start3A_982 = tpu.memref_squeeze %dma_start3A_981 : memref<1x1x5x50xi32, #tpu.memory_space<hbm>> -> memref<5x50xi32, #tpu.memory_space<hbm>>
        tpu.enqueue_dma source(%dma_start3A_982 : memref<5x50xi32, #tpu.memory_space<hbm>>) target(%arg8 : memref<5x50xi32, #tpu.memory_space<vmem>>) target_semaphore(%arg26 : memref<!tpu.dma_semaphore, #tpu.memory_space<semaphore_mem>>)
      } else {
      }
      %dma_wait3A_953 = arith.constant 4 : i32
      %dma_wait3A_954 = arith.constant 0 : i32
      %dma_wait3A_955 = tpu.memref_slice %arg8[%dma_wait3A_953, %dma_wait3A_954] : memref<5x50xi32, #tpu.memory_space<vmem>> -> memref<1x50xi32, #tpu.memory_space<vmem>>
      %dma_wait3A_956 = tpu.memref_squeeze %dma_wait3A_955 : memref<1x50xi32, #tpu.memory_space<vmem>> -> memref<50xi32, #tpu.memory_space<vmem>>
      %dma_wait3A_957 = arith.constant 0 : i32
      %dma_wait3A_958 = arith.constant 0 : i32
      %dma_wait3A_959 = tpu.memref_slice %arg27[%dma_wait3A_957, %dma_wait3A_958] : memref<10112x128xf32, #tpu.memory_space<vmem_shared>> -> memref<10112x128xf32, #tpu.memory_space<vmem_shared>>
      tpu.wait_indirect_dma semaphore(%arg24 : memref<!tpu.dma_semaphore, #tpu.memory_space<semaphore_mem>>) src(%arg14 : memref<50x128xf32, #tpu.memory_space<vmem>>) dst(%dma_wait3A_959 : memref<10112x128xf32, #tpu.memory_space<vmem_shared>>)
    }
    %scan3A_162 = arith.constant 40 : i32
    %barrier3A_163 = arith.constant 0 : index
    tpu.barrier barrier_id(%barrier3A_163)
    "tpu.region"() ({
      %run_scoped3A = tpu.sem_alloc : memref<!tpu.dma_semaphore, #tpu.memory_space<semaphore_mem>>
      %dma_start3A_164 = arith.constant 0 : i32
      %dma_start3A_165 = tpu.memref_slice %arg5[%arg0, %mul3A_2, %dma_start3A_164] : memref<2x10112x128xf32, #tpu.memory_space<hbm>> -> memref<1x632x128xf32, #tpu.memory_space<hbm>>
      %dma_start3A_166 = tpu.memref_squeeze %dma_start3A_165 : memref<1x632x128xf32, #tpu.memory_space<hbm>> -> memref<632x128xf32, #tpu.memory_space<hbm>>
      %dma_start3A_167 = arith.constant 0 : i32
      %dma_start3A_168 = tpu.memref_slice %arg27[%mul3A_2, %dma_start3A_167] : memref<10112x128xf32, #tpu.memory_space<vmem_shared>> -> memref<632x128xf32, #tpu.memory_space<vmem_shared>>
      tpu.enqueue_dma source(%dma_start3A_168 : memref<632x128xf32, #tpu.memory_space<vmem_shared>>) target(%dma_start3A_166 : memref<632x128xf32, #tpu.memory_space<hbm>>) target_semaphore(%run_scoped3A : memref<!tpu.dma_semaphore, #tpu.memory_space<semaphore_mem>>)
      %dma_wait3A_169 = arith.constant 0 : i32
      %dma_wait3A_170 = tpu.memref_slice %arg5[%arg0, %mul3A_2, %dma_wait3A_169] : memref<2x10112x128xf32, #tpu.memory_space<hbm>> -> memref<1x632x128xf32, #tpu.memory_space<hbm>>
      %dma_wait3A_171 = tpu.memref_squeeze %dma_wait3A_170 : memref<1x632x128xf32, #tpu.memory_space<hbm>> -> memref<632x128xf32, #tpu.memory_space<hbm>>
      %dma_wait3A_172 = arith.constant 0 : i32
      %dma_wait3A_173 = tpu.memref_slice %arg27[%mul3A_2, %dma_wait3A_172] : memref<10112x128xf32, #tpu.memory_space<vmem_shared>> -> memref<632x128xf32, #tpu.memory_space<vmem_shared>>
      tpu.wait_dma2 semaphore(%run_scoped3A : memref<!tpu.dma_semaphore, #tpu.memory_space<semaphore_mem>>) src(%dma_wait3A_173 : memref<632x128xf32, #tpu.memory_space<vmem_shared>>) dst(%dma_wait3A_171 : memref<632x128xf32, #tpu.memory_space<hbm>>)
      tpu.yield
    }) : () -> ()
    return
  }
}

module attributes {stable_mosaic.version = 14 : i64} {
  func.func @_tc_pre_body(%arg0: memref<10000x128xf32, #tpu.memory_space<vmem>>, %arg1: memref<128x128xf32, #tpu.memory_space<vmem>>, %arg2: memref<1x256xf32, #tpu.memory_space<vmem>>, %arg3: memref<10000x128xf32, #tpu.memory_space<vmem>>, %arg4: memref<10000xi32, #tpu.memory_space<vmem>>) attributes {dimension_semantics = [], scalar_prefetch = 0 : i64, scratch_operands = 0 : i64, tpu.core_type = #tpu.core_type<tc>} {
    %get3A = arith.constant 0 : index
    %get3A_0 = arith.constant 0 : index
    %get3A_1 = vector.load %arg0[%get3A, %get3A_0] : memref<10000x128xf32, #tpu.memory_space<vmem>>, vector<10000x128xf32>
    %get3A_2 = arith.constant 0 : index
    %get3A_3 = arith.constant 0 : index
    %get3A_4 = vector.load %arg1[%get3A_2, %get3A_3] : memref<128x128xf32, #tpu.memory_space<vmem>>, vector<128x128xf32>
    %transpose3A = tpu.transpose %get3A_4, [1, 0] : vector<128x128xf32> -> vector<128x128xf32>
    %dot_general3A = arith.constant dense<0.000000e+00> : vector<10000x128xf32>
    %dot_general3A_5 = tpu.matmul %get3A_1, %transpose3A, %dot_general3A {dimension_numbers = #tpu.dot_dimension_numbers<[1], [0], [0], [1], [0, 0, 1, 1], [], []>, transpose_lhs_hint = false} : vector<10000x128xf32>, vector<128x128xf32>, vector<10000x128xf32> -> vector<10000x128xf32>
    %swap3A = arith.constant 0 : index
    %swap3A_6 = arith.constant 0 : index
    %swap3A_7 = vector.load %arg3[%swap3A, %swap3A_6] : memref<10000x128xf32, #tpu.memory_space<vmem>>, vector<10000x128xf32>
    tpu.vector_store %arg3[%swap3A, %swap3A_6], %dot_general3A_5 {strides = array<i32>} : memref<10000x128xf32, #tpu.memory_space<vmem>>, vector<10000x128xf32>,
    %get3A_8 = arith.constant 0 : index
    %get3A_9 = arith.constant 0 : index
    %get3A_10 = vector.load %arg2[%get3A_8, %get3A_9] : memref<1x256xf32, #tpu.memory_space<vmem>>, vector<1x128xf32>
    %get3A_11 = vector.shape_cast %get3A_10 : vector<1x128xf32> to vector<128xf32>
    %get3A_12 = arith.constant 0 : index
    %get3A_13 = arith.constant 128 : index
    %get3A_14 = vector.load %arg2[%get3A_12, %get3A_13] : memref<1x256xf32, #tpu.memory_space<vmem>>, vector<1x128xf32>
    %get3A_15 = vector.shape_cast %get3A_14 : vector<1x128xf32> to vector<128xf32>
    %broadcast_in_dim3A = vector.shape_cast %get3A_11 : vector<128xf32> to vector<1x128xf32>
    %mul3A = vector.broadcast %broadcast_in_dim3A : vector<1x128xf32> to vector<10000x128xf32>
    %mul3A_16 = arith.mulf %dot_general3A_5, %mul3A : vector<10000x128xf32>
    %reduce_sum3A = arith.constant dense<0.000000e+00> : vector<10000xf32>
    %reduce_sum3A_17 = vector.multi_reduction <add>, %mul3A_16, %reduce_sum3A [1] : vector<10000x128xf32> to vector<10000xf32>
    %broadcast_in_dim3A_18 = vector.shape_cast %get3A_15 : vector<128xf32> to vector<1x128xf32>
    %mul3A_19 = vector.broadcast %broadcast_in_dim3A_18 : vector<1x128xf32> to vector<10000x128xf32>
    %mul3A_20 = arith.mulf %dot_general3A_5, %mul3A_19 : vector<10000x128xf32>
    %reduce_sum3A_21 = arith.constant dense<0.000000e+00> : vector<10000xf32>
    %reduce_sum3A_22 = vector.multi_reduction <add>, %mul3A_20, %reduce_sum3A_21 [1] : vector<10000x128xf32> to vector<10000xf32>
    %convert_element_type3A = arith.truncf %reduce_sum3A_17 : vector<10000xf32> to vector<10000xbf16>
    %convert_element_type3A_23 = arith.extf %convert_element_type3A : vector<10000xbf16> to vector<10000xf32>
    %bitcast_convert_type3A = tpu.bitcast %convert_element_type3A_23 : vector<10000xf32> -> vector<10000xi32>
    %convert_element_type3A_24 = arith.truncf %reduce_sum3A_22 : vector<10000xf32> to vector<10000xbf16>
    %convert_element_type3A_25 = arith.extf %convert_element_type3A_24 : vector<10000xbf16> to vector<10000xf32>
    %bitcast_convert_type3A_26 = tpu.bitcast %convert_element_type3A_25 : vector<10000xf32> -> vector<10000xi32>
    %shift_right_logical3A = arith.constant 16 : i32
    %shift_right_logical3A_27 = vector.broadcast %shift_right_logical3A : i32 to vector<10000xi32>
    %shift_right_logical3A_28 = arith.shrui %bitcast_convert_type3A, %shift_right_logical3A_27 : vector<10000xi32>
    %and3A = arith.constant -65536 : i32
    %and3A_29 = vector.broadcast %and3A : i32 to vector<10000xi32>
    %and3A_30 = arith.andi %bitcast_convert_type3A_26, %and3A_29 : vector<10000xi32>
    %or3A = arith.ori %shift_right_logical3A_28, %and3A_30 : vector<10000xi32>
    %bitcast_convert_type3A_31 = tpu.bitcast %or3A : vector<10000xi32> -> vector<10000xi32>
    %swap3A_32 = arith.constant 0 : index
    %swap3A_33 = vector.load %arg4[%swap3A_32] : memref<10000xi32, #tpu.memory_space<vmem>>, vector<10000xi32>
    tpu.vector_store %arg4[%swap3A_32], %bitcast_convert_type3A_31 {strides = array<i32>} : memref<10000xi32, #tpu.memory_space<vmem>>, vector<10000xi32>,
    return
  }
}

module attributes {stable_mosaic.version = 14 : i64} {
  func.func @_tc_add_body(%arg0: memref<2x10112x128xf32, #tpu.memory_space<vmem>>, %arg1: memref<10000x128xf32, #tpu.memory_space<vmem>>) attributes {dimension_semantics = [], scalar_prefetch = 0 : i64, scratch_operands = 0 : i64, tpu.core_type = #tpu.core_type<tc>} {
    %get3A = arith.constant 0 : index
    %get3A_0 = arith.constant 0 : index
    %get3A_1 = arith.constant 0 : index
    %get3A_2 = vector.load %arg0[%get3A, %get3A_0, %get3A_1] : memref<2x10112x128xf32, #tpu.memory_space<vmem>>, vector<1x10000x128xf32>
    %get3A_3 = vector.shape_cast %get3A_2 : vector<1x10000x128xf32> to vector<10000x128xf32>
    %get3A_4 = arith.constant 1 : index
    %get3A_5 = arith.constant 0 : index
    %get3A_6 = arith.constant 0 : index
    %get3A_7 = vector.load %arg0[%get3A_4, %get3A_5, %get3A_6] : memref<2x10112x128xf32, #tpu.memory_space<vmem>>, vector<1x10000x128xf32>
    %get3A_8 = vector.shape_cast %get3A_7 : vector<1x10000x128xf32> to vector<10000x128xf32>
    %add3A = arith.addf %get3A_3, %get3A_8 : vector<10000x128xf32>
    %swap3A = arith.constant 0 : index
    %swap3A_9 = arith.constant 0 : index
    %swap3A_10 = vector.load %arg1[%swap3A, %swap3A_9] : memref<10000x128xf32, #tpu.memory_space<vmem>>, vector<10000x128xf32>
    tpu.vector_store %arg1[%swap3A, %swap3A_9], %add3A {strides = array<i32>} : memref<10000x128xf32, #tpu.memory_space<vmem>>, vector<10000x128xf32>,
    return
  }
}

</mosaic_0001>

<sc_bundles>
// kernel: kernel.5.cloned.1.call-start
scs
__scs_entry_jumppad:
0x0: {  	(pc) =	sbr.rel $0x88, $3  }
0x1: {  	(tag) =	ssettag $0x0;
	lr =	simm.s32 $0x1  }
0x2: {  	[smem:$0x3F9D] =	sst lr;
	_ =	strace $0xD0000000  }
0x3: {  	_ = 	snop  }
0x4: {  	_ = 	snop  }
0x5: {  	_ = 	snop  }
0x6: {  	_ = 	snop  }
0x7: {  	_ = 	snop  }
__scs_overlays_trampoline_lowered:
0x8: {  	[smem:$0x3FAC] =	sst s0  }
0x9: {  	[smem:$0x3FAD] =	sst s1  }
0xa: {  	[smem:$0x3FAE] =	sst s2  }
0xb: {  	[smem:$0x3FAF] =	sst s3  }
0xc: {  	[smem:$0x3FB0] =	sst s4  }
0xd: {  	[smem:$0x3FB1] =	sst s5  }
0xe: {  	[smem:$0x3FB2] =	sst s6  }
0xf: {  	[smem:$0x3FB3] =	sst s7  }
0x10: {  	[smem:$0x3FB4] =	sst s8  }
0x11: {  	[smem:$0x3FB5] =	sst s9;
	s0 =	simm.s32 @!p0 $0x0  }
0x12: {  	s1 =	sld [smem:$0x3F9B];
	s0 =	simm.s32 @p0 $0x1  }
0x13: {  	[smem:$0x3FB6] =	sst s0;
	s0 =	simm.s32 @!p1 $0x0  }
0x14: {  	s2 =	sld [smem:$0x3F9A];
	s0 =	simm.s32 @p1 $0x1  }
0x15: {  	[smem:$0x3FB7] =	sst s0;
	s0 =	simm.s32 @!p2 $0x0  }
0x16: {  	s3 =	sld [smem:$0x3FDB];
	s0 =	simm.s32 @p2 $0x1  }
0x17: {  	s4 =	simm.s32 $0x1BF5;
	[smem:$0x3FB9] =	sst s0  }
0x18: {  	s0 =	sld [smem:$0x3F9C];
	_ =	swait.ge [sflag:s4], $0x0  }
0x19: {  	s7 =	sld [smem:$0x3F9D]  }
0x1a: {  	s8 =	sadd.s32 $0xFFFFE003, lr  }
0x1b: {  	s9 =	sadd.s32 $0xFFFFFEF7, lr;
	s5 =	simm.s32 $0xFFFFFFFF;
	p2 =	slt.u32 s8, $0xFFFFF086  }
0x1c: {  	p1 =	slt.u32 s9, $0xF7A;
	s5 =	simm.s32 @!p2 $0x0  }
0x1d: {  	s5 =	simm.s32 @p1 $0x1;
	p0 =	seq.s32 s7, s2  }
0x1e: {  	s7 =	smul.u32 @!p0 $0xF7A, s2;
	p2 =	seq.s32 @!p0 s5, $0x0  }
0x1f: {  	s9 =	smul.u32 $0xF7A, s1;
	s8 =	simm.s32 @!p0 $0x1BF5;
	p2 =	por !p2, p0  }
0x20: {  	[sflag:s8] =	ssyncset.s32 @!p0 $0xFFFFF086;
	s6 =	sadd.s32 @!p0 s3, s7;
	s7 =	simm.s32 @!p0 $0x108  }
0x21: {  	s3 =	sadd.s32 s3, s9;
	s6 =	sadd.s32 @!p0 $0x88, s6;
	s7 =	simm.s32 @p2 $0x1082  }
0x22: {  	[simem:s7], [sflag:s8] =	dma.local @!p0 [hbm:s6], $0xF7A  }
0x23: {  	s9 =	sor.u32 $0xD0000000, s2;
	s6 =	simm.s32 $0x108;
	_ =	swait.ge @!p0 [sflag:s8], $0x0  }
0x24: {  	s3 =	sadd.s32 $0x88, s3;
	s6 =	simm.s32 @!p1 $0x1082;
	[sflag:s4] =	ssyncset.s32 $0xFFFFF086  }
0x25: {  	[simem:s6], [sflag:s4] =	dma.local [hbm:s3], $0xF7A  }
0x26: {  	[smem:$0x3F9D] =	sst s1;
	(tag) =	ssettag s2;
	_ =	strace s9  }
0x27: {  	s1 =	sld [smem:$0x3FAD]  }
0x28: {  	s2 =	sld [smem:$0x3FAE]  }
0x29: {  	s4 =	sld [smem:$0x3FB0]  }
0x2a: {  	p0 =	seq.s32 s5, $0x0;
	s5 =	sld [smem:$0x3FB1]  }
0x2b: {  	s6 =	sld [smem:$0x3FB2]  }
0x2c: {  	s7 =	sld [smem:$0x3FB3]  }
0x2d: {  	s3 =	simm.s32 $0x108;
	s8 =	sld [smem:$0x3FB4]  }
0x2e: {  	s3 =	simm.s32 @!p0 $0x1082;
	s9 =	sld [smem:$0x3FB5]  }
0x2f: {  	lr =	sadd.s32 s0, s3;
	s0 =	sld [smem:$0x3FAC]  }
0x30: {  	s3 =	sld [smem:$0x3FAF]  }
0x31: {  	[smem:$0x3FB8] =	sst s10  }
0x32: {  	s10 =	sld [smem:$0x3FB6];
	_ =	sdelay $0x3  }
0x33: {  	p0 =	seq.s32 s10, $0x1;
	s10 =	sld [smem:$0x3FB8];
	_ =	sdelay $0x3  }
0x34: {  	[smem:$0x3FB8] =	sst s10  }
0x35: {  	s10 =	sld [smem:$0x3FB7];
	_ =	sdelay $0x3  }
0x36: {  	p1 =	seq.s32 s10, $0x1;
	s10 =	sld [smem:$0x3FB8];
	_ =	sdelay $0x3  }
0x37: {  	[smem:$0x3FB8] =	sst s10  }
0x38: {  	s10 =	sld [smem:$0x3FB9]  }
0x39: {  	_ = 	snop;
	(pc) =	sbr.ind lr, $3  }
0x3a: {  	_ = 	snop  }
0x3b: {  	_ = 	snop  }
0x3c: {  	p2 =	seq.s32 s10, $0x1;
	s10 =	sld [smem:$0x3FB8]  }
0x3d: {  	_ =	shalt  }
0x3e: {  	_ =	shalt  }
0x3f: {  	_ =	shalt  }
0x40: {  	_ =	shalt  }
0x41: {  	_ =	shalt  }
0x42: {  	_ =	shalt  }
0x43: {  	_ =	shalt  }
0x44: {  	_ =	shalt  }
0x45: {  	_ =	shalt  }
0x46: {  	_ =	shalt  }
0x47: {  	_ =	shalt  }
0x48: {  	_ =	shalt  }
0x49: {  	_ =	shalt  }
0x4a: {  	_ =	shalt  }
0x4b: {  	_ =	shalt  }
0x4c: {  	_ =	shalt  }
0x4d: {  	_ =	shalt  }
0x4e: {  	_ =	shalt  }
0x4f: {  	_ =	shalt  }
0x50: {  	_ =	shalt  }
0x51: {  	_ =	shalt  }
0x52: {  	_ =	shalt  }
0x53: {  	_ =	shalt  }
0x54: {  	_ =	shalt  }
0x55: {  	_ =	shalt  }
0x56: {  	_ =	shalt  }
0x57: {  	_ =	shalt  }
0x58: {  	_ =	shalt  }
0x59: {  	_ =	shalt  }
0x5a: {  	_ =	shalt  }
0x5b: {  	_ =	shalt  }
0x5c: {  	_ =	shalt  }
0x5d: {  	_ =	shalt  }
0x5e: {  	_ =	shalt  }
0x5f: {  	_ =	shalt  }
0x60: {  	_ =	shalt  }
0x61: {  	_ =	shalt  }
0x62: {  	_ =	shalt  }
0x63: {  	_ =	shalt  }
0x64: {  	_ =	shalt  }
0x65: {  	_ =	shalt  }
0x66: {  	_ =	shalt  }
0x67: {  	_ =	shalt  }
0x68: {  	_ =	shalt  }
0x69: {  	_ =	shalt  }
0x6a: {  	_ =	shalt  }
0x6b: {  	_ =	shalt  }
0x6c: {  	_ =	shalt  }
0x6d: {  	_ =	shalt  }
0x6e: {  	_ =	shalt  }
0x6f: {  	_ =	shalt  }
0x70: {  	_ =	shalt  }
0x71: {  	_ =	shalt  }
0x72: {  	_ =	shalt  }
0x73: {  	_ =	shalt  }
0x74: {  	_ =	shalt  }
0x75: {  	_ =	shalt  }
0x76: {  	_ =	shalt  }
0x77: {  	_ =	shalt  }
0x78: {  	_ =	shalt  }
0x79: {  	_ =	shalt  }
0x7a: {  	_ =	shalt  }
0x7b: {  	_ =	shalt  }
0x7c: {  	_ =	shalt  }
0x7d: {  	_ =	shalt  }
0x7e: {  	_ =	shalt  }
0x7f: {  	_ =	shalt  }
0x80: {  	_ =	shalt  }
0x81: {  	_ =	shalt  }
0x82: {  	_ =	shalt  }
0x83: {  	_ =	shalt  }
0x84: {  	_ =	shalt  }
0x85: {  	_ =	shalt  }
0x86: {  	_ =	shalt  }
0x87: {  	_ =	shalt  }
.Lfunc_end0:
.L_simem_size_0:
called_computation_lowered:
.L_overlay_start_0:
0x88: {  	s2 =	sld [smem:$0x3FD9]  }
0x89: {  	s3 =	sld [smem:$0x3FFE];
	_ =	sdelay $0x1  }
0x8a: {  	s1 =	srdreg.scid  }
0x8b: {  	s0 =	sand.u32 $0x1, s1  }
0x8c: {  	s17 =	sshll.u32 s0, $0xA;
	s2 =	sadd.s32 s3, s2  }
0x8d: {  	s2 =	sadd.s32 s2, s17  }
0x8e: {  	[smem:$0x3FC4] =	sst s2  }
0x8f: {  	_ = 	snop  }
0x90: {  	s2 =	sld [smem:$0x3FD0];
	(tm) =	ssettm $0x1  }
0x91: {  	s18 =	sld [smem:$0x3FFB];
	_ =	sdelay $0x3  }
0x92: {  	_ =	strace s18  }
0x93: {  	s3 =	sld [smem:$0x3FFC];
	_ =	sdelay $0x3  }
0x94: {  	_ =	strace s3  }
0x95: {  	s3 =	sld [smem:$0x3FFD];
	_ =	sdelay $0x3  }
0x96: {  	_ =	strace s3  }
0x97: {  	_ =	strace $0x8FFFFFFF  }
0x98: {  	s19 =	sld [smem:$0x3FDB];
	_ =	sdelay $0x1  }
0x99: {  	s4 =	simm.s32 $_scs_section_size  }
0x9a: {  	s5 =	simm.s32 $_size__tile_overlayer_lowered;
	s6 =	simm.s32 $_tile_overlayer_lowered  }
0x9b: {  	s22 =	simm.s32 $0x1BFF;
	s21 =	sshll.u32 s6, $0x1;
	s3 =	sadd.s32 s4, s19  }
0x9c: {  	s7 =	simm.s32 $0x0;
	s20 =	sshll.u32 s5, $0x1;
	s5 =	sadd.s32 s21, s3  }
0x9d: {  	[timem:s7], [sflag:s22] =	dma.local [hbm:s5], s20  }
0x9e: {  	_ =	swait.ge [sflag:s22], s20  }
0x9f: {  	s4 =	ssub.s32 $0x0, s20;
	[sflag:s22] =	ssyncset.done $0x0  }
0xa0: {  	[sflag:s22] =	ssyncadd.s32 s4;
	_ =	sdelay $0x1  }
0xa1: {  	s23 =	simm.s32 $0x1B8B  }
0xa2: {  	_ =	swait.ge [sflag:s23], $0x1  }
0xa3: {  	[sflag:s23] =	ssyncset.done $0x0  }
0xa4: {  	s25 =	simm.s32 $0x1B8E;
	s24 =	sld [smem:$0x3FFE];
	[sflag:s23] =	ssyncadd.s32 $0xFFFFFFFF  }
0xa5: {  	s26 =	simm.s32 $execute0_lowered;
	[smem:$0x3FD2] =	sst s25  }
0xa6: {  	s5 =	sshll.u32 s26, $0x1;
	_ =	strace $0x80000046;
	[dreg:$0x1] =	wrdreg $0xFFFFFFFF  }
0xa7: {  	s28 =	simm.s32 $_size_execute0_lowered;
	s3 =	sadd.s32 s3, s5;
	[dreg:$0x0] =	wrdreg $0x0  }
0xa8: {  	s5 =	sshll.u32 s28, $0x1;
	[dreg:$0x2] =	wrdreg s3  }
0xa9: {  	[dreg:$0x3] =	wrdreg s5  }
0xaa: {  	[dreg:$0x4] =	wrdreg $0xC0  }
0xab: {  	_ =	task [dreg:s7], $0x5FFFF  }
0xac: {  	[dreg:$0x1] =	wrdreg $0xFFFFFFFF  }
0xad: {  	[dreg:$0x0] =	wrdreg $0x60  }
0xae: {  	[dreg:$0x2] =	wrdreg s2  }
0xaf: {  	[dreg:$0x3] =	wrdreg s24  }
0xb0: {  	[dreg:$0x4] =	wrdreg $0xBC800  }
0xb1: {  	[dreg:$0x5] =	wrdreg $0x9  }
0xb2: {  	_ =	task.clear_ibuf [dreg:s7], $0x6FFFF;
	_ =	strace $0x90000046  }
0xb3: {  	s29 =	simm.s32 $0x9;
	_ =	strace $0x80000048  }
0xb4: {  	_ =	swait.ge [sflag:s29], $0x1  }
0xb5: {  	[sflag:s29] =	ssyncadd.s32 $0xFFFFFFFF  }
0xb6: {  	_ =	strace $0x90000048  }
0xb7: {  	_ =	sfence  }
0xb8: {  	s30 =	sld [smem:$0x0];
	_ =	sdelay $0x2  }
0xb9: {  	s31 =	sshll.u32 s1, $0xD;
	s1 =	sshrl.u32 s1, $0x2  }
0xba: {  	s3 =	sand.u32 $0x4000, s31;
	s1 =	sadd.s32 s1, s30  }
0xbb: {  	s0 =	sor.u32 s3, s0;
	s1 =	sshll.u32 s1, $0x11  }
0xbc: {  	s0 =	sor.u32 s1, s0  }
0xbd: {  	s0 =	sadd.s32 $0x8F2B, s0  }
0xbe: {  	[sflag:s0] =	ssyncadd.remote.s32 $0x1  }
0xbf: {  	_ =	sfence.sel $0xFFFF  }
0xc0: {  	[dreg:$0x0] =	wrdreg $0xFFFFFFFF;
	(pc) =	sbr.abs _section_cstart, $3  }
0xc1: {  	[dreg:$0x1] =	wrdreg $0xFFFFFFFF  }
0xc2: {  	_ =	task.clear_ibuf [dreg:s7], $0x2FFFF;
	_ =	strace $0x9FFFFFFF  }
0xc3: {  	(tm) =	ssettm $0x7FFFFFFF  }
tec
execute0_lowered:
.L_overlay_start_1:
0x0: {  	(tag) =	ssettag $0x1  }
0x1: {  	s0 =	rddreg [dreg:$0x0]  }
0x2: {  	s1 =	rddreg [dreg:$0x1]  }
0x3: {  	s2 =	srdreg.scid;
	s6 =	stileid.u32  }
0x4: {  	s3 =	rddreg [dreg:$0x2];
	s2 =	sand.u32 $0x1, s2;
	s5 =	smul.u32 $0x13C00, s6  }
0x5: {  	s4 =	smul.u32 $0x13C000, s2;
	s12 =	ssub.s32 $0x2, s2;
	s2 =	sshll.u32 s2, $0x4  }
0x6: {  	s7 =	simm.s32 $0x0;
	s11 =	smul.u32 $0x4F000, s6;
	s2 =	sor.u32 s6, s2  }
0x7: {  	[smem:$0x7FF] =	sst s7;
	s10 =	sadd.s32 $0x51200, s1;
	s17 =	smul.u32 $0xA000, s2  }
0x8: {  	_ =	strace $0x80000047;
	s8 =	sshrl.u32 s12, $0x1;
	s2 =	smul.u32 $0x28, s2  }
0x9: {  	[dreg:$0x4] =	wrdreg s10;
	s4 =	sadd.s32 s5, s4;
	s7 =	ssub.s32 s12, s8  }
0xa: {  	s5 =	sshrl.u32 s11, $0x2;
	s31 =	smax.u32 s7, $0x1;
	[dreg:$0x13] =	wrdreg s2  }
0xb: {  	s19 =	sadd.s32 s5, s3;
	[dreg:$0x17] =	wrdreg s31  }
0xc: {  	s5 =	sadd.s32 $0x1900, s19;
	[dreg:$0x5] =	wrdreg s19  }
0xd: {  	s28 =	simm.s32 $0x3080;
	s13 =	sadd.s32 $0x3200, s19;
	[dreg:$0x6] =	wrdreg s5  }
0xe: {  	s29 =	simm.s32 $0x1;
	s14 =	sadd.s32 $0x4B00, s19;
	[dreg:$0x7] =	wrdreg s13  }
0xf: {  	s9 =	sadd.s32 $0x1200, s1;
	s15 =	sadd.s32 $0x6400, s19;
	[dreg:$0x8] =	wrdreg s14  }
0x10: {  	s10 =	simm.s32 $0x6880;
	s16 =	sadd.s32 $0x7D00, s19;
	[dreg:$0x9] =	wrdreg s15  }
0x11: {  	s8 =	smov.u32 s9;
	s18 =	sadd.s32 $0x9600, s19;
	[dreg:$0xa] =	wrdreg s16  }
0x12: {  	s12 =	simm.s32 $0x8480;
	s20 =	sadd.s32 $0xAF00, s19;
	[dreg:$0xb] =	wrdreg s18  }
0x13: {  	s11 =	simm.s32 $0xA;
	s21 =	sadd.s32 $0xC800, s19;
	[dreg:$0xc] =	wrdreg s20  }
0x14: {  	s4 =	sshrl.u32 s4, $0x3;
	s22 =	sadd.s32 $0xE100, s19;
	[dreg:$0xd] =	wrdreg s21  }
0x15: {  	s7 =	simm.s32 $0x6;
	s23 =	sadd.s32 $0xFA00, s19;
	[dreg:$0xe] =	wrdreg s22  }
0x16: {  	s4 =	sadd.s32 s4, s1;
	s24 =	sadd.s32 $0x11300, s19;
	[dreg:$0xf] =	wrdreg s23  }
0x17: {  	s25 =	sadd.s32 $0x12300, s19;
	s1 =	sadd.s32 $0x29200, s1;
	[dreg:$0x10] =	wrdreg s24  }
0x18: {  	s2 =	simm.s32 $0x32;
	s5 =	sshrl.u32 s17, $0x3;
	[dreg:$0x11] =	wrdreg s25  }
0x19: {  	[dreg:$0x15] =	wrdreg s1;
	s30 =	sadd.s32 $0x51800, s4;
	s17 =	simm.s32 $0xD  }
0x1a: {  	s1 =	simm.s32 $0xB;
	s4 =	simm.s32 $0xC;
	s23 =	simm.s32 $0x4C80  }
0x1b: {  	s14 =	simm.s32 $0xA080;
	s15 =	simm.s32 $0x2F80;
	s16 =	simm.s32 $0x2  }
0x1c: {  	s18 =	simm.s32 $0x3;
	s22 =	simm.s32 $0x4;
	s25 =	simm.s32 $0x5  }
0x1d: {  	s13 =	simm.s32 $0x0;
	s5 =	sadd.s32 s9, s5;
	[dreg:$0x16] =	wrdreg s30  }
0x1e: {  	s9 =	simm.s32 $0x9;
	[dreg:$0x12] =	wrdreg s5;
	s26 =	sadd.s32 $0x28000, s5  }
0x1f: {  	v0 =	vimm.f32 $0.0e+00;
	s5 =	simm.s32 $0x8;
	[dreg:$0x14] =	wrdreg s26;
	s26 =	simm.s32 $0x7  }
.LBB2_1:
0x20: {  	[dreg:$0x18] =	wrdreg s13  }
0x21: {  	s6 =	simm.s32 $0x0;
	s31 =	rddreg [dreg:$0x4]  }
0x22: {  	[tilespmem:s6], [sflag:$0xD] =	stream.linear.gather [hbm4b:s31+s6], $0x2780, $0x38;
	[tilespmem:$0x1F880] =	vst v63  }
0x23: {  	_ =	swait.ge [sflag:s17], $0x2780  }
0x24: {  	[sflag:s17] =	ssyncset.done $0x0  }
0x25: {  	s13 =	simm.s32 $0x0;
	[sflag:s17] =	ssyncadd.s32 $0xFFFFD880;
	s17 =	simm.s32 $0x200  }
.LBB2_2:
0x26: {  	p0 =	sne.s32 s17, $0x6200;
	[tilespmem:s13+$0x30F0] =	vst v0  }
0x27: {  	[tilespmem:s13+$0x3080] =	vst v0  }
0x28: {  	[tilespmem:s13+$0x3090] =	vst v0  }
.Ltmp0:
0x29: {  	[tilespmem:s13+$0x30A0] =	vst v0;
	(pc) =	sbr.rel @p0 .LBB2_2-.Ltmp0, $4  }
0x2a: {  	[tilespmem:s13+$0x30B0] =	vst v0  }
0x2b: {  	[tilespmem:s13+$0x30C0] =	vst v0  }
0x2c: {  	[tilespmem:s13+$0x30D0] =	vst v0  }
0x2d: {  	[tilespmem:s13+$0x30E0] =	vst v0;
	s13 =	sshra.s32 s17, $0x2;
	s17 =	sadd.s32 $0x200, s17  }
0x2e: {  	[tilespmem:s13+$0x30F0] =	vst v0  }
0x2f: {  	[tilespmem:s13+$0x3080] =	vst v0  }
0x30: {  	[tilespmem:s13+$0x3090] =	vst v0  }
0x31: {  	[tilespmem:s13+$0x30A0] =	vst v0  }
0x32: {  	[tilespmem:s13+$0x30B0] =	vst v0  }
0x33: {  	[tilespmem:s13+$0x30C0] =	vst v0  }
0x34: {  	[tilespmem:s13+$0x30D0] =	vst v0  }
0x35: {  	[tilespmem:s13+$0x30E0] =	vst v0  }
0x36: {  	[spmem:s19] =	stream.linear.scatter [tilespmem:s28], [sflag:$0x1], $0x1900, $0x38;
	[tilespmem:$0x1F880] =	vst v63  }
0x37: {  	s6 =	rddreg [dreg:$0x6]  }
0x38: {  	[spmem:s6] =	stream.linear.scatter [tilespmem:s28], [sflag:$0x1], $0x1900, $0x38;
	[tilespmem:$0x1F880] =	vst v63  }
0x39: {  	s19 =	rddreg [dreg:$0x7]  }
0x3a: {  	[spmem:s19] =	stream.linear.scatter [tilespmem:s28], [sflag:$0x1], $0x1900, $0x38;
	[tilespmem:$0x1F880] =	vst v63  }
0x3b: {  	s20 =	rddreg [dreg:$0x8]  }
0x3c: {  	[spmem:s20] =	stream.linear.scatter [tilespmem:s28], [sflag:$0x1], $0x1900, $0x38;
	[tilespmem:$0x1F880] =	vst v63  }
0x3d: {  	s21 =	rddreg [dreg:$0x9]  }
0x3e: {  	[spmem:s21] =	stream.linear.scatter [tilespmem:s28], [sflag:$0x1], $0x1900, $0x38;
	[tilespmem:$0x1F880] =	vst v63  }
0x3f: {  	s24 =	rddreg [dreg:$0xa]  }
0x40: {  	[spmem:s24] =	stream.linear.scatter [tilespmem:s28], [sflag:$0x1], $0x1900, $0x38;
	[tilespmem:$0x1F880] =	vst v63  }
0x41: {  	s30 =	rddreg [dreg:$0xb]  }
0x42: {  	[spmem:s30] =	stream.linear.scatter [tilespmem:s28], [sflag:$0x1], $0x1900, $0x38;
	[tilespmem:$0x1F880] =	vst v63  }
0x43: {  	s31 =	rddreg [dreg:$0xc]  }
0x44: {  	[spmem:s31] =	stream.linear.scatter [tilespmem:s28], [sflag:$0x1], $0x1900, $0x38;
	[tilespmem:$0x1F880] =	vst v63  }
0x45: {  	s13 =	rddreg [dreg:$0xd]  }
0x46: {  	[spmem:s13] =	stream.linear.scatter [tilespmem:s28], [sflag:$0x1], $0x1900, $0x38;
	[tilespmem:$0x1F880] =	vst v63  }
0x47: {  	s17 =	rddreg [dreg:$0xe]  }
0x48: {  	[spmem:s17] =	stream.linear.scatter [tilespmem:s28], [sflag:$0x1], $0x1900, $0x38;
	[tilespmem:$0x1F880] =	vst v63  }
0x49: {  	s19 =	rddreg [dreg:$0xf]  }
0x4a: {  	[spmem:s19] =	stream.linear.scatter [tilespmem:s28], [sflag:$0x1], $0x1900, $0x38;
	[tilespmem:$0x1F880] =	vst v63  }
0x4b: {  	s20 =	rddreg [dreg:$0x10]  }
0x4c: {  	[spmem:s20] =	stream.linear.scatter [tilespmem:s28], [sflag:$0x1], $0x1900, $0x38;
	[tilespmem:$0x1F880] =	vst v63  }
0x4d: {  	s21 =	rddreg [dreg:$0x11]  }
0x4e: {  	[spmem:s21] =	stream.linear.scatter [tilespmem:s28], [sflag:$0x1], $0x1900, $0x38;
	[tilespmem:$0x1F880] =	vst v63  }
0x4f: {  	_ =	swait.ge [sflag:s29], $0x1900  }
0x50: {  	[sflag:s29] =	ssyncset.done $0x0  }
0x51: {  	[sflag:s29] =	ssyncadd.s32 $0xFFFFE700  }
0x52: {  	_ =	swait.ge [sflag:s29], $0x1900  }
0x53: {  	[sflag:s29] =	ssyncset.done $0x0  }
0x54: {  	[sflag:s29] =	ssyncadd.s32 $0xFFFFE700  }
0x55: {  	_ =	swait.ge [sflag:s29], $0x1900  }
0x56: {  	[sflag:s29] =	ssyncset.done $0x0  }
0x57: {  	[sflag:s29] =	ssyncadd.s32 $0xFFFFE700  }
0x58: {  	_ =	swait.ge [sflag:s29], $0x1900  }
0x59: {  	[sflag:s29] =	ssyncset.done $0x0  }
0x5a: {  	[sflag:s29] =	ssyncadd.s32 $0xFFFFE700  }
0x5b: {  	_ =	swait.ge [sflag:s29], $0x1900  }
0x5c: {  	[sflag:s29] =	ssyncset.done $0x0  }
0x5d: {  	[sflag:s29] =	ssyncadd.s32 $0xFFFFE700  }
0x5e: {  	_ =	swait.ge [sflag:s29], $0x1900  }
0x5f: {  	[sflag:s29] =	ssyncset.done $0x0  }
0x60: {  	[sflag:s29] =	ssyncadd.s32 $0xFFFFE700  }
0x61: {  	_ =	swait.ge [sflag:s29], $0x1900  }
0x62: {  	[sflag:s29] =	ssyncset.done $0x0  }
0x63: {  	[sflag:s29] =	ssyncadd.s32 $0xFFFFE700  }
0x64: {  	_ =	swait.ge [sflag:s29], $0x1900  }
0x65: {  	[sflag:s29] =	ssyncset.done $0x0  }
0x66: {  	[sflag:s29] =	ssyncadd.s32 $0xFFFFE700  }
0x67: {  	_ =	swait.ge [sflag:s29], $0x1900  }
0x68: {  	[sflag:s29] =	ssyncset.done $0x0  }
0x69: {  	[sflag:s29] =	ssyncadd.s32 $0xFFFFE700  }
0x6a: {  	_ =	swait.ge [sflag:s29], $0x1900  }
0x6b: {  	[sflag:s29] =	ssyncset.done $0x0  }
0x6c: {  	[sflag:s29] =	ssyncadd.s32 $0xFFFFE700  }
0x6d: {  	_ =	swait.ge [sflag:s29], $0x1900  }
0x6e: {  	[sflag:s29] =	ssyncset.done $0x0  }
0x6f: {  	[sflag:s29] =	ssyncadd.s32 $0xFFFFE700  }
0x70: {  	_ =	swait.ge [sflag:s29], $0x1900  }
0x71: {  	[sflag:s29] =	ssyncset.done $0x0  }
0x72: {  	[sflag:s29] =	ssyncadd.s32 $0xFFFFE700  }
0x73: {  	_ =	swait.ge [sflag:s29], $0x1900  }
0x74: {  	[sflag:s29] =	ssyncset.done $0x0  }
0x75: {  	[sflag:s29] =	ssyncadd.s32 $0xFFFFE700  }
0x76: {  	[bflag:$0x0] =	sbarrier.arrive $0xFFFF  }
0x77: {  	s13 =	simm.s32 $0x0;
	s17 =	simm.s32 $0x2780;
	s24 =	rddreg [dreg:$0x12]  }
0x78: {  	[tilespmem:s17], [sflag:$0xB] =	stream.linear.gather [hbm4b:s24+s13], $0x280, $0x38;
	[tilespmem:$0x1F880] =	vst v63  }
0x79: {  	s31 =	simm.s32 $0x2B80;
	s30 =	rddreg [dreg:$0x14];
	s17 =	simm.s32 $0x0  }
0x7a: {  	[tilespmem:s31], [sflag:$0xC] =	stream.linear.gather [hbm4b:s30+s13], $0x280, $0x38;
	[tilespmem:$0x1F880] =	vst v63  }
.LBB2_4:
0x7b: {  	_ =	swait.ge [sflag:s1], $0x280  }
0x7c: {  	[sflag:s1] =	ssyncset.done $0x0  }
0x7d: {  	[sflag:s1] =	ssyncadd.s32 $0xFFFFFD80  }
0x7e: {  	_ =	swait.ge [sflag:s4], $0x280  }
0x7f: {  	[sflag:s4] =	ssyncset.done $0x0  }
0x80: {  	s6 =	simm.s32 $0x2780;
	[sflag:s4] =	ssyncadd.s32 $0xFFFFFD80  }
0x81: {  	[tilespmem:s28], [sflag:$0x1] =	stream.indirect.gather [hbm4b:s0+s2], $0x80, s6, s2, $0xb8;
	[tilespmem:$0x1F880] =	vst v63  }
0x82: {  	s24 =	simm.s32 $0x2800  }
0x83: {  	[tilespmem:s23], [sflag:$0x2] =	stream.indirect.gather [hbm4b:s0+s2], $0x80, s24, s2, $0xb8;
	[tilespmem:$0x1F880] =	vst v63  }
0x84: {  	s31 =	simm.s32 $0x2880  }
0x85: {  	[tilespmem:s10], [sflag:$0x3] =	stream.indirect.gather [hbm4b:s0+s2], $0x80, s31, s2, $0xb8;
	[tilespmem:$0x1F880] =	vst v63  }
0x86: {  	s19 =	simm.s32 $0x2900  }
0x87: {  	[tilespmem:s12], [sflag:$0x4] =	stream.indirect.gather [hbm4b:s0+s2], $0x80, s19, s2, $0xb8;
	[tilespmem:$0x1F880] =	vst v63  }
0x88: {  	s20 =	simm.s32 $0x2980  }
0x89: {  	[tilespmem:s14], [sflag:$0x5] =	stream.indirect.gather [hbm4b:s0+s2], $0x80, s20, s2, $0xb8;
	[tilespmem:$0x1F880] =	vst v63  }
0x8a: {  	v1 =	vld [tilespmem:$0x2780]  }
0x8b: {  	v2 =	vld [tilespmem:$0x2B80];
	_ =	sdelay $0x6  }
0x8c: {  	v1 =	vld.idx.msk [tilespmem:v1+s13+$0x0], $0xffff  }
0x8d: {  	v2 =	vld.idx.msk [tilespmem:v2+s13+$0x0], $0xffff;
	_ =	sdelay $0x4  }
0x8e: {  	v1 =	vshll.u32 v1, $0x10;
	v2 =	vand.u32 $0xFFFF0000, v2  }
0x8f: {  	v1 =	vadd.f32 v2, v1;
	_ =	sdelay $0x1  }
0x90: {  	v1 =	vsub.f32 $0.0e+00, v1;
	_ =	sdelay $0x1  }
0x91: {  	v1 =	vmul.f32 $1.442695020e+00, v1;
	_ =	sdelay $0x1  }
0x92: {  	(erf) = vpow2.f32 v1;
	_ =	sdelay $0x8  }
0x93: {  	v1 =	vpop (erf)  }
0x94: {  	v1 =	vadd.f32 $1.000000000e+00, v1;
	_ =	sdelay $0x1  }
0x95: {  	(erf) = vrcp.f32 v1;
	_ =	sdelay $0x2  }
0x96: {  	v1 =	vld [tilespmem:$0x2790]  }
0x97: {  	v2 =	vld [tilespmem:$0x2B90];
	_ =	sdelay $0x4  }
0x98: {  	v3 =	vpop (erf)  }
0x99: {  	[tilespmem:$0x2F80] =	vst v3  }
0x9a: {  	v1 =	vld.idx.msk [tilespmem:v1+s13+$0x0], $0xffff  }
0x9b: {  	v2 =	vld.idx.msk [tilespmem:v2+s13+$0x0], $0xffff;
	_ =	sdelay $0x4  }
0x9c: {  	v1 =	vshll.u32 v1, $0x10;
	v2 =	vand.u32 $0xFFFF0000, v2  }
0x9d: {  	v1 =	vadd.f32 v2, v1;
	_ =	sdelay $0x1  }
0x9e: {  	v1 =	vsub.f32 $0.0e+00, v1;
	_ =	sdelay $0x1  }
0x9f: {  	v1 =	vmul.f32 $1.442695020e+00, v1;
	_ =	sdelay $0x1  }
0xa0: {  	(erf) = vpow2.f32 v1;
	_ =	sdelay $0x8  }
0xa1: {  	v1 =	vpop (erf)  }
0xa2: {  	v1 =	vadd.f32 $1.000000000e+00, v1;
	_ =	sdelay $0x1  }
0xa3: {  	(erf) = vrcp.f32 v1;
	_ =	sdelay $0x2  }
0xa4: {  	v1 =	vld [tilespmem:$0x27A0]  }
0xa5: {  	v2 =	vld [tilespmem:$0x2BA0];
	_ =	sdelay $0x4  }
0xa6: {  	v3 =	vpop (erf)  }
0xa7: {  	[tilespmem:$0x2F90] =	vst v3  }
0xa8: {  	v1 =	vld.idx.msk [tilespmem:v1+s13+$0x0], $0xffff  }
0xa9: {  	v2 =	vld.idx.msk [tilespmem:v2+s13+$0x0], $0xffff;
	_ =	sdelay $0x4  }
0xaa: {  	v1 =	vshll.u32 v1, $0x10;
	v2 =	vand.u32 $0xFFFF0000, v2  }
0xab: {  	v1 =	vadd.f32 v2, v1;
	_ =	sdelay $0x1  }
0xac: {  	v1 =	vsub.f32 $0.0e+00, v1;
	_ =	sdelay $0x1  }
0xad: {  	v1 =	vmul.f32 $1.442695020e+00, v1;
	_ =	sdelay $0x1  }
0xae: {  	(erf) = vpow2.f32 v1;
	_ =	sdelay $0x8  }
0xaf: {  	v1 =	vpop (erf)  }
0xb0: {  	v1 =	vadd.f32 $1.000000000e+00, v1;
	_ =	sdelay $0x1  }
0xb1: {  	(erf) = vrcp.f32 v1;
	_ =	sdelay $0x2  }
0xb2: {  	v1 =	vld [tilespmem:$0x27A2]  }
0xb3: {  	v2 =	vld [tilespmem:$0x2BA2];
	_ =	sdelay $0x4  }
0xb4: {  	v3 =	vpop (erf)  }
0xb5: {  	[tilespmem:$0x2FA0] =	vst v3  }
0xb6: {  	v1 =	vld.idx.msk [tilespmem:v1+s13+$0x0], $0xffff  }
0xb7: {  	v2 =	vld.idx.msk [tilespmem:v2+s13+$0x0], $0xffff;
	_ =	sdelay $0x4  }
0xb8: {  	v1 =	vshll.u32 v1, $0x10;
	v2 =	vand.u32 $0xFFFF0000, v2  }
0xb9: {  	v1 =	vadd.f32 v2, v1;
	_ =	sdelay $0x1  }
0xba: {  	v1 =	vsub.f32 $0.0e+00, v1;
	_ =	sdelay $0x1  }
0xbb: {  	v1 =	vmul.f32 $1.442695020e+00, v1;
	_ =	sdelay $0x1  }
0xbc: {  	(erf) = vpow2.f32 v1;
	_ =	sdelay $0x8  }
0xbd: {  	v1 =	vpop (erf)  }
0xbe: {  	v1 =	vadd.f32 $1.000000000e+00, v1;
	_ =	sdelay $0x1  }
0xbf: {  	(erf) = vrcp.f32 v1;
	_ =	sdelay $0x2  }
0xc0: {  	v1 =	vld [tilespmem:$0x2800]  }
0xc1: {  	v2 =	vld [tilespmem:$0x2C00];
	_ =	sdelay $0x4  }
0xc2: {  	v3 =	vpop (erf)  }
0xc3: {  	[tilespmem:$0x2FA2] =	vst v3  }
0xc4: {  	v1 =	vld.idx.msk [tilespmem:v1+s13+$0x0], $0xffff  }
0xc5: {  	v2 =	vld.idx.msk [tilespmem:v2+s13+$0x0], $0xffff;
	_ =	sdelay $0x4  }
0xc6: {  	v1 =	vshll.u32 v1, $0x10;
	v2 =	vand.u32 $0xFFFF0000, v2  }
0xc7: {  	v1 =	vadd.f32 v2, v1;
	_ =	sdelay $0x1  }
0xc8: {  	v1 =	vsub.f32 $0.0e+00, v1;
	_ =	sdelay $0x1  }
0xc9: {  	v1 =	vmul.f32 $1.442695020e+00, v1;
	_ =	sdelay $0x1  }
0xca: {  	(erf) = vpow2.f32 v1;
	_ =	sdelay $0x8  }
0xcb: {  	v1 =	vpop (erf)  }
0xcc: {  	v1 =	vadd.f32 $1.000000000e+00, v1;
	_ =	sdelay $0x1  }
0xcd: {  	(erf) = vrcp.f32 v1;
	_ =	sdelay $0x2  }
0xce: {  	v1 =	vld [tilespmem:$0x2810]  }
0xcf: {  	v2 =	vld [tilespmem:$0x2C10];
	_ =	sdelay $0x4  }
0xd0: {  	v3 =	vpop (erf)  }
0xd1: {  	[tilespmem:$0x2FB2] =	vst v3  }
0xd2: {  	v1 =	vld.idx.msk [tilespmem:v1+s13+$0x0], $0xffff  }
0xd3: {  	v2 =	vld.idx.msk [tilespmem:v2+s13+$0x0], $0xffff;
	_ =	sdelay $0x4  }
0xd4: {  	v1 =	vshll.u32 v1, $0x10;
	v2 =	vand.u32 $0xFFFF0000, v2  }
0xd5: {  	v1 =	vadd.f32 v2, v1;
	_ =	sdelay $0x1  }
0xd6: {  	v1 =	vsub.f32 $0.0e+00, v1;
	_ =	sdelay $0x1  }
0xd7: {  	v1 =	vmul.f32 $1.442695020e+00, v1;
	_ =	sdelay $0x1  }
0xd8: {  	(erf) = vpow2.f32 v1;
	_ =	sdelay $0x8  }
0xd9: {  	v1 =	vpop (erf)  }
0xda: {  	v1 =	vadd.f32 $1.000000000e+00, v1;
	_ =	sdelay $0x1  }
0xdb: {  	(erf) = vrcp.f32 v1;
	_ =	sdelay $0x2  }
0xdc: {  	v1 =	vld [tilespmem:$0x2820]  }
0xdd: {  	v2 =	vld [tilespmem:$0x2C20];
	_ =	sdelay $0x4  }
0xde: {  	v3 =	vpop (erf)  }
0xdf: {  	[tilespmem:$0x2FC2] =	vst v3  }
0xe0: {  	v1 =	vld.idx.msk [tilespmem:v1+s13+$0x0], $0xffff  }
0xe1: {  	v2 =	vld.idx.msk [tilespmem:v2+s13+$0x0], $0xffff;
	_ =	sdelay $0x4  }
0xe2: {  	v1 =	vshll.u32 v1, $0x10;
	v2 =	vand.u32 $0xFFFF0000, v2  }
0xe3: {  	v1 =	vadd.f32 v2, v1;
	_ =	sdelay $0x1  }
0xe4: {  	v1 =	vsub.f32 $0.0e+00, v1;
	_ =	sdelay $0x1  }
0xe5: {  	v1 =	vmul.f32 $1.442695020e+00, v1;
	_ =	sdelay $0x1  }
0xe6: {  	(erf) = vpow2.f32 v1;
	_ =	sdelay $0x8  }
0xe7: {  	v1 =	vpop (erf)  }
0xe8: {  	v1 =	vadd.f32 $1.000000000e+00, v1;
	_ =	sdelay $0x1  }
0xe9: {  	(erf) = vrcp.f32 v1;
	_ =	sdelay $0x2  }
0xea: {  	v1 =	vld [tilespmem:$0x2822]  }
0xeb: {  	v2 =	vld [tilespmem:$0x2C22];
	_ =	sdelay $0x4  }
0xec: {  	v3 =	vpop (erf)  }
0xed: {  	[tilespmem:$0x2FD2] =	vst v3  }
0xee: {  	v1 =	vld.idx.msk [tilespmem:v1+s13+$0x0], $0xffff  }
0xef: {  	v2 =	vld.idx.msk [tilespmem:v2+s13+$0x0], $0xffff;
	_ =	sdelay $0x4  }
0xf0: {  	v1 =	vshll.u32 v1, $0x10;
	v2 =	vand.u32 $0xFFFF0000, v2  }
0xf1: {  	v1 =	vadd.f32 v2, v1;
	_ =	sdelay $0x1  }
0xf2: {  	v1 =	vsub.f32 $0.0e+00, v1;
	_ =	sdelay $0x1  }
0xf3: {  	v1 =	vmul.f32 $1.442695020e+00, v1;
	_ =	sdelay $0x1  }
0xf4: {  	(erf) = vpow2.f32 v1;
	_ =	sdelay $0x8  }
0xf5: {  	v1 =	vpop (erf)  }
0xf6: {  	v1 =	vadd.f32 $1.000000000e+00, v1;
	_ =	sdelay $0x1  }
0xf7: {  	(erf) = vrcp.f32 v1;
	_ =	sdelay $0x2  }
0xf8: {  	v1 =	vld [tilespmem:$0x2880]  }
0xf9: {  	v2 =	vld [tilespmem:$0x2C80];
	_ =	sdelay $0x4  }
0xfa: {  	v3 =	vpop (erf)  }
0xfb: {  	[tilespmem:$0x2FD4] =	vst v3  }
0xfc: {  	v1 =	vld.idx.msk [tilespmem:v1+s13+$0x0], $0xffff  }
0xfd: {  	v2 =	vld.idx.msk [tilespmem:v2+s13+$0x0], $0xffff;
	_ =	sdelay $0x4  }
0xfe: {  	v1 =	vshll.u32 v1, $0x10;
	v2 =	vand.u32 $0xFFFF0000, v2  }
0xff: {  	v1 =	vadd.f32 v2, v1;
	_ =	sdelay $0x1  }
0x100: {  	v1 =	vsub.f32 $0.0e+00, v1;
	_ =	sdelay $0x1  }
0x101: {  	v1 =	vmul.f32 $1.442695020e+00, v1;
	_ =	sdelay $0x1  }
0x102: {  	(erf) = vpow2.f32 v1;
	_ =	sdelay $0x8  }
0x103: {  	v1 =	vpop (erf)  }
0x104: {  	v1 =	vadd.f32 $1.000000000e+00, v1;
	_ =	sdelay $0x1  }
0x105: {  	(erf) = vrcp.f32 v1;
	_ =	sdelay $0x2  }
0x106: {  	v1 =	vld [tilespmem:$0x2890]  }
0x107: {  	v2 =	vld [tilespmem:$0x2C90];
	_ =	sdelay $0x4  }
0x108: {  	v3 =	vpop (erf)  }
0x109: {  	[tilespmem:$0x2FE4] =	vst v3  }
0x10a: {  	v1 =	vld.idx.msk [tilespmem:v1+s13+$0x0], $0xffff  }
0x10b: {  	v2 =	vld.idx.msk [tilespmem:v2+s13+$0x0], $0xffff;
	_ =	sdelay $0x4  }
0x10c: {  	v1 =	vshll.u32 v1, $0x10;
	v2 =	vand.u32 $0xFFFF0000, v2  }
0x10d: {  	v1 =	vadd.f32 v2, v1;
	_ =	sdelay $0x1  }
0x10e: {  	v1 =	vsub.f32 $0.0e+00, v1;
	_ =	sdelay $0x1  }
0x10f: {  	v1 =	vmul.f32 $1.442695020e+00, v1;
	_ =	sdelay $0x1  }
0x110: {  	(erf) = vpow2.f32 v1;
	_ =	sdelay $0x8  }
0x111: {  	v1 =	vpop (erf)  }
0x112: {  	v1 =	vadd.f32 $1.000000000e+00, v1;
	_ =	sdelay $0x1  }
0x113: {  	(erf) = vrcp.f32 v1;
	_ =	sdelay $0x2  }
0x114: {  	v1 =	vld [tilespmem:$0x28A0]  }
0x115: {  	v2 =	vld [tilespmem:$0x2CA0];
	_ =	sdelay $0x4  }
0x116: {  	v3 =	vpop (erf)  }
0x117: {  	[tilespmem:$0x2FF4] =	vst v3  }
0x118: {  	v1 =	vld.idx.msk [tilespmem:v1+s13+$0x0], $0xffff  }
0x119: {  	v2 =	vld.idx.msk [tilespmem:v2+s13+$0x0], $0xffff;
	_ =	sdelay $0x4  }
0x11a: {  	v1 =	vshll.u32 v1, $0x10;
	v2 =	vand.u32 $0xFFFF0000, v2  }
0x11b: {  	v1 =	vadd.f32 v2, v1;
	_ =	sdelay $0x1  }
0x11c: {  	v1 =	vsub.f32 $0.0e+00, v1;
	_ =	sdelay $0x1  }
0x11d: {  	v1 =	vmul.f32 $1.442695020e+00, v1;
	_ =	sdelay $0x1  }
0x11e: {  	(erf) = vpow2.f32 v1;
	_ =	sdelay $0x8  }
0x11f: {  	v1 =	vpop (erf)  }
0x120: {  	v1 =	vadd.f32 $1.000000000e+00, v1;
	_ =	sdelay $0x1  }
0x121: {  	(erf) = vrcp.f32 v1;
	_ =	sdelay $0x2  }
0x122: {  	v1 =	vld [tilespmem:$0x28A2]  }
0x123: {  	v2 =	vld [tilespmem:$0x2CA2];
	_ =	sdelay $0x4  }
0x124: {  	v3 =	vpop (erf)  }
0x125: {  	[tilespmem:$0x3004] =	vst v3  }
0x126: {  	v1 =	vld.idx.msk [tilespmem:v1+s13+$0x0], $0xffff  }
0x127: {  	v2 =	vld.idx.msk [tilespmem:v2+s13+$0x0], $0xffff;
	_ =	sdelay $0x4  }
0x128: {  	v1 =	vshll.u32 v1, $0x10;
	v2 =	vand.u32 $0xFFFF0000, v2  }
0x129: {  	v1 =	vadd.f32 v2, v1;
	_ =	sdelay $0x1  }
0x12a: {  	v1 =	vsub.f32 $0.0e+00, v1;
	_ =	sdelay $0x1  }
0x12b: {  	v1 =	vmul.f32 $1.442695020e+00, v1;
	_ =	sdelay $0x1  }
0x12c: {  	(erf) = vpow2.f32 v1;
	_ =	sdelay $0x8  }
0x12d: {  	v1 =	vpop (erf)  }
0x12e: {  	v1 =	vadd.f32 $1.000000000e+00, v1;
	_ =	sdelay $0x1  }
0x12f: {  	(erf) = vrcp.f32 v1;
	_ =	sdelay $0x2  }
0x130: {  	v1 =	vld [tilespmem:$0x2900]  }
0x131: {  	v2 =	vld [tilespmem:$0x2D00];
	_ =	sdelay $0x4  }
0x132: {  	v3 =	vpop (erf)  }
0x133: {  	[tilespmem:$0x3006] =	vst v3  }
0x134: {  	v1 =	vld.idx.msk [tilespmem:v1+s13+$0x0], $0xffff  }
0x135: {  	v2 =	vld.idx.msk [tilespmem:v2+s13+$0x0], $0xffff;
	_ =	sdelay $0x4  }
0x136: {  	v1 =	vshll.u32 v1, $0x10;
	v2 =	vand.u32 $0xFFFF0000, v2  }
0x137: {  	v1 =	vadd.f32 v2, v1;
	_ =	sdelay $0x1  }
0x138: {  	v1 =	vsub.f32 $0.0e+00, v1;
	_ =	sdelay $0x1  }
0x139: {  	v1 =	vmul.f32 $1.442695020e+00, v1;
	_ =	sdelay $0x1  }
0x13a: {  	(erf) = vpow2.f32 v1;
	_ =	sdelay $0x8  }
0x13b: {  	v1 =	vpop (erf)  }
0x13c: {  	v1 =	vadd.f32 $1.000000000e+00, v1;
	_ =	sdelay $0x1  }
0x13d: {  	(erf) = vrcp.f32 v1;
	_ =	sdelay $0x2  }
0x13e: {  	v1 =	vld [tilespmem:$0x2910]  }
0x13f: {  	v2 =	vld [tilespmem:$0x2D10];
	_ =	sdelay $0x4  }
0x140: {  	v3 =	vpop (erf)  }
0x141: {  	[tilespmem:$0x3016] =	vst v3  }
0x142: {  	v1 =	vld.idx.msk [tilespmem:v1+s13+$0x0], $0xffff  }
0x143: {  	v2 =	vld.idx.msk [tilespmem:v2+s13+$0x0], $0xffff;
	_ =	sdelay $0x4  }
0x144: {  	v1 =	vshll.u32 v1, $0x10;
	v2 =	vand.u32 $0xFFFF0000, v2  }
0x145: {  	v1 =	vadd.f32 v2, v1;
	_ =	sdelay $0x1  }
0x146: {  	v1 =	vsub.f32 $0.0e+00, v1;
	_ =	sdelay $0x1  }
0x147: {  	v1 =	vmul.f32 $1.442695020e+00, v1;
	_ =	sdelay $0x1  }
0x148: {  	(erf) = vpow2.f32 v1;
	_ =	sdelay $0x8  }
0x149: {  	v1 =	vpop (erf)  }
0x14a: {  	v1 =	vadd.f32 $1.000000000e+00, v1;
	_ =	sdelay $0x1  }
0x14b: {  	(erf) = vrcp.f32 v1;
	_ =	sdelay $0x2  }
0x14c: {  	v1 =	vld [tilespmem:$0x2920]  }
0x14d: {  	v2 =	vld [tilespmem:$0x2D20];
	_ =	sdelay $0x4  }
0x14e: {  	v3 =	vpop (erf)  }
0x14f: {  	[tilespmem:$0x3026] =	vst v3  }
0x150: {  	v1 =	vld.idx.msk [tilespmem:v1+s13+$0x0], $0xffff  }
0x151: {  	v2 =	vld.idx.msk [tilespmem:v2+s13+$0x0], $0xffff;
	_ =	sdelay $0x4  }
0x152: {  	v1 =	vshll.u32 v1, $0x10;
	v2 =	vand.u32 $0xFFFF0000, v2  }
0x153: {  	v1 =	vadd.f32 v2, v1;
	_ =	sdelay $0x1  }
0x154: {  	v1 =	vsub.f32 $0.0e+00, v1;
	_ =	sdelay $0x1  }
0x155: {  	v1 =	vmul.f32 $1.442695020e+00, v1;
	_ =	sdelay $0x1  }
0x156: {  	(erf) = vpow2.f32 v1;
	_ =	sdelay $0x8  }
0x157: {  	v1 =	vpop (erf)  }
0x158: {  	v1 =	vadd.f32 $1.000000000e+00, v1;
	_ =	sdelay $0x1  }
0x159: {  	(erf) = vrcp.f32 v1;
	_ =	sdelay $0x2  }
0x15a: {  	v1 =	vld [tilespmem:$0x2922]  }
0x15b: {  	v2 =	vld [tilespmem:$0x2D22];
	_ =	sdelay $0x4  }
0x15c: {  	v3 =	vpop (erf)  }
0x15d: {  	[tilespmem:$0x3036] =	vst v3  }
0x15e: {  	v1 =	vld.idx.msk [tilespmem:v1+s13+$0x0], $0xffff  }
0x15f: {  	v2 =	vld.idx.msk [tilespmem:v2+s13+$0x0], $0xffff;
	_ =	sdelay $0x4  }
0x160: {  	v1 =	vshll.u32 v1, $0x10;
	v2 =	vand.u32 $0xFFFF0000, v2  }
0x161: {  	v1 =	vadd.f32 v2, v1;
	_ =	sdelay $0x1  }
0x162: {  	v1 =	vsub.f32 $0.0e+00, v1;
	_ =	sdelay $0x1  }
0x163: {  	v1 =	vmul.f32 $1.442695020e+00, v1;
	_ =	sdelay $0x1  }
0x164: {  	(erf) = vpow2.f32 v1;
	_ =	sdelay $0x8  }
0x165: {  	v1 =	vpop (erf)  }
0x166: {  	v1 =	vadd.f32 $1.000000000e+00, v1;
	_ =	sdelay $0x1  }
0x167: {  	(erf) = vrcp.f32 v1;
	_ =	sdelay $0x2  }
0x168: {  	v1 =	vld [tilespmem:$0x2980]  }
0x169: {  	v2 =	vld [tilespmem:$0x2D80];
	_ =	sdelay $0x4  }
0x16a: {  	v3 =	vpop (erf)  }
0x16b: {  	[tilespmem:$0x3038] =	vst v3  }
0x16c: {  	v1 =	vld.idx.msk [tilespmem:v1+s13+$0x0], $0xffff  }
0x16d: {  	v2 =	vld.idx.msk [tilespmem:v2+s13+$0x0], $0xffff;
	_ =	sdelay $0x4  }
0x16e: {  	v1 =	vshll.u32 v1, $0x10;
	v2 =	vand.u32 $0xFFFF0000, v2  }
0x16f: {  	v1 =	vadd.f32 v2, v1;
	_ =	sdelay $0x1  }
0x170: {  	v1 =	vsub.f32 $0.0e+00, v1;
	_ =	sdelay $0x1  }
0x171: {  	v1 =	vmul.f32 $1.442695020e+00, v1;
	_ =	sdelay $0x1  }
0x172: {  	(erf) = vpow2.f32 v1;
	_ =	sdelay $0x8  }
0x173: {  	v1 =	vpop (erf)  }
0x174: {  	v1 =	vadd.f32 $1.000000000e+00, v1;
	_ =	sdelay $0x1  }
0x175: {  	(erf) = vrcp.f32 v1;
	_ =	sdelay $0x2  }
0x176: {  	v1 =	vld [tilespmem:$0x2990]  }
0x177: {  	v2 =	vld [tilespmem:$0x2D90];
	_ =	sdelay $0x4  }
0x178: {  	v3 =	vpop (erf)  }
0x179: {  	[tilespmem:$0x3048] =	vst v3  }
0x17a: {  	v1 =	vld.idx.msk [tilespmem:v1+s13+$0x0], $0xffff  }
0x17b: {  	v2 =	vld.idx.msk [tilespmem:v2+s13+$0x0], $0xffff;
	_ =	sdelay $0x4  }
0x17c: {  	v1 =	vshll.u32 v1, $0x10;
	v2 =	vand.u32 $0xFFFF0000, v2  }
0x17d: {  	v1 =	vadd.f32 v2, v1;
	_ =	sdelay $0x1  }
0x17e: {  	v1 =	vsub.f32 $0.0e+00, v1;
	_ =	sdelay $0x1  }
0x17f: {  	v1 =	vmul.f32 $1.442695020e+00, v1;
	_ =	sdelay $0x1  }
0x180: {  	(erf) = vpow2.f32 v1;
	_ =	sdelay $0x8  }
0x181: {  	v1 =	vpop (erf)  }
0x182: {  	v1 =	vadd.f32 $1.000000000e+00, v1;
	_ =	sdelay $0x1  }
0x183: {  	(erf) = vrcp.f32 v1;
	_ =	sdelay $0x2  }
0x184: {  	v1 =	vld [tilespmem:$0x29A0]  }
0x185: {  	v2 =	vld [tilespmem:$0x2DA0];
	_ =	sdelay $0x4  }
0x186: {  	v3 =	vpop (erf)  }
0x187: {  	[tilespmem:$0x3058] =	vst v3  }
0x188: {  	v1 =	vld.idx.msk [tilespmem:v1+s13+$0x0], $0xffff  }
0x189: {  	v2 =	vld.idx.msk [tilespmem:v2+s13+$0x0], $0xffff;
	_ =	sdelay $0x4  }
0x18a: {  	v1 =	vshll.u32 v1, $0x10;
	v2 =	vand.u32 $0xFFFF0000, v2  }
0x18b: {  	v1 =	vadd.f32 v2, v1;
	_ =	sdelay $0x1  }
0x18c: {  	v1 =	vsub.f32 $0.0e+00, v1;
	_ =	sdelay $0x1  }
0x18d: {  	v1 =	vmul.f32 $1.442695020e+00, v1;
	_ =	sdelay $0x1  }
0x18e: {  	(erf) = vpow2.f32 v1;
	_ =	sdelay $0x8  }
0x18f: {  	v1 =	vpop (erf)  }
0x190: {  	v1 =	vadd.f32 $1.000000000e+00, v1;
	_ =	sdelay $0x1  }
0x191: {  	(erf) = vrcp.f32 v1;
	_ =	sdelay $0x2  }
0x192: {  	v1 =	vld [tilespmem:$0x29A2]  }
0x193: {  	v2 =	vld [tilespmem:$0x2DA2];
	_ =	sdelay $0x4  }
0x194: {  	v3 =	vpop (erf)  }
0x195: {  	[tilespmem:$0x3068] =	vst v3  }
0x196: {  	v1 =	vld.idx.msk [tilespmem:v1+s13+$0x0], $0xffff  }
0x197: {  	v2 =	vld.idx.msk [tilespmem:v2+s13+$0x0], $0xffff;
	_ =	sdelay $0x4  }
0x198: {  	v1 =	vshll.u32 v1, $0x10;
	v2 =	vand.u32 $0xFFFF0000, v2  }
0x199: {  	v1 =	vadd.f32 v2, v1;
	_ =	sdelay $0x1  }
0x19a: {  	v1 =	vsub.f32 $0.0e+00, v1;
	_ =	sdelay $0x1  }
0x19b: {  	v1 =	vmul.f32 $1.442695020e+00, v1;
	_ =	sdelay $0x1  }
0x19c: {  	(erf) = vpow2.f32 v1;
	_ =	sdelay $0x8  }
0x19d: {  	v1 =	vpop (erf)  }
0x19e: {  	v1 =	vadd.f32 $1.000000000e+00, v1;
	_ =	sdelay $0x1  }
0x19f: {  	(erf) = vrcp.f32 v1;
	_ =	sdelay $0x5  }
0x1a0: {  	s19 =	simm.s32 $0x2;
	v1 =	vmov s13  }
0x1a1: {  	v2 =	vmov s19;
	v1 =	vand.u32 $0xFFFFFFFC, v1  }
0x1a2: {  	v2 =	vand.u32 $0xFFFFFFFE, v2;
	v1 =	vbroadcast v1, $0x0  }
0x1a3: {  	v2 =	vbroadcast v2, $0x0;
	v3 =	vpop (erf)  }
0x1a4: {  	[tilespmem:$0x306A] =	vst v3  }
0x1a5: {  	_ =	swait.ge [sflag:s29], $0x1900  }
0x1a6: {  	[sflag:s29] =	ssyncset.done $0x0  }
0x1a7: {  	[sflag:s29] =	ssyncadd.s32 $0xFFFFE700  }
0x1a8: {  	v1 =	vld.idx.msk [tilespmem:v1+s15+$0x0], $0xffff  }
0x1a9: {  	s19 =	simm.s32 $0x3180;
	v2 =	vld.idx.msk [tilespmem:v2+s15+$0x0], $0xffff  }
0x1aa: {  	s20 =	simm.s32 $0x1;
	v4 =	vld [tilespmem:s19+$0x70]  }
0x1ab: {  	v3 =	vmov s20;
	v5 =	vld [tilespmem:s19+$0xFFFFFF00]  }
0x1ac: {  	v3 =	vand.u32 $0xFFFFFFFD, v3;
	v6 =	vld [tilespmem:s19+$0xFFFFFF10]  }
0x1ad: {  	v3 =	vbroadcast v3, $0x0;
	v7 =	vld [tilespmem:s19+$0xFFFFFF20]  }
0x1ae: {  	v8 =	vld [tilespmem:s19+$0xFFFFFF30]  }
0x1af: {  	v9 =	vld [tilespmem:s19+$0xFFFFFF40]  }
0x1b0: {  	v10 =	vld [tilespmem:s19+$0xFFFFFF50]  }
0x1b1: {  	v11 =	vld [tilespmem:s19+$0xFFFFFF60];
	v5 =	vmul.f32 v5, v1  }
0x1b2: {  	v13 =	vld [tilespmem:s19+$0x40];
	v4 =	vmul.f32 v4, v2  }
0x1b3: {  	v3 =	vld.idx.msk [tilespmem:v3+s15+$0x0], $0xffff;
	[tilespmem:s19+$0xFFFFFF00] =	vst v5;
	v5 =	vmul.f32 v6, v1  }
0x1b4: {  	v6 =	vld [tilespmem:s19+$0xFFFFFF70];
	[tilespmem:s19+$0x70] =	vst v4;
	v4 =	vmul.f32 v7, v1  }
0x1b5: {  	v7 =	vld [tilespmem:s19+$0xFFFFFF80];
	[tilespmem:s19+$0xFFFFFF10] =	vst v5;
	v5 =	vmul.f32 v8, v1  }
0x1b6: {  	v8 =	vld [tilespmem:s19+$0xFFFFFF90];
	[tilespmem:s19+$0xFFFFFF20] =	vst v4;
	v4 =	vmul.f32 v9, v1  }
0x1b7: {  	v9 =	vld [tilespmem:s19+$0xFFFFFFA0];
	[tilespmem:s19+$0xFFFFFF30] =	vst v5;
	v5 =	vmul.f32 v10, v1  }
0x1b8: {  	v10 =	vld [tilespmem:s19+$0xFFFFFFB0];
	[tilespmem:s19+$0xFFFFFF40] =	vst v4;
	v4 =	vmul.f32 v11, v1  }
0x1b9: {  	v11 =	vld [tilespmem:s19+$0xFFFFFFC0];
	v6 =	vmul.f32 v6, v1;
	[tilespmem:s19+$0xFFFFFF50] =	vst v5  }
0x1ba: {  	v5 =	vmul.f32 v7, v3;
	v7 =	vld [tilespmem:s19+$0xFFFFFFD0];
	[tilespmem:s19+$0xFFFFFF60] =	vst v4  }
0x1bb: {  	s21 =	simm.s32 $0x3;
	v4 =	vld [tilespmem:s19+$0xFFFFFFE0];
	v8 =	vmul.f32 v8, v3;
	[tilespmem:s19+$0xFFFFFF70] =	vst v6  }
0x1bc: {  	v12 =	vmov s21;
	v6 =	vld [tilespmem:s19+$0xFFFFFFF0];
	[tilespmem:s19+$0xFFFFFF80] =	vst v5;
	v5 =	vmul.f32 v9, v3  }
0x1bd: {  	v9 =	vld [tilespmem:s19+$0x0];
	[tilespmem:s19+$0xFFFFFF90] =	vst v8;
	v8 =	vmul.f32 v10, v3  }
0x1be: {  	v10 =	vld [tilespmem:s19+$0x10];
	[tilespmem:s19+$0xFFFFFFA0] =	vst v5;
	v5 =	vmul.f32 v11, v3  }
0x1bf: {  	[tilespmem:s19+$0xFFFFFFB0] =	vst v8;
	v7 =	vmul.f32 v7, v3;
	v8 =	vld [tilespmem:s19+$0x20]  }
0x1c0: {  	v11 =	vld [tilespmem:s19+$0x30];
	v4 =	vmul.f32 v4, v3;
	[tilespmem:s19+$0xFFFFFFC0] =	vst v5  }
0x1c1: {  	v1 =	vld.idx.msk [tilespmem:v12+s15+$0x0], $0xffff;
	v3 =	vmul.f32 v6, v3;
	[tilespmem:s19+$0xFFFFFFD0] =	vst v7  }
0x1c2: {  	[tilespmem:s19+$0xFFFFFFE0] =	vst v4;
	v5 =	vmul.f32 v9, v2;
	v4 =	vld [tilespmem:s19+$0x50]  }
0x1c3: {  	s24 =	simm.s32 $0x4;
	[tilespmem:s19+$0xFFFFFFF0] =	vst v3;
	v6 =	vmul.f32 v10, v2;
	v3 =	vld [tilespmem:s19+$0x60]  }
0x1c4: {  	s31 =	simm.s32 $0x7;
	v7 =	vmov s24;
	[tilespmem:s19+$0x0] =	vst v5;
	v9 =	vmul.f32 v8, v2;
	v8 =	vld [tilespmem:s19+$0x80]  }
0x1c5: {  	s24 =	simm.s32 $0x5;
	v12 =	vand.u32 $0xFFFFFFFC, v7;
	v7 =	vld [tilespmem:s19+$0x90];
	v5 =	vmov s31;
	v10 =	vmul.f32 v11, v2;
	[tilespmem:s19+$0x10] =	vst v6  }
0x1c6: {  	s30 =	simm.s32 $0x6;
	s20 =	simm.s32 $0x3180;
	v11 =	vmul.f32 v13, v2;
	v6 =	vbroadcast v12, $0x0;
	v12 =	vmov s24;
	s24 =	simm.s32 $0x8;
	[tilespmem:s19+$0x20] =	vst v9;
	v9 =	vld [tilespmem:s19+$0xA0]  }
.LBB2_5:
0x1c7: {  	p0 =	slt.u32 s24, $0x2C;
	v12 =	vand.u32 $0xFFFFFFFD, v12;
	v13 =	vmov s30;
	[tilespmem:s19+$0x30] =	vst v10;
	v4 =	vmul.f32 v4, v2;
	v10 =	vld [tilespmem:s19+$0xB0]  }
0x1c8: {  	v12 =	vbroadcast v12, $0x0;
	v13 =	vand.u32 $0xFFFFFFFE, v13;
	[tilespmem:s19+$0x40] =	vst v11;
	v2 =	vmul.f32 v3, v2;
	v3 =	vld [tilespmem:s19+$0xC0]  }
0x1c9: {  	v11 =	vbroadcast v13, $0x0;
	[tilespmem:s19+$0x50] =	vst v4;
	v4 =	vmul.f32 v8, v1;
	v8 =	vld [tilespmem:s19+$0xD0]  }
0x1ca: {  	[tilespmem:s19+$0x60] =	vst v2;
	v2 =	vmul.f32 v7, v1;
	v7 =	vld [tilespmem:s19+$0xE0]  }
0x1cb: {  	[tilespmem:s19+$0x80] =	vst v4;
	v4 =	vmul.f32 v9, v1;
	v9 =	vld [tilespmem:s19+$0xF0]  }
0x1cc: {  	v5 =	vld.idx.msk [tilespmem:v5+s15+$0x0], $0xffff;
	[tilespmem:s19+$0x90] =	vst v2;
	v2 =	vmul.f32 v10, v1  }
0x1cd: {  	v6 =	vld.idx.msk [tilespmem:v6+s15+$0x0], $0xffff;
	[tilespmem:s19+$0xA0] =	vst v4;
	v3 =	vmul.f32 v3, v1  }
0x1ce: {  	v4 =	vld.idx.msk [tilespmem:v12+s15+$0x0], $0xffff;
	[tilespmem:s19+$0xB0] =	vst v2;
	v8 =	vmul.f32 v8, v1  }
0x1cf: {  	s19 =	sadd.s32 $0x200, s19;
	v2 =	vld.idx.msk [tilespmem:v11+s15+$0x0], $0xffff;
	[tilespmem:s20+$0xC0] =	vst v3;
	v3 =	vmul.f32 v7, v1  }
0x1d0: {  	v7 =	vld [tilespmem:s19+$0x70];
	[tilespmem:s20+$0xD0] =	vst v8;
	v9 =	vmul.f32 v9, v1  }
0x1d1: {  	v8 =	vld [tilespmem:s19+$0xFFFFFF00];
	[tilespmem:s20+$0xE0] =	vst v3  }
0x1d2: {  	v1 =	vmov v5;
	v3 =	vld [tilespmem:s19+$0xFFFFFF10];
	[tilespmem:s20+$0xF0] =	vst v9;
	s20 =	smov.u32 s19  }
0x1d3: {  	v5 =	vld [tilespmem:s19+$0xFFFFFF20]  }
0x1d4: {  	v9 =	vld [tilespmem:s19+$0xFFFFFF30]  }
0x1d5: {  	v10 =	vld [tilespmem:s19+$0xFFFFFF40];
	v7 =	vmul.f32 v7, v2  }
0x1d6: {  	v8 =	vmul.f32 v8, v6;
	v11 =	vld [tilespmem:s19+$0xFFFFFF50]  }
0x1d7: {  	v3 =	vmul.f32 v3, v6;
	v12 =	vld [tilespmem:s19+$0xFFFFFF60];
	[tilespmem:s19+$0x70] =	vst v7  }
0x1d8: {  	[tilespmem:s19+$0xFFFFFF00] =	vst v8;
	v5 =	vmul.f32 v5, v6;
	v7 =	vld [tilespmem:s19+$0xFFFFFF70]  }
0x1d9: {  	[tilespmem:s19+$0xFFFFFF10] =	vst v3;
	v3 =	vmul.f32 v9, v6;
	v8 =	vld [tilespmem:s19+$0xFFFFFF80]  }
0x1da: {  	[tilespmem:s19+$0xFFFFFF20] =	vst v5;
	v5 =	vmul.f32 v10, v6;
	v9 =	vld [tilespmem:s19+$0xFFFFFF90]  }
0x1db: {  	[tilespmem:s19+$0xFFFFFF30] =	vst v3;
	v3 =	vmul.f32 v11, v6;
	v10 =	vld [tilespmem:s19+$0xFFFFFFA0]  }
0x1dc: {  	[tilespmem:s19+$0xFFFFFF40] =	vst v5;
	v5 =	vmul.f32 v12, v6;
	v11 =	vld [tilespmem:s19+$0xFFFFFFB0]  }
0x1dd: {  	[tilespmem:s19+$0xFFFFFF50] =	vst v3;
	v3 =	vmul.f32 v7, v6;
	v6 =	vld [tilespmem:s19+$0xFFFFFFC0]  }
0x1de: {  	[tilespmem:s19+$0xFFFFFF60] =	vst v5;
	v5 =	vmul.f32 v8, v4;
	v7 =	vld [tilespmem:s19+$0xFFFFFFD0]  }
0x1df: {  	[tilespmem:s19+$0xFFFFFF70] =	vst v3;
	v3 =	vmul.f32 v9, v4;
	v8 =	vld [tilespmem:s19+$0xFFFFFFE0]  }
0x1e0: {  	[tilespmem:s19+$0xFFFFFF80] =	vst v5;
	v5 =	vmul.f32 v10, v4;
	v9 =	vld [tilespmem:s19+$0xFFFFFFF0]  }
0x1e1: {  	[tilespmem:s19+$0xFFFFFF90] =	vst v3;
	v3 =	vmul.f32 v11, v4;
	v10 =	vld [tilespmem:s19+$0x0]  }
0x1e2: {  	[tilespmem:s19+$0xFFFFFFA0] =	vst v5;
	v5 =	vmul.f32 v6, v4;
	v6 =	vld [tilespmem:s19+$0x10]  }
0x1e3: {  	[tilespmem:s19+$0xFFFFFFB0] =	vst v3;
	v3 =	vmul.f32 v7, v4;
	v7 =	vld [tilespmem:s19+$0x20]  }
0x1e4: {  	[tilespmem:s19+$0xFFFFFFC0] =	vst v5;
	v5 =	vmul.f32 v8, v4;
	v11 =	vld [tilespmem:s19+$0x30]  }
0x1e5: {  	[tilespmem:s19+$0xFFFFFFD0] =	vst v3;
	v3 =	vmul.f32 v9, v4;
	v9 =	vld [tilespmem:s19+$0x40]  }
.Ltmp1:
0x1e6: {  	[tilespmem:s19+$0xFFFFFFE0] =	vst v5;
	v5 =	vmul.f32 v10, v2;
	v4 =	vld [tilespmem:s19+$0x50];
	(pc) =	sbr.rel @p0 .LBB2_5-.Ltmp1, $4  }
0x1e7: {  	[tilespmem:s19+$0xFFFFFFF0] =	vst v3;
	v6 =	vmul.f32 v6, v2;
	v3 =	vld [tilespmem:s19+$0x60]  }
0x1e8: {  	s30 =	sadd.s32 $0x3, s24;
	v10 =	vmov s24;
	[tilespmem:s19+$0x0] =	vst v5;
	v13 =	vmul.f32 v7, v2;
	v8 =	vld [tilespmem:s19+$0x80]  }
0x1e9: {  	s31 =	sadd.s32 $0x1, s24;
	v12 =	vand.u32 $0xFFFFFFFC, v10;
	v5 =	vmov s30;
	[tilespmem:s19+$0x10] =	vst v6;
	v10 =	vmul.f32 v11, v2;
	v7 =	vld [tilespmem:s19+$0x90]  }
0x1ea: {  	s30 =	sadd.s32 $0x2, s24;
	s24 =	sadd.s32 $0x4, s24;
	v6 =	vbroadcast v12, $0x0;
	v12 =	vmov s31;
	[tilespmem:s19+$0x20] =	vst v13;
	v11 =	vmul.f32 v9, v2;
	v9 =	vld [tilespmem:s19+$0xA0]  }
0x1eb: {  	v13 =	vld [tilespmem:s19+$0xB0]  }
0x1ec: {  	v15 =	vld [tilespmem:s19+$0xC0]  }
0x1ed: {  	v16 =	vld [tilespmem:s19+$0xD0]  }
0x1ee: {  	v17 =	vld [tilespmem:s19+$0xE0]  }
0x1ef: {  	v29 =	vld [tilespmem:s19+$0xF0];
	[tilespmem:s19+$0x30] =	vst v10;
	v4 =	vmul.f32 v4, v2  }
0x1f0: {  	v5 =	vld.idx.msk [tilespmem:v5+s15+$0x0], $0xffff;
	[tilespmem:s19+$0x40] =	vst v11;
	v2 =	vmul.f32 v3, v2  }
0x1f1: {  	s24 =	sadd.s32 $0x200, s19;
	v3 =	vld.idx.msk [tilespmem:v6+s15+$0x0], $0xffff;
	v8 =	vmul.f32 v8, v1;
	[tilespmem:s19+$0x50] =	vst v4  }
0x1f2: {  	v14 =	vmov s30;
	v34 =	vld [tilespmem:s24+$0x70];
	v30 =	vmul.f32 v7, v1;
	[tilespmem:s19+$0x60] =	vst v2  }
0x1f3: {  	v14 =	vand.u32 $0xFFFFFFFE, v14;
	v35 =	vld [tilespmem:s24+$0xFFFFFF00];
	[tilespmem:s19+$0x80] =	vst v8;
	v2 =	vmul.f32 v9, v1  }
0x1f4: {  	v37 =	vld [tilespmem:s24+$0xFFFFFF10];
	v14 =	vbroadcast v14, $0x0;
	[tilespmem:s19+$0x90] =	vst v30;
	v33 =	vmul.f32 v13, v1  }
0x1f5: {  	v38 =	vld [tilespmem:s24+$0xFFFFFF20];
	[tilespmem:s19+$0xA0] =	vst v2;
	v2 =	vmul.f32 v15, v1  }
0x1f6: {  	v12 =	vand.u32 $0xFFFFFFFD, v12;
	v39 =	vld [tilespmem:s24+$0xFFFFFF30];
	v36 =	vmul.f32 v16, v1;
	[tilespmem:s19+$0xB0] =	vst v33  }
0x1f7: {  	v12 =	vbroadcast v12, $0x0;
	v41 =	vld [tilespmem:s24+$0xFFFFFF50];
	[tilespmem:s20+$0xC0] =	vst v2;
	v2 =	vmul.f32 v17, v1  }
0x1f8: {  	v43 =	vld [tilespmem:s24+$0xFFFFFF60];
	[tilespmem:s20+$0xD0] =	vst v36;
	v1 =	vmul.f32 v29, v1  }
0x1f9: {  	v42 =	vmul.f32 v37, v3;
	[tilespmem:s20+$0xE0] =	vst v2;
	v2 =	vld [tilespmem:s24+$0xFFFFFF40]  }
0x1fa: {  	v32 =	vld.idx.msk [tilespmem:v14+s15+$0x0], $0xffff;
	[tilespmem:s20+$0xF0] =	vst v1;
	v1 =	vmul.f32 v35, v3  }
0x1fb: {  	v44 =	vld [tilespmem:s24+$0xFFFFFF70];
	v4 =	vmul.f32 v39, v3;
	[tilespmem:s24+$0xFFFFFF10] =	vst v42  }
0x1fc: {  	v45 =	vld [tilespmem:s24+$0xFFFFFF80];
	[tilespmem:s24+$0xFFFFFF00] =	vst v1;
	v1 =	vmul.f32 v38, v3  }
0x1fd: {  	v46 =	vmul.f32 v41, v3;
	v31 =	vld.idx.msk [tilespmem:v12+s15+$0x0], $0xffff;
	[tilespmem:s24+$0xFFFFFF30] =	vst v4  }
0x1fe: {  	[tilespmem:s24+$0xFFFFFF20] =	vst v1;
	v1 =	vmul.f32 v2, v3;
	v2 =	vld [tilespmem:s24+$0xFFFFFF90]  }
0x1ff: {  	v47 =	vld [tilespmem:s24+$0xFFFFFFA0];
	[tilespmem:s24+$0xFFFFFF50] =	vst v46;
	v40 =	vmul.f32 v34, v32  }
0x200: {  	v48 =	vld [tilespmem:s24+$0xFFFFFFB0];
	[tilespmem:s24+$0xFFFFFF40] =	vst v1;
	v1 =	vmul.f32 v43, v3  }
0x201: {  	v49 =	vld [tilespmem:s24+$0xFFFFFFC0];
	[tilespmem:s24+$0x70] =	vst v40;
	v3 =	vmul.f32 v44, v3  }
0x202: {  	v50 =	vld [tilespmem:s24+$0xFFFFFFD0];
	[tilespmem:s24+$0xFFFFFF60] =	vst v1;
	v1 =	vmul.f32 v45, v31  }
0x203: {  	[tilespmem:s24+$0xFFFFFF70] =	vst v3;
	v3 =	vld [tilespmem:s24+$0xFFFFFFE0];
	v2 =	vmul.f32 v2, v31  }
0x204: {  	v51 =	vld [tilespmem:s24+$0xFFFFFFF0];
	[tilespmem:s24+$0xFFFFFF80] =	vst v1;
	v1 =	vmul.f32 v47, v31  }
0x205: {  	v52 =	vld [tilespmem:s24+$0x0];
	[tilespmem:s24+$0xFFFFFF90] =	vst v2;
	v2 =	vmul.f32 v48, v31  }
0x206: {  	v53 =	vld [tilespmem:s24+$0x10];
	[tilespmem:s24+$0xFFFFFFA0] =	vst v1;
	v1 =	vmul.f32 v49, v31  }
0x207: {  	v54 =	vld [tilespmem:s24+$0x20];
	[tilespmem:s24+$0xFFFFFFB0] =	vst v2;
	v2 =	vmul.f32 v50, v31  }
0x208: {  	[tilespmem:s24+$0xFFFFFFC0] =	vst v1;
	v1 =	vmul.f32 v3, v31;
	v3 =	vld [tilespmem:s24+$0x30]  }
0x209: {  	v55 =	vld [tilespmem:s24+$0x40];
	[tilespmem:s24+$0xFFFFFFD0] =	vst v2;
	v2 =	vmul.f32 v51, v31  }
0x20a: {  	v56 =	vld [tilespmem:s24+$0x50];
	[tilespmem:s24+$0xFFFFFFE0] =	vst v1;
	v1 =	vmul.f32 v52, v32  }
0x20b: {  	v57 =	vld [tilespmem:s24+$0x60];
	[tilespmem:s24+$0xFFFFFFF0] =	vst v2;
	v2 =	vmul.f32 v53, v32  }
0x20c: {  	v58 =	vld [tilespmem:s24+$0x80];
	[tilespmem:s24+$0x0] =	vst v1;
	v1 =	vmul.f32 v54, v32  }
0x20d: {  	[tilespmem:s24+$0x10] =	vst v2;
	v2 =	vmul.f32 v3, v32;
	v3 =	vld [tilespmem:s24+$0x90]  }
0x20e: {  	v59 =	vld [tilespmem:s24+$0xA0];
	[tilespmem:s24+$0x20] =	vst v1;
	v1 =	vmul.f32 v55, v32  }
0x20f: {  	v60 =	vld [tilespmem:s24+$0xB0];
	[tilespmem:s24+$0x30] =	vst v2;
	v2 =	vmul.f32 v56, v32  }
0x210: {  	v61 =	vld [tilespmem:s24+$0xC0];
	[tilespmem:s24+$0x40] =	vst v1;
	v1 =	vmul.f32 v57, v32  }
0x211: {  	v62 =	vld [tilespmem:s24+$0xD0];
	[tilespmem:s24+$0x50] =	vst v2;
	v2 =	vmul.f32 v58, v5  }
0x212: {  	[tilespmem:s24+$0x60] =	vst v1;
	v1 =	vmul.f32 v3, v5;
	v3 =	vld [tilespmem:s24+$0xE0]  }
0x213: {  	v63 =	vld [tilespmem:s24+$0xF0];
	[tilespmem:s24+$0x80] =	vst v2;
	v2 =	vmul.f32 v59, v5  }
0x214: {  	[tilespmem:s24+$0x90] =	vst v1;
	v1 =	vmul.f32 v60, v5  }
0x215: {  	[tilespmem:s24+$0xA0] =	vst v2;
	v2 =	vmul.f32 v61, v5  }
0x216: {  	[tilespmem:s24+$0xB0] =	vst v1;
	v1 =	vmul.f32 v62, v5  }
0x217: {  	[tilespmem:s24+$0xC0] =	vst v2;
	v2 =	vmul.f32 v3, v5  }
0x218: {  	[tilespmem:s24+$0xD0] =	vst v1;
	v1 =	vmul.f32 v63, v5  }
0x219: {  	[tilespmem:s24+$0xE0] =	vst v2  }
0x21a: {  	s19 =	simm.s32 $0x30;
	s20 =	simm.s32 $0x48F0;
	[tilespmem:s24+$0xF0] =	vst v1  }
.LBB2_7:
0x21b: {  	v1 =	vmov s19;
	_ =	sdelay $0x3  }
0x21c: {  	v2 =	vld [tilespmem:s20+$0xFFFFFF90]  }
0x21d: {  	v1 =	vld.idx.msk [tilespmem:v1+s15+$0x0], $0xffff;
	_ =	sdelay $0x4  }
0x21e: {  	v2 =	vmul.f32 v2, v1;
	_ =	sdelay $0x1  }
0x21f: {  	[tilespmem:s20+$0xFFFFFF90] =	vst v2;
	v2 =	vld [tilespmem:s20+$0xFFFFFFA0];
	_ =	sdelay $0x4  }
0x220: {  	v2 =	vmul.f32 v2, v1;
	_ =	sdelay $0x1  }
0x221: {  	[tilespmem:s20+$0xFFFFFFA0] =	vst v2;
	v2 =	vld [tilespmem:s20+$0xFFFFFFB0];
	_ =	sdelay $0x4  }
0x222: {  	v2 =	vmul.f32 v2, v1;
	_ =	sdelay $0x1  }
0x223: {  	[tilespmem:s20+$0xFFFFFFB0] =	vst v2;
	v2 =	vld [tilespmem:s20+$0xFFFFFFC0];
	_ =	sdelay $0x4  }
0x224: {  	v2 =	vmul.f32 v2, v1;
	_ =	sdelay $0x1  }
0x225: {  	[tilespmem:s20+$0xFFFFFFC0] =	vst v2;
	v2 =	vld [tilespmem:s20+$0xFFFFFFD0];
	_ =	sdelay $0x4  }
0x226: {  	v2 =	vmul.f32 v2, v1;
	_ =	sdelay $0x1  }
0x227: {  	[tilespmem:s20+$0xFFFFFFD0] =	vst v2;
	v2 =	vld [tilespmem:s20+$0xFFFFFFE0];
	_ =	sdelay $0x4  }
0x228: {  	v2 =	vmul.f32 v2, v1;
	_ =	sdelay $0x1  }
0x229: {  	[tilespmem:s20+$0xFFFFFFE0] =	vst v2;
	v2 =	vld [tilespmem:s20+$0xFFFFFFF0];
	_ =	sdelay $0x4  }
0x22a: {  	v2 =	vmul.f32 v2, v1;
	_ =	sdelay $0x1  }
0x22b: {  	[tilespmem:s20+$0xFFFFFFF0] =	vst v2;
	v2 =	vld [tilespmem:s20+$0x0];
	_ =	sdelay $0x1  }
0x22c: {  	p0 =	sne.s32 s19, $0x31  }
.Ltmp2:
0x22d: {  	_ = 	snop;
	(pc) =	sbr.rel @p0 .LBB2_7-.Ltmp2, $3  }
0x22e: {  	_ = 	snop  }
0x22f: {  	v1 =	vmul.f32 v2, v1;
	_ =	sdelay $0x1  }
0x230: {  	s19 =	sadd.s32 $0x1, s19;
	[tilespmem:s20+$0x0] =	vst v1;
	s20 =	sadd.s32 $0x80, s20  }
0x231: {  	s19 =	simm.s32 $0x32  }
0x232: {  	s21 =	simm.s32 $0x35;
	s6 =	simm.s32 $0x2B80;
	v1 =	vmov s19  }
0x233: {  	v2 =	vmov s21;
	[spmem:s3] =	stream.indirect.scatter.add.f32 [tilespmem:s28], [sflag:$0x6], $0x80, s6, s2, $0xb8;
	v1 =	vand.u32 $0xFFFFFFFE, v1;
	[tilespmem:$0x1F880] =	vst v63  }
0x234: {  	v2 =	vand.u32 $0xFFFFFFFD, v2;
	_ =	swait.ge [sflag:s16], $0x1900;
	v1 =	vbroadcast v1, $0x0  }
0x235: {  	v2 =	vbroadcast v2, $0x0;
	[sflag:s16] =	ssyncset.done $0x0  }
0x236: {  	s19 =	simm.s32 $0x4D80;
	[sflag:s16] =	ssyncadd.s32 $0xFFFFE700  }
0x237: {  	v4 =	vld [tilespmem:s19+$0xFFFFFF00]  }
0x238: {  	v5 =	vld [tilespmem:s19+$0xFFFFFF10]  }
0x239: {  	v7 =	vld [tilespmem:s19+$0xFFFFFF20]  }
0x23a: {  	v3 =	vld.idx.msk [tilespmem:v1+s15+$0x0], $0xffff  }
0x23b: {  	v1 =	vld.idx.msk [tilespmem:v2+s15+$0x0], $0xffff  }
0x23c: {  	s20 =	simm.s32 $0x33;
	v2 =	vld [tilespmem:s19+$0xF0]  }
0x23d: {  	v6 =	vmov s20;
	v8 =	vld [tilespmem:s19+$0xFFFFFF30]  }
0x23e: {  	v9 =	vld [tilespmem:s19+$0xFFFFFF40]  }
0x23f: {  	v10 =	vld [tilespmem:s19+$0xFFFFFF50]  }
0x240: {  	v11 =	vld [tilespmem:s19+$0xFFFFFF60];
	v4 =	vmul.f32 v4, v3  }
0x241: {  	s24 =	simm.s32 $0x34;
	v13 =	vld [tilespmem:s19+$0xFFFFFFD0];
	v2 =	vmul.f32 v2, v1  }
0x242: {  	v12 =	vld.idx.msk [tilespmem:v6+s15+$0x0], $0xffff;
	v5 =	vmul.f32 v5, v3;
	[tilespmem:s19+$0xFFFFFF00] =	vst v4;
	v4 =	vmov s24  }
0x243: {  	v6 =	vld [tilespmem:s19+$0xFFFFFF70];
	[tilespmem:s19+$0xF0] =	vst v2;
	v2 =	vmul.f32 v7, v3;
	v4 =	vand.u32 $0xFFFFFFFC, v4  }
0x244: {  	v7 =	vld [tilespmem:s19+$0xFFFFFF80];
	[tilespmem:s19+$0xFFFFFF10] =	vst v5;
	v5 =	vmul.f32 v8, v3;
	v4 =	vbroadcast v4, $0x0  }
0x245: {  	[tilespmem:s19+$0xFFFFFF20] =	vst v2;
	v2 =	vmul.f32 v9, v3;
	v9 =	vld [tilespmem:s19+$0xFFFFFFA0]  }
0x246: {  	v8 =	vld [tilespmem:s19+$0xFFFFFF90];
	[tilespmem:s19+$0xFFFFFF30] =	vst v5;
	v5 =	vmul.f32 v10, v3  }
0x247: {  	[tilespmem:s19+$0xFFFFFF40] =	vst v2;
	v2 =	vmul.f32 v11, v3;
	v11 =	vld [tilespmem:s19+$0xFFFFFFC0]  }
0x248: {  	v10 =	vld [tilespmem:s19+$0xFFFFFFB0];
	[tilespmem:s19+$0xFFFFFF50] =	vst v5;
	v3 =	vmul.f32 v6, v3  }
0x249: {  	v14 =	vld [tilespmem:s19+$0xFFFFFFE0];
	v5 =	vmul.f32 v7, v12;
	[tilespmem:s19+$0xFFFFFF60] =	vst v2  }
0x24a: {  	[tilespmem:s19+$0xFFFFFF70] =	vst v3;
	v3 =	vmul.f32 v9, v12;
	v2 =	vld.idx.msk [tilespmem:v4+s15+$0x0], $0xffff  }
0x24b: {  	[tilespmem:s19+$0xFFFFFF80] =	vst v5;
	v4 =	vmul.f32 v8, v12;
	v8 =	vld [tilespmem:s19+$0xFFFFFFF0]  }
0x24c: {  	v9 =	vld [tilespmem:s19+$0x0];
	[tilespmem:s19+$0xFFFFFFA0] =	vst v3;
	v3 =	vmul.f32 v11, v12  }
0x24d: {  	v7 =	vld [tilespmem:s19+$0x10];
	[tilespmem:s19+$0xFFFFFF90] =	vst v4;
	v4 =	vmul.f32 v10, v12  }
0x24e: {  	v6 =	vld [tilespmem:s19+$0x20];
	v10 =	vmul.f32 v14, v12;
	[tilespmem:s19+$0xFFFFFFC0] =	vst v3  }
0x24f: {  	v5 =	vld [tilespmem:s19+$0x30];
	[tilespmem:s19+$0xFFFFFFB0] =	vst v4;
	v4 =	vmul.f32 v13, v12  }
0x250: {  	s31 =	simm.s32 $0x0;
	v3 =	vld [tilespmem:s19+$0x40];
	[tilespmem:s19+$0xFFFFFFE0] =	vst v10;
	v8 =	vmul.f32 v8, v12  }
0x251: {  	s30 =	simm.s32 $0x4D80;
	s20 =	simm.s32 $0x64F0;
	s24 =	simm.s32 $0x62;
	v9 =	vmul.f32 v9, v2;
	[tilespmem:s19+$0xFFFFFFD0] =	vst v4;
	v4 =	vld [tilespmem:s19+$0x50]  }
.LBB2_9:
0x252: {  	s6 =	sadd.s32 $0x37, s31;
	[tilespmem:s19+$0xFFFFFFF0] =	vst v8;
	v7 =	vmul.f32 v7, v2;
	v8 =	vld [tilespmem:s19+$0x60]  }
0x253: {  	s21 =	sadd.s32 $0x36, s31;
	v10 =	vmov s6;
	s6 =	sadd.s32 $0x38, s31;
	[tilespmem:s19+$0x0] =	vst v9;
	v6 =	vmul.f32 v6, v2;
	v9 =	vld [tilespmem:s19+$0x70]  }
0x254: {  	v11 =	vmov s21;
	v12 =	vmov s6;
	[tilespmem:s19+$0x10] =	vst v7;
	v5 =	vmul.f32 v5, v2;
	v7 =	vld [tilespmem:s19+$0x80]  }
0x255: {  	v11 =	vand.u32 $0xFFFFFFFE, v11;
	s6 =	sadd.s32 $0x39, s31;
	s31 =	sadd.s32 $0x4, s31;
	v12 =	vand.u32 $0xFFFFFFFC, v12;
	[tilespmem:s19+$0x20] =	vst v6;
	v3 =	vmul.f32 v3, v2;
	v6 =	vld [tilespmem:s19+$0x90]  }
0x256: {  	v11 =	vbroadcast v11, $0x0;
	v13 =	vmov s6;
	p0 =	slt.u32 s31, $0x2C;
	[tilespmem:s19+$0x30] =	vst v5;
	v4 =	vmul.f32 v4, v2;
	v5 =	vld [tilespmem:s19+$0xA0]  }
0x257: {  	v12 =	vbroadcast v12, $0x0;
	v13 =	vand.u32 $0xFFFFFFFD, v13;
	[tilespmem:s19+$0x40] =	vst v3;
	v3 =	vmul.f32 v8, v2;
	v8 =	vld [tilespmem:s19+$0xB0]  }
0x258: {  	v13 =	vbroadcast v13, $0x0;
	[tilespmem:s19+$0x50] =	vst v4;
	v2 =	vmul.f32 v9, v2;
	v4 =	vld [tilespmem:s19+$0xC0]  }
0x259: {  	[tilespmem:s19+$0x60] =	vst v3;
	v3 =	vmul.f32 v7, v1;
	v7 =	vld [tilespmem:s19+$0xD0]  }
0x25a: {  	[tilespmem:s19+$0x70] =	vst v2;
	v2 =	vmul.f32 v6, v1;
	v6 =	vld [tilespmem:s19+$0xE0]  }
0x25b: {  	v9 =	vld.idx.msk [tilespmem:v10+s15+$0x0], $0xffff;
	[tilespmem:s19+$0x80] =	vst v3;
	v3 =	vmul.f32 v5, v1  }
0x25c: {  	v5 =	vld.idx.msk [tilespmem:v11+s15+$0x0], $0xffff;
	[tilespmem:s19+$0x90] =	vst v2;
	v8 =	vmul.f32 v8, v1  }
0x25d: {  	v2 =	vld.idx.msk [tilespmem:v12+s15+$0x0], $0xffff;
	[tilespmem:s19+$0xA0] =	vst v3;
	v3 =	vmul.f32 v4, v1  }
0x25e: {  	s19 =	sadd.s32 $0x200, s19;
	v4 =	vld.idx.msk [tilespmem:v13+s15+$0x0], $0xffff;
	[tilespmem:s30+$0xB0] =	vst v8;
	v7 =	vmul.f32 v7, v1  }
0x25f: {  	v8 =	vld [tilespmem:s19+$0xF0];
	[tilespmem:s30+$0xC0] =	vst v3;
	v1 =	vmul.f32 v6, v1  }
0x260: {  	v3 =	vld [tilespmem:s19+$0xFFFFFF00];
	[tilespmem:s30+$0xD0] =	vst v7  }
0x261: {  	v6 =	vld [tilespmem:s19+$0xFFFFFF10];
	[tilespmem:s30+$0xE0] =	vst v1;
	s30 =	smov.u32 s19  }
0x262: {  	v7 =	vld [tilespmem:s19+$0xFFFFFF20]  }
0x263: {  	v10 =	vld [tilespmem:s19+$0xFFFFFF30]  }
0x264: {  	v1 =	vmov v4;
	v11 =	vld [tilespmem:s19+$0xFFFFFF40];
	v8 =	vmul.f32 v8, v4  }
0x265: {  	v3 =	vmul.f32 v3, v5;
	v4 =	vld [tilespmem:s19+$0xFFFFFF50]  }
0x266: {  	v6 =	vmul.f32 v6, v5;
	v12 =	vld [tilespmem:s19+$0xFFFFFF60];
	[tilespmem:s19+$0xF0] =	vst v8  }
0x267: {  	[tilespmem:s19+$0xFFFFFF00] =	vst v3;
	v3 =	vmul.f32 v7, v5;
	v7 =	vld [tilespmem:s19+$0xFFFFFF70]  }
0x268: {  	[tilespmem:s19+$0xFFFFFF10] =	vst v6;
	v6 =	vmul.f32 v10, v5;
	v8 =	vld [tilespmem:s19+$0xFFFFFF80]  }
0x269: {  	[tilespmem:s19+$0xFFFFFF20] =	vst v3;
	v3 =	vmul.f32 v11, v5;
	v10 =	vld [tilespmem:s19+$0xFFFFFF90]  }
0x26a: {  	[tilespmem:s19+$0xFFFFFF30] =	vst v6;
	v4 =	vmul.f32 v4, v5;
	v6 =	vld [tilespmem:s19+$0xFFFFFFA0]  }
0x26b: {  	[tilespmem:s19+$0xFFFFFF40] =	vst v3;
	v3 =	vmul.f32 v12, v5;
	v11 =	vld [tilespmem:s19+$0xFFFFFFB0]  }
0x26c: {  	[tilespmem:s19+$0xFFFFFF50] =	vst v4;
	v4 =	vmul.f32 v7, v5;
	v5 =	vld [tilespmem:s19+$0xFFFFFFC0]  }
0x26d: {  	[tilespmem:s19+$0xFFFFFF60] =	vst v3;
	v3 =	vmul.f32 v8, v9;
	v8 =	vld [tilespmem:s19+$0xFFFFFFD0]  }
0x26e: {  	[tilespmem:s19+$0xFFFFFF70] =	vst v4;
	v4 =	vmul.f32 v10, v9;
	v10 =	vld [tilespmem:s19+$0xFFFFFFE0]  }
0x26f: {  	[tilespmem:s19+$0xFFFFFF80] =	vst v3;
	v3 =	vmul.f32 v6, v9;
	v12 =	vld [tilespmem:s19+$0xFFFFFFF0]  }
0x270: {  	[tilespmem:s19+$0xFFFFFF90] =	vst v4;
	v4 =	vmul.f32 v11, v9;
	v11 =	vld [tilespmem:s19+$0x0]  }
.Ltmp3:
0x271: {  	[tilespmem:s19+$0xFFFFFFA0] =	vst v3;
	v3 =	vmul.f32 v5, v9;
	v7 =	vld [tilespmem:s19+$0x10];
	(pc) =	sbr.rel @p0 .LBB2_9-.Ltmp3, $4  }
0x272: {  	[tilespmem:s19+$0xFFFFFFB0] =	vst v4;
	v4 =	vmul.f32 v8, v9;
	v6 =	vld [tilespmem:s19+$0x20]  }
0x273: {  	[tilespmem:s19+$0xFFFFFFC0] =	vst v3;
	v10 =	vmul.f32 v10, v9;
	v5 =	vld [tilespmem:s19+$0x30]  }
0x274: {  	[tilespmem:s19+$0xFFFFFFD0] =	vst v4;
	v8 =	vmul.f32 v12, v9;
	v3 =	vld [tilespmem:s19+$0x40]  }
0x275: {  	[tilespmem:s19+$0xFFFFFFE0] =	vst v10;
	v9 =	vmul.f32 v11, v2;
	v4 =	vld [tilespmem:s19+$0x50]  }
0x276: {  	v10 =	vld [tilespmem:s19+$0x60];
	v7 =	vmul.f32 v7, v2;
	[tilespmem:s19+$0xFFFFFFF0] =	vst v8  }
0x277: {  	v56 =	vld [tilespmem:s19+$0x70];
	[tilespmem:s19+$0x0] =	vst v9;
	v6 =	vmul.f32 v6, v2  }
0x278: {  	v57 =	vld [tilespmem:s19+$0x80];
	[tilespmem:s19+$0x10] =	vst v7;
	v5 =	vmul.f32 v5, v2  }
0x279: {  	v58 =	vld [tilespmem:s19+$0x90];
	[tilespmem:s19+$0x20] =	vst v6;
	v3 =	vmul.f32 v3, v2  }
0x27a: {  	v59 =	vld [tilespmem:s19+$0xA0];
	[tilespmem:s19+$0x30] =	vst v5;
	v4 =	vmul.f32 v4, v2  }
0x27b: {  	v60 =	vld [tilespmem:s19+$0xB0];
	[tilespmem:s19+$0x40] =	vst v3;
	v3 =	vmul.f32 v10, v2  }
0x27c: {  	v61 =	vld [tilespmem:s19+$0xC0];
	v2 =	vmul.f32 v56, v2;
	[tilespmem:s19+$0x50] =	vst v4  }
0x27d: {  	v62 =	vld [tilespmem:s19+$0xD0];
	[tilespmem:s19+$0x60] =	vst v3;
	v3 =	vmul.f32 v57, v1  }
0x27e: {  	v63 =	vld [tilespmem:s19+$0xE0];
	[tilespmem:s19+$0x70] =	vst v2;
	v2 =	vmul.f32 v58, v1  }
0x27f: {  	[tilespmem:s19+$0x80] =	vst v3;
	v3 =	vmul.f32 v59, v1  }
0x280: {  	[tilespmem:s19+$0x90] =	vst v2;
	v2 =	vmul.f32 v60, v1  }
0x281: {  	[tilespmem:s19+$0xA0] =	vst v3;
	v3 =	vmul.f32 v61, v1  }
0x282: {  	[tilespmem:s30+$0xB0] =	vst v2;
	v2 =	vmul.f32 v62, v1  }
0x283: {  	v1 =	vmul.f32 v63, v1;
	[tilespmem:s30+$0xC0] =	vst v3  }
0x284: {  	[tilespmem:s30+$0xD0] =	vst v2  }
0x285: {  	[tilespmem:s30+$0xE0] =	vst v1  }
.LBB2_11:
0x286: {  	v1 =	vmov s24;
	_ =	sdelay $0x3  }
0x287: {  	v2 =	vld [tilespmem:s20+$0xFFFFFF90]  }
0x288: {  	v1 =	vld.idx.msk [tilespmem:v1+s15+$0x0], $0xffff;
	_ =	sdelay $0x4  }
0x289: {  	v2 =	vmul.f32 v2, v1;
	_ =	sdelay $0x1  }
0x28a: {  	[tilespmem:s20+$0xFFFFFF90] =	vst v2;
	v2 =	vld [tilespmem:s20+$0xFFFFFFA0];
	_ =	sdelay $0x4  }
0x28b: {  	v2 =	vmul.f32 v2, v1;
	_ =	sdelay $0x1  }
0x28c: {  	[tilespmem:s20+$0xFFFFFFA0] =	vst v2;
	v2 =	vld [tilespmem:s20+$0xFFFFFFB0];
	_ =	sdelay $0x4  }
0x28d: {  	v2 =	vmul.f32 v2, v1;
	_ =	sdelay $0x1  }
0x28e: {  	[tilespmem:s20+$0xFFFFFFB0] =	vst v2;
	v2 =	vld [tilespmem:s20+$0xFFFFFFC0];
	_ =	sdelay $0x4  }
0x28f: {  	v2 =	vmul.f32 v2, v1;
	_ =	sdelay $0x1  }
0x290: {  	[tilespmem:s20+$0xFFFFFFC0] =	vst v2;
	v2 =	vld [tilespmem:s20+$0xFFFFFFD0];
	_ =	sdelay $0x4  }
0x291: {  	v2 =	vmul.f32 v2, v1;
	_ =	sdelay $0x1  }
0x292: {  	[tilespmem:s20+$0xFFFFFFD0] =	vst v2;
	v2 =	vld [tilespmem:s20+$0xFFFFFFE0];
	_ =	sdelay $0x4  }
0x293: {  	v2 =	vmul.f32 v2, v1;
	_ =	sdelay $0x1  }
0x294: {  	[tilespmem:s20+$0xFFFFFFE0] =	vst v2;
	v2 =	vld [tilespmem:s20+$0xFFFFFFF0];
	_ =	sdelay $0x4  }
0x295: {  	v2 =	vmul.f32 v2, v1;
	_ =	sdelay $0x1  }
0x296: {  	[tilespmem:s20+$0xFFFFFFF0] =	vst v2;
	v2 =	vld [tilespmem:s20+$0x0];
	_ =	sdelay $0x1  }
0x297: {  	p0 =	sne.s32 s24, $0x63  }
.Ltmp4:
0x298: {  	_ = 	snop;
	(pc) =	sbr.rel @p0 .LBB2_11-.Ltmp4, $3  }
0x299: {  	_ = 	snop  }
0x29a: {  	v1 =	vmul.f32 v2, v1;
	_ =	sdelay $0x1  }
0x29b: {  	s24 =	sadd.s32 $0x1, s24;
	[tilespmem:s20+$0x0] =	vst v1;
	s20 =	sadd.s32 $0x80, s20  }
0x29c: {  	s6 =	simm.s32 $0x64  }
0x29d: {  	s20 =	simm.s32 $0x66;
	v1 =	vmov s6  }
0x29e: {  	v2 =	vmov s20;
	v1 =	vand.u32 $0xFFFFFFFC, v1  }
0x29f: {  	s21 =	simm.s32 $0x2C00;
	v2 =	vand.u32 $0xFFFFFFFE, v2;
	v1 =	vbroadcast v1, $0x0  }
0x2a0: {  	[spmem:s3] =	stream.indirect.scatter.add.f32 [tilespmem:s23], [sflag:$0x7], $0x80, s21, s2, $0xb8;
	v2 =	vbroadcast v2, $0x0;
	[tilespmem:$0x1F880] =	vst v63  }
0x2a1: {  	_ =	swait.ge [sflag:s18], $0x1900  }
0x2a2: {  	[sflag:s18] =	ssyncset.done $0x0  }
0x2a3: {  	s19 =	simm.s32 $0x6980;
	[sflag:s18] =	ssyncadd.s32 $0xFFFFE700  }
0x2a4: {  	v4 =	vld [tilespmem:s19+$0x70]  }
0x2a5: {  	s23 =	simm.s32 $0x65;
	v3 =	vld.idx.msk [tilespmem:v1+s15+$0x0], $0xffff  }
0x2a6: {  	v1 =	vld.idx.msk [tilespmem:v2+s15+$0x0], $0xffff;
	v2 =	vmov s23  }
0x2a7: {  	v5 =	vld [tilespmem:s19+$0xFFFFFF00];
	v2 =	vand.u32 $0xFFFFFFFD, v2  }
0x2a8: {  	v6 =	vld [tilespmem:s19+$0xFFFFFF10];
	v2 =	vbroadcast v2, $0x0  }
0x2a9: {  	v7 =	vld [tilespmem:s19+$0xFFFFFF20]  }
0x2aa: {  	v8 =	vld [tilespmem:s19+$0xFFFFFF30]  }
0x2ab: {  	v9 =	vld [tilespmem:s19+$0xFFFFFF40]  }
0x2ac: {  	v10 =	vld [tilespmem:s19+$0xFFFFFF50]  }
0x2ad: {  	v11 =	vld [tilespmem:s19+$0xFFFFFF60];
	v5 =	vmul.f32 v5, v3  }
0x2ae: {  	v12 =	vld.idx.msk [tilespmem:v2+s15+$0x0], $0xffff;
	v2 =	vmul.f32 v4, v1  }
0x2af: {  	[tilespmem:s19+$0xFFFFFF00] =	vst v5;
	v5 =	vld [tilespmem:s19+$0xFFFFFF70];
	v4 =	vmul.f32 v6, v3  }
0x2b0: {  	v6 =	vld [tilespmem:s19+$0xFFFFFF80];
	[tilespmem:s19+$0x70] =	vst v2;
	v2 =	vmul.f32 v7, v3  }
0x2b1: {  	s24 =	simm.s32 $0x67;
	[tilespmem:s19+$0xFFFFFF10] =	vst v4;
	v4 =	vmul.f32 v8, v3;
	v7 =	vld [tilespmem:s19+$0xFFFFFF90]  }
0x2b2: {  	v8 =	vmov s24;
	[tilespmem:s19+$0xFFFFFF20] =	vst v2;
	v2 =	vmul.f32 v9, v3;
	v9 =	vld [tilespmem:s19+$0xFFFFFFA0]  }
0x2b3: {  	[tilespmem:s19+$0xFFFFFF30] =	vst v4;
	v4 =	vmul.f32 v10, v3;
	v10 =	vld [tilespmem:s19+$0xFFFFFFB0]  }
0x2b4: {  	[tilespmem:s19+$0xFFFFFF40] =	vst v2;
	v2 =	vmul.f32 v11, v3;
	v11 =	vld [tilespmem:s19+$0xFFFFFFC0]  }
0x2b5: {  	[tilespmem:s19+$0xFFFFFF50] =	vst v4;
	v4 =	vmul.f32 v6, v12;
	v6 =	vld [tilespmem:s19+$0xFFFFFFD0]  }
0x2b6: {  	v3 =	vmul.f32 v5, v3;
	v5 =	vld [tilespmem:s19+$0xFFFFFFE0];
	[tilespmem:s19+$0xFFFFFF60] =	vst v2  }
0x2b7: {  	v7 =	vmul.f32 v7, v12;
	v2 =	vld.idx.msk [tilespmem:v8+s15+$0x0], $0xffff;
	[tilespmem:s19+$0xFFFFFF80] =	vst v4  }
0x2b8: {  	[tilespmem:s19+$0xFFFFFF70] =	vst v3;
	v4 =	vld [tilespmem:s19+$0xFFFFFFF0];
	v3 =	vmul.f32 v9, v12  }
0x2b9: {  	[tilespmem:s19+$0xFFFFFF90] =	vst v7;
	v8 =	vmul.f32 v10, v12;
	v10 =	vld [tilespmem:s19+$0x0]  }
0x2ba: {  	v7 =	vld [tilespmem:s19+$0x10];
	[tilespmem:s19+$0xFFFFFFA0] =	vst v3;
	v3 =	vmul.f32 v11, v12  }
0x2bb: {  	[tilespmem:s19+$0xFFFFFFB0] =	vst v8;
	v8 =	vmul.f32 v6, v12;
	v6 =	vld [tilespmem:s19+$0x20]  }
0x2bc: {  	v11 =	vmul.f32 v5, v12;
	v5 =	vld [tilespmem:s19+$0x30];
	[tilespmem:s19+$0xFFFFFFC0] =	vst v3  }
0x2bd: {  	s31 =	simm.s32 $0x0;
	[tilespmem:s19+$0xFFFFFFD0] =	vst v8;
	v3 =	vld [tilespmem:s19+$0x40];
	v9 =	vmul.f32 v4, v12  }
0x2be: {  	s30 =	simm.s32 $0x6980;
	s20 =	simm.s32 $0x80F0;
	s24 =	simm.s32 $0x94;
	[tilespmem:s19+$0xFFFFFFE0] =	vst v11;
	v4 =	vld [tilespmem:s19+$0x50];
	v8 =	vmul.f32 v10, v1  }
.LBB2_13:
0x2bf: {  	s6 =	sadd.s32 $0x6B, s31;
	[tilespmem:s19+$0xFFFFFFF0] =	vst v9;
	v7 =	vmul.f32 v7, v1;
	v9 =	vld [tilespmem:s19+$0x60]  }
0x2c0: {  	s21 =	sadd.s32 $0x68, s31;
	s23 =	sadd.s32 $0x69, s31;
	v10 =	vmov s6;
	[tilespmem:s19+$0x0] =	vst v8;
	v6 =	vmul.f32 v6, v1;
	v8 =	vld [tilespmem:s19+$0x80]  }
0x2c1: {  	v11 =	vmov s21;
	v12 =	vmov s23;
	[tilespmem:s19+$0x10] =	vst v7;
	v5 =	vmul.f32 v5, v1;
	v7 =	vld [tilespmem:s19+$0x90]  }
0x2c2: {  	s6 =	sadd.s32 $0x6A, s31;
	s31 =	sadd.s32 $0x4, s31;
	v11 =	vand.u32 $0xFFFFFFFC, v11;
	v12 =	vand.u32 $0xFFFFFFFD, v12;
	[tilespmem:s19+$0x20] =	vst v6;
	v3 =	vmul.f32 v3, v1;
	v6 =	vld [tilespmem:s19+$0xA0]  }
0x2c3: {  	v13 =	vmov s6;
	p0 =	slt.u32 s31, $0x2C;
	v11 =	vbroadcast v11, $0x0;
	[tilespmem:s19+$0x30] =	vst v5;
	v4 =	vmul.f32 v4, v1;
	v5 =	vld [tilespmem:s19+$0xB0]  }
0x2c4: {  	v12 =	vbroadcast v12, $0x0;
	v13 =	vand.u32 $0xFFFFFFFE, v13;
	[tilespmem:s19+$0x40] =	vst v3;
	v1 =	vmul.f32 v9, v1;
	v3 =	vld [tilespmem:s19+$0xC0]  }
0x2c5: {  	v9 =	vbroadcast v13, $0x0;
	[tilespmem:s19+$0x50] =	vst v4;
	v4 =	vmul.f32 v8, v2;
	v8 =	vld [tilespmem:s19+$0xD0]  }
0x2c6: {  	[tilespmem:s19+$0x60] =	vst v1;
	v1 =	vmul.f32 v7, v2;
	v7 =	vld [tilespmem:s19+$0xE0]  }
0x2c7: {  	[tilespmem:s19+$0x80] =	vst v4;
	v4 =	vmul.f32 v6, v2;
	v6 =	vld [tilespmem:s19+$0xF0]  }
0x2c8: {  	v10 =	vld.idx.msk [tilespmem:v10+s15+$0x0], $0xffff;
	[tilespmem:s19+$0x90] =	vst v1;
	v1 =	vmul.f32 v5, v2  }
0x2c9: {  	v5 =	vld.idx.msk [tilespmem:v11+s15+$0x0], $0xffff;
	[tilespmem:s19+$0xA0] =	vst v4;
	v3 =	vmul.f32 v3, v2  }
0x2ca: {  	v4 =	vld.idx.msk [tilespmem:v12+s15+$0x0], $0xffff;
	[tilespmem:s19+$0xB0] =	vst v1;
	v8 =	vmul.f32 v8, v2  }
0x2cb: {  	s19 =	sadd.s32 $0x200, s19;
	v1 =	vld.idx.msk [tilespmem:v9+s15+$0x0], $0xffff;
	[tilespmem:s30+$0xC0] =	vst v3;
	v3 =	vmul.f32 v7, v2  }
0x2cc: {  	v7 =	vld [tilespmem:s19+$0x70];
	[tilespmem:s30+$0xD0] =	vst v8;
	v8 =	vmul.f32 v6, v2  }
0x2cd: {  	v6 =	vld [tilespmem:s19+$0xFFFFFF00];
	[tilespmem:s30+$0xE0] =	vst v3  }
0x2ce: {  	v2 =	vmov v10;
	v3 =	vld [tilespmem:s19+$0xFFFFFF10];
	[tilespmem:s30+$0xF0] =	vst v8;
	s30 =	smov.u32 s19  }
0x2cf: {  	v8 =	vld [tilespmem:s19+$0xFFFFFF20]  }
0x2d0: {  	v9 =	vld [tilespmem:s19+$0xFFFFFF30]  }
0x2d1: {  	v10 =	vld [tilespmem:s19+$0xFFFFFF40];
	v7 =	vmul.f32 v7, v1  }
0x2d2: {  	v6 =	vmul.f32 v6, v5;
	v11 =	vld [tilespmem:s19+$0xFFFFFF50]  }
0x2d3: {  	v3 =	vmul.f32 v3, v5;
	v12 =	vld [tilespmem:s19+$0xFFFFFF60];
	[tilespmem:s19+$0x70] =	vst v7  }
0x2d4: {  	[tilespmem:s19+$0xFFFFFF00] =	vst v6;
	v6 =	vmul.f32 v8, v5;
	v7 =	vld [tilespmem:s19+$0xFFFFFF70]  }
0x2d5: {  	[tilespmem:s19+$0xFFFFFF10] =	vst v3;
	v3 =	vmul.f32 v9, v5;
	v8 =	vld [tilespmem:s19+$0xFFFFFF80]  }
0x2d6: {  	[tilespmem:s19+$0xFFFFFF20] =	vst v6;
	v6 =	vmul.f32 v10, v5;
	v9 =	vld [tilespmem:s19+$0xFFFFFF90]  }
0x2d7: {  	[tilespmem:s19+$0xFFFFFF30] =	vst v3;
	v3 =	vmul.f32 v11, v5;
	v10 =	vld [tilespmem:s19+$0xFFFFFFA0]  }
0x2d8: {  	[tilespmem:s19+$0xFFFFFF40] =	vst v6;
	v6 =	vmul.f32 v12, v5;
	v11 =	vld [tilespmem:s19+$0xFFFFFFB0]  }
0x2d9: {  	[tilespmem:s19+$0xFFFFFF50] =	vst v3;
	v3 =	vmul.f32 v7, v5;
	v5 =	vld [tilespmem:s19+$0xFFFFFFC0]  }
0x2da: {  	[tilespmem:s19+$0xFFFFFF60] =	vst v6;
	v6 =	vmul.f32 v8, v4;
	v8 =	vld [tilespmem:s19+$0xFFFFFFD0]  }
0x2db: {  	[tilespmem:s19+$0xFFFFFF70] =	vst v3;
	v3 =	vmul.f32 v9, v4;
	v9 =	vld [tilespmem:s19+$0xFFFFFFE0]  }
0x2dc: {  	[tilespmem:s19+$0xFFFFFF80] =	vst v6;
	v6 =	vmul.f32 v10, v4;
	v10 =	vld [tilespmem:s19+$0xFFFFFFF0]  }
0x2dd: {  	[tilespmem:s19+$0xFFFFFF90] =	vst v3;
	v3 =	vmul.f32 v11, v4;
	v11 =	vld [tilespmem:s19+$0x0]  }
.Ltmp5:
0x2de: {  	[tilespmem:s19+$0xFFFFFFA0] =	vst v6;
	v5 =	vmul.f32 v5, v4;
	v7 =	vld [tilespmem:s19+$0x10];
	(pc) =	sbr.rel @p0 .LBB2_13-.Ltmp5, $4  }
0x2df: {  	[tilespmem:s19+$0xFFFFFFB0] =	vst v3;
	v3 =	vmul.f32 v8, v4;
	v6 =	vld [tilespmem:s19+$0x20]  }
0x2e0: {  	[tilespmem:s19+$0xFFFFFFC0] =	vst v5;
	v8 =	vmul.f32 v9, v4;
	v5 =	vld [tilespmem:s19+$0x30]  }
0x2e1: {  	[tilespmem:s19+$0xFFFFFFD0] =	vst v3;
	v9 =	vmul.f32 v10, v4;
	v3 =	vld [tilespmem:s19+$0x40]  }
0x2e2: {  	[tilespmem:s19+$0xFFFFFFE0] =	vst v8;
	v8 =	vmul.f32 v11, v1;
	v4 =	vld [tilespmem:s19+$0x50]  }
0x2e3: {  	[tilespmem:s19+$0xFFFFFFF0] =	vst v9;
	v7 =	vmul.f32 v7, v1;
	v56 =	vld [tilespmem:s19+$0x80]  }
0x2e4: {  	v10 =	vld [tilespmem:s19+$0x60];
	[tilespmem:s19+$0x0] =	vst v8;
	v6 =	vmul.f32 v6, v1  }
0x2e5: {  	v57 =	vld [tilespmem:s19+$0x90];
	[tilespmem:s19+$0x10] =	vst v7;
	v5 =	vmul.f32 v5, v1  }
0x2e6: {  	v58 =	vld [tilespmem:s19+$0xA0];
	[tilespmem:s19+$0x20] =	vst v6;
	v3 =	vmul.f32 v3, v1  }
0x2e7: {  	v59 =	vld [tilespmem:s19+$0xB0];
	[tilespmem:s19+$0x30] =	vst v5;
	v4 =	vmul.f32 v4, v1  }
0x2e8: {  	v60 =	vld [tilespmem:s19+$0xC0];
	[tilespmem:s19+$0x40] =	vst v3;
	v3 =	vmul.f32 v56, v2  }
0x2e9: {  	v61 =	vld [tilespmem:s19+$0xD0];
	v1 =	vmul.f32 v10, v1;
	[tilespmem:s19+$0x50] =	vst v4  }
0x2ea: {  	v62 =	vld [tilespmem:s19+$0xE0];
	v8 =	vmul.f32 v57, v2;
	[tilespmem:s19+$0x80] =	vst v3  }
0x2eb: {  	[tilespmem:s19+$0x60] =	vst v1;
	v1 =	vmul.f32 v58, v2;
	v3 =	vld [tilespmem:s19+$0xF0]  }
0x2ec: {  	v6 =	vmul.f32 v59, v2;
	[tilespmem:s19+$0x90] =	vst v8  }
0x2ed: {  	[tilespmem:s19+$0xA0] =	vst v1;
	v1 =	vmul.f32 v60, v2  }
0x2ee: {  	v63 =	vmul.f32 v61, v2;
	[tilespmem:s19+$0xB0] =	vst v6  }
0x2ef: {  	[tilespmem:s30+$0xC0] =	vst v1;
	v1 =	vmul.f32 v62, v2  }
0x2f0: {  	[tilespmem:s30+$0xD0] =	vst v63;
	v2 =	vmul.f32 v3, v2  }
0x2f1: {  	[tilespmem:s30+$0xE0] =	vst v1  }
0x2f2: {  	[tilespmem:s30+$0xF0] =	vst v2  }
.LBB2_15:
0x2f3: {  	v1 =	vmov s24;
	_ =	sdelay $0x3  }
0x2f4: {  	v2 =	vld [tilespmem:s20+$0xFFFFFF90]  }
0x2f5: {  	v1 =	vld.idx.msk [tilespmem:v1+s15+$0x0], $0xffff;
	_ =	sdelay $0x4  }
0x2f6: {  	v2 =	vmul.f32 v2, v1;
	_ =	sdelay $0x1  }
0x2f7: {  	[tilespmem:s20+$0xFFFFFF90] =	vst v2;
	v2 =	vld [tilespmem:s20+$0xFFFFFFA0];
	_ =	sdelay $0x4  }
0x2f8: {  	v2 =	vmul.f32 v2, v1;
	_ =	sdelay $0x1  }
0x2f9: {  	[tilespmem:s20+$0xFFFFFFA0] =	vst v2;
	v2 =	vld [tilespmem:s20+$0xFFFFFFB0];
	_ =	sdelay $0x4  }
0x2fa: {  	v2 =	vmul.f32 v2, v1;
	_ =	sdelay $0x1  }
0x2fb: {  	[tilespmem:s20+$0xFFFFFFB0] =	vst v2;
	v2 =	vld [tilespmem:s20+$0xFFFFFFC0];
	_ =	sdelay $0x4  }
0x2fc: {  	v2 =	vmul.f32 v2, v1;
	_ =	sdelay $0x1  }
0x2fd: {  	[tilespmem:s20+$0xFFFFFFC0] =	vst v2;
	v2 =	vld [tilespmem:s20+$0xFFFFFFD0];
	_ =	sdelay $0x4  }
0x2fe: {  	v2 =	vmul.f32 v2, v1;
	_ =	sdelay $0x1  }
0x2ff: {  	[tilespmem:s20+$0xFFFFFFD0] =	vst v2;
	v2 =	vld [tilespmem:s20+$0xFFFFFFE0];
	_ =	sdelay $0x4  }
0x300: {  	v2 =	vmul.f32 v2, v1;
	_ =	sdelay $0x1  }
0x301: {  	[tilespmem:s20+$0xFFFFFFE0] =	vst v2;
	v2 =	vld [tilespmem:s20+$0xFFFFFFF0];
	_ =	sdelay $0x4  }
0x302: {  	v2 =	vmul.f32 v2, v1;
	_ =	sdelay $0x1  }
0x303: {  	[tilespmem:s20+$0xFFFFFFF0] =	vst v2;
	v2 =	vld [tilespmem:s20+$0x0];
	_ =	sdelay $0x1  }
0x304: {  	p0 =	sne.s32 s24, $0x95  }
.Ltmp6:
0x305: {  	_ = 	snop;
	(pc) =	sbr.rel @p0 .LBB2_15-.Ltmp6, $3  }
0x306: {  	_ = 	snop  }
0x307: {  	v1 =	vmul.f32 v2, v1;
	_ =	sdelay $0x1  }
0x308: {  	s24 =	sadd.s32 $0x1, s24;
	[tilespmem:s20+$0x0] =	vst v1;
	s20 =	sadd.s32 $0x80, s20  }
0x309: {  	s6 =	simm.s32 $0x96  }
0x30a: {  	s20 =	simm.s32 $0x99;
	s21 =	simm.s32 $0x2C80;
	v1 =	vmov s6  }
0x30b: {  	v2 =	vmov s20;
	[spmem:s3] =	stream.indirect.scatter.add.f32 [tilespmem:s10], [sflag:$0x8], $0x80, s21, s2, $0xb8;
	v1 =	vand.u32 $0xFFFFFFFE, v1;
	[tilespmem:$0x1F880] =	vst v63  }
0x30c: {  	v2 =	vand.u32 $0xFFFFFFFD, v2;
	_ =	swait.ge [sflag:s22], $0x1900;
	v1 =	vbroadcast v1, $0x0  }
0x30d: {  	v2 =	vbroadcast v2, $0x0;
	[sflag:s22] =	ssyncset.done $0x0  }
0x30e: {  	s19 =	simm.s32 $0x8580;
	[sflag:s22] =	ssyncadd.s32 $0xFFFFE700  }
0x30f: {  	v4 =	vld [tilespmem:s19+$0xFFFFFF00]  }
0x310: {  	v5 =	vld [tilespmem:s19+$0xFFFFFF10]  }
0x311: {  	v7 =	vld [tilespmem:s19+$0xFFFFFF20]  }
0x312: {  	v3 =	vld.idx.msk [tilespmem:v1+s15+$0x0], $0xffff  }
0x313: {  	v1 =	vld.idx.msk [tilespmem:v2+s15+$0x0], $0xffff  }
0x314: {  	s23 =	simm.s32 $0x97;
	v2 =	vld [tilespmem:s19+$0xF0]  }
0x315: {  	v6 =	vmov s23;
	v8 =	vld [tilespmem:s19+$0xFFFFFF30]  }
0x316: {  	v9 =	vld [tilespmem:s19+$0xFFFFFF40]  }
0x317: {  	v10 =	vld [tilespmem:s19+$0xFFFFFF50]  }
0x318: {  	v11 =	vld [tilespmem:s19+$0xFFFFFF60];
	v4 =	vmul.f32 v4, v3  }
0x319: {  	s24 =	simm.s32 $0x98;
	v13 =	vld [tilespmem:s19+$0xFFFFFFD0];
	v2 =	vmul.f32 v2, v1  }
0x31a: {  	v12 =	vld.idx.msk [tilespmem:v6+s15+$0x0], $0xffff;
	v5 =	vmul.f32 v5, v3;
	[tilespmem:s19+$0xFFFFFF00] =	vst v4;
	v4 =	vmov s24  }
0x31b: {  	v6 =	vld [tilespmem:s19+$0xFFFFFF70];
	[tilespmem:s19+$0xF0] =	vst v2;
	v2 =	vmul.f32 v7, v3;
	v4 =	vand.u32 $0xFFFFFFFC, v4  }
0x31c: {  	v7 =	vld [tilespmem:s19+$0xFFFFFF80];
	[tilespmem:s19+$0xFFFFFF10] =	vst v5;
	v5 =	vmul.f32 v8, v3;
	v4 =	vbroadcast v4, $0x0  }
0x31d: {  	[tilespmem:s19+$0xFFFFFF20] =	vst v2;
	v2 =	vmul.f32 v9, v3;
	v9 =	vld [tilespmem:s19+$0xFFFFFFA0]  }
0x31e: {  	v8 =	vld [tilespmem:s19+$0xFFFFFF90];
	[tilespmem:s19+$0xFFFFFF30] =	vst v5;
	v5 =	vmul.f32 v10, v3  }
0x31f: {  	[tilespmem:s19+$0xFFFFFF40] =	vst v2;
	v2 =	vmul.f32 v11, v3;
	v11 =	vld [tilespmem:s19+$0xFFFFFFC0]  }
0x320: {  	v10 =	vld [tilespmem:s19+$0xFFFFFFB0];
	[tilespmem:s19+$0xFFFFFF50] =	vst v5;
	v3 =	vmul.f32 v6, v3  }
0x321: {  	v14 =	vld [tilespmem:s19+$0xFFFFFFE0];
	v5 =	vmul.f32 v7, v12;
	[tilespmem:s19+$0xFFFFFF60] =	vst v2  }
0x322: {  	[tilespmem:s19+$0xFFFFFF70] =	vst v3;
	v3 =	vmul.f32 v9, v12;
	v2 =	vld.idx.msk [tilespmem:v4+s15+$0x0], $0xffff  }
0x323: {  	[tilespmem:s19+$0xFFFFFF80] =	vst v5;
	v4 =	vmul.f32 v8, v12;
	v8 =	vld [tilespmem:s19+$0xFFFFFFF0]  }
0x324: {  	v9 =	vld [tilespmem:s19+$0x0];
	[tilespmem:s19+$0xFFFFFFA0] =	vst v3;
	v3 =	vmul.f32 v11, v12  }
0x325: {  	v7 =	vld [tilespmem:s19+$0x10];
	[tilespmem:s19+$0xFFFFFF90] =	vst v4;
	v4 =	vmul.f32 v10, v12  }
0x326: {  	v6 =	vld [tilespmem:s19+$0x20];
	v10 =	vmul.f32 v14, v12;
	[tilespmem:s19+$0xFFFFFFC0] =	vst v3  }
0x327: {  	v5 =	vld [tilespmem:s19+$0x30];
	[tilespmem:s19+$0xFFFFFFB0] =	vst v4;
	v4 =	vmul.f32 v13, v12  }
0x328: {  	s31 =	simm.s32 $0x0;
	v3 =	vld [tilespmem:s19+$0x40];
	[tilespmem:s19+$0xFFFFFFE0] =	vst v10;
	v8 =	vmul.f32 v8, v12  }
0x329: {  	s30 =	simm.s32 $0x8580;
	s20 =	simm.s32 $0x9CF0;
	s24 =	simm.s32 $0xC6;
	v9 =	vmul.f32 v9, v2;
	[tilespmem:s19+$0xFFFFFFD0] =	vst v4;
	v4 =	vld [tilespmem:s19+$0x50]  }
.LBB2_17:
0x32a: {  	s6 =	sadd.s32 $0x9B, s31;
	[tilespmem:s19+$0xFFFFFFF0] =	vst v8;
	v7 =	vmul.f32 v7, v2;
	v8 =	vld [tilespmem:s19+$0x60]  }
0x32b: {  	s21 =	sadd.s32 $0x9A, s31;
	v10 =	vmov s6;
	s6 =	sadd.s32 $0x9C, s31;
	[tilespmem:s19+$0x0] =	vst v9;
	v6 =	vmul.f32 v6, v2;
	v9 =	vld [tilespmem:s19+$0x70]  }
0x32c: {  	v11 =	vmov s21;
	v12 =	vmov s6;
	[tilespmem:s19+$0x10] =	vst v7;
	v5 =	vmul.f32 v5, v2;
	v7 =	vld [tilespmem:s19+$0x80]  }
0x32d: {  	v11 =	vand.u32 $0xFFFFFFFE, v11;
	s6 =	sadd.s32 $0x9D, s31;
	s31 =	sadd.s32 $0x4, s31;
	v12 =	vand.u32 $0xFFFFFFFC, v12;
	[tilespmem:s19+$0x20] =	vst v6;
	v3 =	vmul.f32 v3, v2;
	v6 =	vld [tilespmem:s19+$0x90]  }
0x32e: {  	v11 =	vbroadcast v11, $0x0;
	v13 =	vmov s6;
	p0 =	slt.u32 s31, $0x2C;
	[tilespmem:s19+$0x30] =	vst v5;
	v4 =	vmul.f32 v4, v2;
	v5 =	vld [tilespmem:s19+$0xA0]  }
0x32f: {  	v12 =	vbroadcast v12, $0x0;
	v13 =	vand.u32 $0xFFFFFFFD, v13;
	[tilespmem:s19+$0x40] =	vst v3;
	v3 =	vmul.f32 v8, v2;
	v8 =	vld [tilespmem:s19+$0xB0]  }
0x330: {  	v13 =	vbroadcast v13, $0x0;
	[tilespmem:s19+$0x50] =	vst v4;
	v2 =	vmul.f32 v9, v2;
	v4 =	vld [tilespmem:s19+$0xC0]  }
0x331: {  	[tilespmem:s19+$0x60] =	vst v3;
	v3 =	vmul.f32 v7, v1;
	v7 =	vld [tilespmem:s19+$0xD0]  }
0x332: {  	[tilespmem:s19+$0x70] =	vst v2;
	v2 =	vmul.f32 v6, v1;
	v6 =	vld [tilespmem:s19+$0xE0]  }
0x333: {  	v9 =	vld.idx.msk [tilespmem:v10+s15+$0x0], $0xffff;
	[tilespmem:s19+$0x80] =	vst v3;
	v3 =	vmul.f32 v5, v1  }
0x334: {  	v5 =	vld.idx.msk [tilespmem:v11+s15+$0x0], $0xffff;
	[tilespmem:s19+$0x90] =	vst v2;
	v8 =	vmul.f32 v8, v1  }
0x335: {  	v2 =	vld.idx.msk [tilespmem:v12+s15+$0x0], $0xffff;
	[tilespmem:s19+$0xA0] =	vst v3;
	v3 =	vmul.f32 v4, v1  }
0x336: {  	s19 =	sadd.s32 $0x200, s19;
	v4 =	vld.idx.msk [tilespmem:v13+s15+$0x0], $0xffff;
	[tilespmem:s30+$0xB0] =	vst v8;
	v7 =	vmul.f32 v7, v1  }
0x337: {  	v8 =	vld [tilespmem:s19+$0xF0];
	[tilespmem:s30+$0xC0] =	vst v3;
	v1 =	vmul.f32 v6, v1  }
0x338: {  	v3 =	vld [tilespmem:s19+$0xFFFFFF00];
	[tilespmem:s30+$0xD0] =	vst v7  }
0x339: {  	v6 =	vld [tilespmem:s19+$0xFFFFFF10];
	[tilespmem:s30+$0xE0] =	vst v1;
	s30 =	smov.u32 s19  }
0x33a: {  	v7 =	vld [tilespmem:s19+$0xFFFFFF20]  }
0x33b: {  	v10 =	vld [tilespmem:s19+$0xFFFFFF30]  }
0x33c: {  	v1 =	vmov v4;
	v11 =	vld [tilespmem:s19+$0xFFFFFF40];
	v8 =	vmul.f32 v8, v4  }
0x33d: {  	v3 =	vmul.f32 v3, v5;
	v4 =	vld [tilespmem:s19+$0xFFFFFF50]  }
0x33e: {  	v6 =	vmul.f32 v6, v5;
	v12 =	vld [tilespmem:s19+$0xFFFFFF60];
	[tilespmem:s19+$0xF0] =	vst v8  }
0x33f: {  	[tilespmem:s19+$0xFFFFFF00] =	vst v3;
	v3 =	vmul.f32 v7, v5;
	v7 =	vld [tilespmem:s19+$0xFFFFFF70]  }
0x340: {  	[tilespmem:s19+$0xFFFFFF10] =	vst v6;
	v6 =	vmul.f32 v10, v5;
	v8 =	vld [tilespmem:s19+$0xFFFFFF80]  }
0x341: {  	[tilespmem:s19+$0xFFFFFF20] =	vst v3;
	v3 =	vmul.f32 v11, v5;
	v10 =	vld [tilespmem:s19+$0xFFFFFF90]  }
0x342: {  	[tilespmem:s19+$0xFFFFFF30] =	vst v6;
	v4 =	vmul.f32 v4, v5;
	v6 =	vld [tilespmem:s19+$0xFFFFFFA0]  }
0x343: {  	[tilespmem:s19+$0xFFFFFF40] =	vst v3;
	v3 =	vmul.f32 v12, v5;
	v11 =	vld [tilespmem:s19+$0xFFFFFFB0]  }
0x344: {  	[tilespmem:s19+$0xFFFFFF50] =	vst v4;
	v4 =	vmul.f32 v7, v5;
	v5 =	vld [tilespmem:s19+$0xFFFFFFC0]  }
0x345: {  	[tilespmem:s19+$0xFFFFFF60] =	vst v3;
	v3 =	vmul.f32 v8, v9;
	v8 =	vld [tilespmem:s19+$0xFFFFFFD0]  }
0x346: {  	[tilespmem:s19+$0xFFFFFF70] =	vst v4;
	v4 =	vmul.f32 v10, v9;
	v10 =	vld [tilespmem:s19+$0xFFFFFFE0]  }
0x347: {  	[tilespmem:s19+$0xFFFFFF80] =	vst v3;
	v3 =	vmul.f32 v6, v9;
	v12 =	vld [tilespmem:s19+$0xFFFFFFF0]  }
0x348: {  	[tilespmem:s19+$0xFFFFFF90] =	vst v4;
	v4 =	vmul.f32 v11, v9;
	v11 =	vld [tilespmem:s19+$0x0]  }
.Ltmp7:
0x349: {  	[tilespmem:s19+$0xFFFFFFA0] =	vst v3;
	v3 =	vmul.f32 v5, v9;
	v7 =	vld [tilespmem:s19+$0x10];
	(pc) =	sbr.rel @p0 .LBB2_17-.Ltmp7, $4  }
0x34a: {  	[tilespmem:s19+$0xFFFFFFB0] =	vst v4;
	v4 =	vmul.f32 v8, v9;
	v6 =	vld [tilespmem:s19+$0x20]  }
0x34b: {  	[tilespmem:s19+$0xFFFFFFC0] =	vst v3;
	v10 =	vmul.f32 v10, v9;
	v5 =	vld [tilespmem:s19+$0x30]  }
0x34c: {  	[tilespmem:s19+$0xFFFFFFD0] =	vst v4;
	v8 =	vmul.f32 v12, v9;
	v3 =	vld [tilespmem:s19+$0x40]  }
0x34d: {  	[tilespmem:s19+$0xFFFFFFE0] =	vst v10;
	v9 =	vmul.f32 v11, v2;
	v4 =	vld [tilespmem:s19+$0x50]  }
0x34e: {  	v10 =	vld [tilespmem:s19+$0x60];
	v7 =	vmul.f32 v7, v2;
	[tilespmem:s19+$0xFFFFFFF0] =	vst v8  }
0x34f: {  	v56 =	vld [tilespmem:s19+$0x70];
	[tilespmem:s19+$0x0] =	vst v9;
	v6 =	vmul.f32 v6, v2  }
0x350: {  	v57 =	vld [tilespmem:s19+$0x80];
	[tilespmem:s19+$0x10] =	vst v7;
	v5 =	vmul.f32 v5, v2  }
0x351: {  	v58 =	vld [tilespmem:s19+$0x90];
	[tilespmem:s19+$0x20] =	vst v6;
	v3 =	vmul.f32 v3, v2  }
0x352: {  	v59 =	vld [tilespmem:s19+$0xA0];
	[tilespmem:s19+$0x30] =	vst v5;
	v4 =	vmul.f32 v4, v2  }
0x353: {  	v60 =	vld [tilespmem:s19+$0xB0];
	[tilespmem:s19+$0x40] =	vst v3;
	v3 =	vmul.f32 v10, v2  }
0x354: {  	v61 =	vld [tilespmem:s19+$0xC0];
	v2 =	vmul.f32 v56, v2;
	[tilespmem:s19+$0x50] =	vst v4  }
0x355: {  	v62 =	vld [tilespmem:s19+$0xD0];
	[tilespmem:s19+$0x60] =	vst v3;
	v3 =	vmul.f32 v57, v1  }
0x356: {  	v63 =	vld [tilespmem:s19+$0xE0];
	[tilespmem:s19+$0x70] =	vst v2;
	v2 =	vmul.f32 v58, v1  }
0x357: {  	[tilespmem:s19+$0x80] =	vst v3;
	v3 =	vmul.f32 v59, v1  }
0x358: {  	[tilespmem:s19+$0x90] =	vst v2;
	v2 =	vmul.f32 v60, v1  }
0x359: {  	[tilespmem:s19+$0xA0] =	vst v3;
	v3 =	vmul.f32 v61, v1  }
0x35a: {  	[tilespmem:s30+$0xB0] =	vst v2;
	v2 =	vmul.f32 v62, v1  }
0x35b: {  	v1 =	vmul.f32 v63, v1;
	[tilespmem:s30+$0xC0] =	vst v3  }
0x35c: {  	[tilespmem:s30+$0xD0] =	vst v2  }
0x35d: {  	[tilespmem:s30+$0xE0] =	vst v1  }
.LBB2_19:
0x35e: {  	v1 =	vmov s24;
	_ =	sdelay $0x3  }
0x35f: {  	v2 =	vld [tilespmem:s20+$0xFFFFFF90]  }
0x360: {  	v1 =	vld.idx.msk [tilespmem:v1+s15+$0x0], $0xffff;
	_ =	sdelay $0x4  }
0x361: {  	v2 =	vmul.f32 v2, v1;
	_ =	sdelay $0x1  }
0x362: {  	[tilespmem:s20+$0xFFFFFF90] =	vst v2;
	v2 =	vld [tilespmem:s20+$0xFFFFFFA0];
	_ =	sdelay $0x4  }
0x363: {  	v2 =	vmul.f32 v2, v1;
	_ =	sdelay $0x1  }
0x364: {  	[tilespmem:s20+$0xFFFFFFA0] =	vst v2;
	v2 =	vld [tilespmem:s20+$0xFFFFFFB0];
	_ =	sdelay $0x4  }
0x365: {  	v2 =	vmul.f32 v2, v1;
	_ =	sdelay $0x1  }
0x366: {  	[tilespmem:s20+$0xFFFFFFB0] =	vst v2;
	v2 =	vld [tilespmem:s20+$0xFFFFFFC0];
	_ =	sdelay $0x4  }
0x367: {  	v2 =	vmul.f32 v2, v1;
	_ =	sdelay $0x1  }
0x368: {  	[tilespmem:s20+$0xFFFFFFC0] =	vst v2;
	v2 =	vld [tilespmem:s20+$0xFFFFFFD0];
	_ =	sdelay $0x4  }
0x369: {  	v2 =	vmul.f32 v2, v1;
	_ =	sdelay $0x1  }
0x36a: {  	[tilespmem:s20+$0xFFFFFFD0] =	vst v2;
	v2 =	vld [tilespmem:s20+$0xFFFFFFE0];
	_ =	sdelay $0x4  }
0x36b: {  	v2 =	vmul.f32 v2, v1;
	_ =	sdelay $0x1  }
0x36c: {  	[tilespmem:s20+$0xFFFFFFE0] =	vst v2;
	v2 =	vld [tilespmem:s20+$0xFFFFFFF0];
	_ =	sdelay $0x4  }
0x36d: {  	v2 =	vmul.f32 v2, v1;
	_ =	sdelay $0x1  }
0x36e: {  	[tilespmem:s20+$0xFFFFFFF0] =	vst v2;
	v2 =	vld [tilespmem:s20+$0x0];
	_ =	sdelay $0x1  }
0x36f: {  	p0 =	sne.s32 s24, $0xC7  }
.Ltmp8:
0x370: {  	_ = 	snop;
	(pc) =	sbr.rel @p0 .LBB2_19-.Ltmp8, $3  }
0x371: {  	_ = 	snop  }
0x372: {  	v1 =	vmul.f32 v2, v1;
	_ =	sdelay $0x1  }
0x373: {  	s24 =	sadd.s32 $0x1, s24;
	[tilespmem:s20+$0x0] =	vst v1;
	s20 =	sadd.s32 $0x80, s20  }
0x374: {  	s6 =	simm.s32 $0xC8  }
0x375: {  	s20 =	simm.s32 $0xCA;
	v1 =	vmov s6  }
0x376: {  	v2 =	vmov s20;
	v1 =	vand.u32 $0xFFFFFFFC, v1  }
0x377: {  	s21 =	simm.s32 $0x2D00;
	v2 =	vand.u32 $0xFFFFFFFE, v2;
	v1 =	vbroadcast v1, $0x0  }
0x378: {  	[spmem:s3] =	stream.indirect.scatter.add.f32 [tilespmem:s12], [sflag:$0x9], $0x80, s21, s2, $0xb8;
	v2 =	vbroadcast v2, $0x0;
	[tilespmem:$0x1F880] =	vst v63  }
0x379: {  	_ =	swait.ge [sflag:s25], $0x1900  }
0x37a: {  	[sflag:s25] =	ssyncset.done $0x0  }
0x37b: {  	s19 =	simm.s32 $0xA180;
	[sflag:s25] =	ssyncadd.s32 $0xFFFFE700  }
0x37c: {  	v4 =	vld [tilespmem:s19+$0x70]  }
0x37d: {  	s23 =	simm.s32 $0xC9;
	v3 =	vld.idx.msk [tilespmem:v1+s15+$0x0], $0xffff  }
0x37e: {  	v1 =	vld.idx.msk [tilespmem:v2+s15+$0x0], $0xffff;
	v2 =	vmov s23  }
0x37f: {  	v5 =	vld [tilespmem:s19+$0xFFFFFF00];
	v2 =	vand.u32 $0xFFFFFFFD, v2  }
0x380: {  	v6 =	vld [tilespmem:s19+$0xFFFFFF10];
	v2 =	vbroadcast v2, $0x0  }
0x381: {  	v7 =	vld [tilespmem:s19+$0xFFFFFF20]  }
0x382: {  	v8 =	vld [tilespmem:s19+$0xFFFFFF30]  }
0x383: {  	v9 =	vld [tilespmem:s19+$0xFFFFFF40]  }
0x384: {  	v10 =	vld [tilespmem:s19+$0xFFFFFF50]  }
0x385: {  	v11 =	vld [tilespmem:s19+$0xFFFFFF60];
	v5 =	vmul.f32 v5, v3  }
0x386: {  	v12 =	vld.idx.msk [tilespmem:v2+s15+$0x0], $0xffff;
	v2 =	vmul.f32 v4, v1  }
0x387: {  	[tilespmem:s19+$0xFFFFFF00] =	vst v5;
	v5 =	vld [tilespmem:s19+$0xFFFFFF70];
	v4 =	vmul.f32 v6, v3  }
0x388: {  	v6 =	vld [tilespmem:s19+$0xFFFFFF80];
	[tilespmem:s19+$0x70] =	vst v2;
	v2 =	vmul.f32 v7, v3  }
0x389: {  	s24 =	simm.s32 $0xCB;
	[tilespmem:s19+$0xFFFFFF10] =	vst v4;
	v4 =	vmul.f32 v8, v3;
	v7 =	vld [tilespmem:s19+$0xFFFFFF90]  }
0x38a: {  	v8 =	vmov s24;
	[tilespmem:s19+$0xFFFFFF20] =	vst v2;
	v2 =	vmul.f32 v9, v3;
	v9 =	vld [tilespmem:s19+$0xFFFFFFA0]  }
0x38b: {  	[tilespmem:s19+$0xFFFFFF30] =	vst v4;
	v4 =	vmul.f32 v10, v3;
	v10 =	vld [tilespmem:s19+$0xFFFFFFB0]  }
0x38c: {  	[tilespmem:s19+$0xFFFFFF40] =	vst v2;
	v2 =	vmul.f32 v11, v3;
	v11 =	vld [tilespmem:s19+$0xFFFFFFC0]  }
0x38d: {  	[tilespmem:s19+$0xFFFFFF50] =	vst v4;
	v4 =	vmul.f32 v6, v12;
	v6 =	vld [tilespmem:s19+$0xFFFFFFD0]  }
0x38e: {  	v3 =	vmul.f32 v5, v3;
	v5 =	vld [tilespmem:s19+$0xFFFFFFE0];
	[tilespmem:s19+$0xFFFFFF60] =	vst v2  }
0x38f: {  	v7 =	vmul.f32 v7, v12;
	v2 =	vld.idx.msk [tilespmem:v8+s15+$0x0], $0xffff;
	[tilespmem:s19+$0xFFFFFF80] =	vst v4  }
0x390: {  	[tilespmem:s19+$0xFFFFFF70] =	vst v3;
	v4 =	vld [tilespmem:s19+$0xFFFFFFF0];
	v3 =	vmul.f32 v9, v12  }
0x391: {  	[tilespmem:s19+$0xFFFFFF90] =	vst v7;
	v8 =	vmul.f32 v10, v12;
	v10 =	vld [tilespmem:s19+$0x0]  }
0x392: {  	v7 =	vld [tilespmem:s19+$0x10];
	[tilespmem:s19+$0xFFFFFFA0] =	vst v3;
	v3 =	vmul.f32 v11, v12  }
0x393: {  	[tilespmem:s19+$0xFFFFFFB0] =	vst v8;
	v8 =	vmul.f32 v6, v12;
	v6 =	vld [tilespmem:s19+$0x20]  }
0x394: {  	v11 =	vmul.f32 v5, v12;
	v5 =	vld [tilespmem:s19+$0x30];
	[tilespmem:s19+$0xFFFFFFC0] =	vst v3  }
0x395: {  	s31 =	simm.s32 $0x0;
	[tilespmem:s19+$0xFFFFFFD0] =	vst v8;
	v3 =	vld [tilespmem:s19+$0x40];
	v9 =	vmul.f32 v4, v12  }
0x396: {  	s30 =	simm.s32 $0xA180;
	s20 =	simm.s32 $0xB8F0;
	s24 =	simm.s32 $0xF8;
	[tilespmem:s19+$0xFFFFFFE0] =	vst v11;
	v4 =	vld [tilespmem:s19+$0x50];
	v8 =	vmul.f32 v10, v1  }
.LBB2_21:
0x397: {  	s6 =	sadd.s32 $0xCF, s31;
	[tilespmem:s19+$0xFFFFFFF0] =	vst v9;
	v7 =	vmul.f32 v7, v1;
	v9 =	vld [tilespmem:s19+$0x60]  }
0x398: {  	s21 =	sadd.s32 $0xCC, s31;
	s23 =	sadd.s32 $0xCD, s31;
	v10 =	vmov s6;
	[tilespmem:s19+$0x0] =	vst v8;
	v6 =	vmul.f32 v6, v1;
	v8 =	vld [tilespmem:s19+$0x80]  }
0x399: {  	v11 =	vmov s21;
	v12 =	vmov s23;
	[tilespmem:s19+$0x10] =	vst v7;
	v5 =	vmul.f32 v5, v1;
	v7 =	vld [tilespmem:s19+$0x90]  }
0x39a: {  	s6 =	sadd.s32 $0xCE, s31;
	s31 =	sadd.s32 $0x4, s31;
	v11 =	vand.u32 $0xFFFFFFFC, v11;
	v12 =	vand.u32 $0xFFFFFFFD, v12;
	[tilespmem:s19+$0x20] =	vst v6;
	v3 =	vmul.f32 v3, v1;
	v6 =	vld [tilespmem:s19+$0xA0]  }
0x39b: {  	v13 =	vmov s6;
	p0 =	slt.u32 s31, $0x2C;
	v11 =	vbroadcast v11, $0x0;
	[tilespmem:s19+$0x30] =	vst v5;
	v4 =	vmul.f32 v4, v1;
	v5 =	vld [tilespmem:s19+$0xB0]  }
0x39c: {  	v12 =	vbroadcast v12, $0x0;
	v13 =	vand.u32 $0xFFFFFFFE, v13;
	[tilespmem:s19+$0x40] =	vst v3;
	v1 =	vmul.f32 v9, v1;
	v3 =	vld [tilespmem:s19+$0xC0]  }
0x39d: {  	v9 =	vbroadcast v13, $0x0;
	[tilespmem:s19+$0x50] =	vst v4;
	v4 =	vmul.f32 v8, v2;
	v8 =	vld [tilespmem:s19+$0xD0]  }
0x39e: {  	[tilespmem:s19+$0x60] =	vst v1;
	v1 =	vmul.f32 v7, v2;
	v7 =	vld [tilespmem:s19+$0xE0]  }
0x39f: {  	[tilespmem:s19+$0x80] =	vst v4;
	v4 =	vmul.f32 v6, v2;
	v6 =	vld [tilespmem:s19+$0xF0]  }
0x3a0: {  	v10 =	vld.idx.msk [tilespmem:v10+s15+$0x0], $0xffff;
	[tilespmem:s19+$0x90] =	vst v1;
	v1 =	vmul.f32 v5, v2  }
0x3a1: {  	v5 =	vld.idx.msk [tilespmem:v11+s15+$0x0], $0xffff;
	[tilespmem:s19+$0xA0] =	vst v4;
	v3 =	vmul.f32 v3, v2  }
0x3a2: {  	v4 =	vld.idx.msk [tilespmem:v12+s15+$0x0], $0xffff;
	[tilespmem:s19+$0xB0] =	vst v1;
	v8 =	vmul.f32 v8, v2  }
0x3a3: {  	s19 =	sadd.s32 $0x200, s19;
	v1 =	vld.idx.msk [tilespmem:v9+s15+$0x0], $0xffff;
	[tilespmem:s30+$0xC0] =	vst v3;
	v3 =	vmul.f32 v7, v2  }
0x3a4: {  	v7 =	vld [tilespmem:s19+$0x70];
	[tilespmem:s30+$0xD0] =	vst v8;
	v8 =	vmul.f32 v6, v2  }
0x3a5: {  	v6 =	vld [tilespmem:s19+$0xFFFFFF00];
	[tilespmem:s30+$0xE0] =	vst v3  }
0x3a6: {  	v2 =	vmov v10;
	v3 =	vld [tilespmem:s19+$0xFFFFFF10];
	[tilespmem:s30+$0xF0] =	vst v8;
	s30 =	smov.u32 s19  }
0x3a7: {  	v8 =	vld [tilespmem:s19+$0xFFFFFF20]  }
0x3a8: {  	v9 =	vld [tilespmem:s19+$0xFFFFFF30]  }
0x3a9: {  	v10 =	vld [tilespmem:s19+$0xFFFFFF40];
	v7 =	vmul.f32 v7, v1  }
0x3aa: {  	v6 =	vmul.f32 v6, v5;
	v11 =	vld [tilespmem:s19+$0xFFFFFF50]  }
0x3ab: {  	v3 =	vmul.f32 v3, v5;
	v12 =	vld [tilespmem:s19+$0xFFFFFF60];
	[tilespmem:s19+$0x70] =	vst v7  }
0x3ac: {  	[tilespmem:s19+$0xFFFFFF00] =	vst v6;
	v6 =	vmul.f32 v8, v5;
	v7 =	vld [tilespmem:s19+$0xFFFFFF70]  }
0x3ad: {  	[tilespmem:s19+$0xFFFFFF10] =	vst v3;
	v3 =	vmul.f32 v9, v5;
	v8 =	vld [tilespmem:s19+$0xFFFFFF80]  }
0x3ae: {  	[tilespmem:s19+$0xFFFFFF20] =	vst v6;
	v6 =	vmul.f32 v10, v5;
	v9 =	vld [tilespmem:s19+$0xFFFFFF90]  }
0x3af: {  	[tilespmem:s19+$0xFFFFFF30] =	vst v3;
	v3 =	vmul.f32 v11, v5;
	v10 =	vld [tilespmem:s19+$0xFFFFFFA0]  }
0x3b0: {  	[tilespmem:s19+$0xFFFFFF40] =	vst v6;
	v6 =	vmul.f32 v12, v5;
	v11 =	vld [tilespmem:s19+$0xFFFFFFB0]  }
0x3b1: {  	[tilespmem:s19+$0xFFFFFF50] =	vst v3;
	v3 =	vmul.f32 v7, v5;
	v5 =	vld [tilespmem:s19+$0xFFFFFFC0]  }
0x3b2: {  	[tilespmem:s19+$0xFFFFFF60] =	vst v6;
	v6 =	vmul.f32 v8, v4;
	v8 =	vld [tilespmem:s19+$0xFFFFFFD0]  }
0x3b3: {  	[tilespmem:s19+$0xFFFFFF70] =	vst v3;
	v3 =	vmul.f32 v9, v4;
	v9 =	vld [tilespmem:s19+$0xFFFFFFE0]  }
0x3b4: {  	[tilespmem:s19+$0xFFFFFF80] =	vst v6;
	v6 =	vmul.f32 v10, v4;
	v10 =	vld [tilespmem:s19+$0xFFFFFFF0]  }
0x3b5: {  	[tilespmem:s19+$0xFFFFFF90] =	vst v3;
	v3 =	vmul.f32 v11, v4;
	v11 =	vld [tilespmem:s19+$0x0]  }
.Ltmp9:
0x3b6: {  	[tilespmem:s19+$0xFFFFFFA0] =	vst v6;
	v5 =	vmul.f32 v5, v4;
	v7 =	vld [tilespmem:s19+$0x10];
	(pc) =	sbr.rel @p0 .LBB2_21-.Ltmp9, $4  }
0x3b7: {  	[tilespmem:s19+$0xFFFFFFB0] =	vst v3;
	v3 =	vmul.f32 v8, v4;
	v6 =	vld [tilespmem:s19+$0x20]  }
0x3b8: {  	[tilespmem:s19+$0xFFFFFFC0] =	vst v5;
	v8 =	vmul.f32 v9, v4;
	v5 =	vld [tilespmem:s19+$0x30]  }
0x3b9: {  	[tilespmem:s19+$0xFFFFFFD0] =	vst v3;
	v9 =	vmul.f32 v10, v4;
	v3 =	vld [tilespmem:s19+$0x40]  }
0x3ba: {  	[tilespmem:s19+$0xFFFFFFE0] =	vst v8;
	v8 =	vmul.f32 v11, v1;
	v4 =	vld [tilespmem:s19+$0x50]  }
0x3bb: {  	[tilespmem:s19+$0xFFFFFFF0] =	vst v9;
	v7 =	vmul.f32 v7, v1;
	v56 =	vld [tilespmem:s19+$0x80]  }
0x3bc: {  	v10 =	vld [tilespmem:s19+$0x60];
	[tilespmem:s19+$0x0] =	vst v8;
	v6 =	vmul.f32 v6, v1  }
0x3bd: {  	v57 =	vld [tilespmem:s19+$0x90];
	[tilespmem:s19+$0x10] =	vst v7;
	v5 =	vmul.f32 v5, v1  }
0x3be: {  	v58 =	vld [tilespmem:s19+$0xA0];
	[tilespmem:s19+$0x20] =	vst v6;
	v3 =	vmul.f32 v3, v1  }
0x3bf: {  	v59 =	vld [tilespmem:s19+$0xB0];
	[tilespmem:s19+$0x30] =	vst v5;
	v4 =	vmul.f32 v4, v1  }
0x3c0: {  	v60 =	vld [tilespmem:s19+$0xC0];
	[tilespmem:s19+$0x40] =	vst v3;
	v3 =	vmul.f32 v56, v2  }
0x3c1: {  	v61 =	vld [tilespmem:s19+$0xD0];
	v1 =	vmul.f32 v10, v1;
	[tilespmem:s19+$0x50] =	vst v4  }
0x3c2: {  	v62 =	vld [tilespmem:s19+$0xE0];
	v8 =	vmul.f32 v57, v2;
	[tilespmem:s19+$0x80] =	vst v3  }
0x3c3: {  	[tilespmem:s19+$0x60] =	vst v1;
	v1 =	vmul.f32 v58, v2;
	v3 =	vld [tilespmem:s19+$0xF0]  }
0x3c4: {  	v6 =	vmul.f32 v59, v2;
	[tilespmem:s19+$0x90] =	vst v8  }
0x3c5: {  	[tilespmem:s19+$0xA0] =	vst v1;
	v1 =	vmul.f32 v60, v2  }
0x3c6: {  	v63 =	vmul.f32 v61, v2;
	[tilespmem:s19+$0xB0] =	vst v6  }
0x3c7: {  	[tilespmem:s30+$0xC0] =	vst v1;
	v1 =	vmul.f32 v62, v2  }
0x3c8: {  	[tilespmem:s30+$0xD0] =	vst v63;
	v2 =	vmul.f32 v3, v2  }
0x3c9: {  	[tilespmem:s30+$0xE0] =	vst v1  }
0x3ca: {  	[tilespmem:s30+$0xF0] =	vst v2  }
.LBB2_23:
0x3cb: {  	v1 =	vmov s24;
	_ =	sdelay $0x3  }
0x3cc: {  	v2 =	vld [tilespmem:s20+$0xFFFFFF90]  }
0x3cd: {  	v1 =	vld.idx.msk [tilespmem:v1+s15+$0x0], $0xffff;
	_ =	sdelay $0x4  }
0x3ce: {  	v2 =	vmul.f32 v2, v1;
	_ =	sdelay $0x1  }
0x3cf: {  	[tilespmem:s20+$0xFFFFFF90] =	vst v2;
	v2 =	vld [tilespmem:s20+$0xFFFFFFA0];
	_ =	sdelay $0x4  }
0x3d0: {  	v2 =	vmul.f32 v2, v1;
	_ =	sdelay $0x1  }
0x3d1: {  	[tilespmem:s20+$0xFFFFFFA0] =	vst v2;
	v2 =	vld [tilespmem:s20+$0xFFFFFFB0];
	_ =	sdelay $0x4  }
0x3d2: {  	v2 =	vmul.f32 v2, v1;
	_ =	sdelay $0x1  }
0x3d3: {  	[tilespmem:s20+$0xFFFFFFB0] =	vst v2;
	v2 =	vld [tilespmem:s20+$0xFFFFFFC0];
	_ =	sdelay $0x4  }
0x3d4: {  	v2 =	vmul.f32 v2, v1;
	_ =	sdelay $0x1  }
0x3d5: {  	[tilespmem:s20+$0xFFFFFFC0] =	vst v2;
	v2 =	vld [tilespmem:s20+$0xFFFFFFD0];
	_ =	sdelay $0x4  }
0x3d6: {  	v2 =	vmul.f32 v2, v1;
	_ =	sdelay $0x1  }
0x3d7: {  	[tilespmem:s20+$0xFFFFFFD0] =	vst v2;
	v2 =	vld [tilespmem:s20+$0xFFFFFFE0];
	_ =	sdelay $0x4  }
0x3d8: {  	v2 =	vmul.f32 v2, v1;
	_ =	sdelay $0x1  }
0x3d9: {  	[tilespmem:s20+$0xFFFFFFE0] =	vst v2;
	v2 =	vld [tilespmem:s20+$0xFFFFFFF0];
	_ =	sdelay $0x4  }
0x3da: {  	v2 =	vmul.f32 v2, v1;
	_ =	sdelay $0x1  }
0x3db: {  	[tilespmem:s20+$0xFFFFFFF0] =	vst v2;
	v2 =	vld [tilespmem:s20+$0x0];
	_ =	sdelay $0x1  }
0x3dc: {  	p0 =	sne.s32 s24, $0xF9  }
.Ltmp10:
0x3dd: {  	_ = 	snop;
	(pc) =	sbr.rel @p0 .LBB2_23-.Ltmp10, $3  }
0x3de: {  	_ = 	snop  }
0x3df: {  	v1 =	vmul.f32 v2, v1;
	_ =	sdelay $0x1  }
0x3e0: {  	s24 =	sadd.s32 $0x1, s24;
	[tilespmem:s20+$0x0] =	vst v1;
	s20 =	sadd.s32 $0x80, s20  }
0x3e1: {  	s6 =	simm.s32 $0x2D80  }
0x3e2: {  	[spmem:s3] =	stream.indirect.scatter.add.f32 [tilespmem:s14], [sflag:$0xA], $0x80, s6, s2, $0xb8;
	[tilespmem:$0x1F880] =	vst v63  }
0x3e3: {  	_ =	swait.ge [sflag:s7], $0x1900  }
0x3e4: {  	[sflag:s7] =	ssyncset.done $0x0  }
0x3e5: {  	[sflag:s7] =	ssyncadd.s32 $0xFFFFE700  }
0x3e6: {  	_ =	swait.ge [sflag:s26], $0x1900  }
0x3e7: {  	[sflag:s26] =	ssyncset.done $0x0  }
0x3e8: {  	[sflag:s26] =	ssyncadd.s32 $0xFFFFE700  }
0x3e9: {  	_ =	swait.ge [sflag:s5], $0x1900  }
0x3ea: {  	[sflag:s5] =	ssyncset.done $0x0  }
0x3eb: {  	[sflag:s5] =	ssyncadd.s32 $0xFFFFE700  }
0x3ec: {  	_ =	swait.ge [sflag:s9], $0x1900  }
0x3ed: {  	p0 =	seq.s32 s17, $0x27;
	s6 =	sadd.s32 $0x1, s17;
	s17 =	rddreg [dreg:$0x13]  }
0x3ee: {  	s17 =	sadd.s32 @!p0 s17, s6  }
0x3ef: {  	s20 =	simm.s32 @!p0 $0x0;
	[sflag:s9] =	ssyncset.done $0x0;
	s17 =	sshll.u32 @!p0 s17, $0x7  }
0x3f0: {  	s21 =	simm.s32 @!p0 $0x2780;
	[sflag:s9] =	ssyncadd.s32 $0xFFFFE700;
	s19 =	sadd.s32 @!p0 s8, s17  }
0x3f1: {  	[tilespmem:s21], [sflag:$0xB] =	stream.linear.gather @!p0 [hbm4b:s19+s20], $0x280, $0x38;
	[tilespmem:$0x1F880] =	vst v63  }
0x3f2: {  	s19 =	rddreg [dreg:$0x15]  }
0x3f3: {  	s17 =	sadd.s32 @!p0 s17, s19;
	s19 =	simm.s32 @!p0 $0x2B80  }
0x3f4: {  	[tilespmem:s19], [sflag:$0xC] =	stream.linear.gather @!p0 [hbm4b:s17+s20], $0x280, $0x38;
	[tilespmem:$0x1F880] =	vst v63  }
0x3f5: {  	p0 =	sne.s32 s6, $0x28  }
.Ltmp11:
0x3f6: {  	_ = 	snop;
	(pc) =	sbr.rel @p0 .LBB2_4-.Ltmp11, $4  }
0x3f7: {  	_ = 	snop  }
0x3f8: {  	_ =	swait.ge [sflag:s11], $0x1900  }
0x3f9: {  	[sflag:s11] =	ssyncset.done $0x0  }
0x3fa: {  	s23 =	simm.s32 $0x4C80;
	s17 =	smov.u32 s6;
	[sflag:s11] =	ssyncadd.s32 $0xFFFFE700  }
0x3fb: {  	s6 =	stileid.u32;
	[bflag:$0x0] =	sbarrier.arrive $0xFFFF  }
0x3fc: {  	s6 =	sshll.u32 s6, $0x6;
	s19 =	rddreg [dreg:$0x5]  }
0x3fd: {  	s17 =	rddreg [dreg:$0x16];
	s6 =	sor.u32 $0x1C0D, s6;
	s13 =	sshrl.u32 s19, $0x3  }
0x3fe: {  	[hbm:s17], [sflag:s6] =	dma.local [spmem:s13], $0x2780  }
0x3ff: {  	s17 =	simm.s32 $0xD  }
0x400: {  	_ =	swait.ge [sflag:s17], $0x2780  }
0x401: {  	s30 =	rddreg [dreg:$0x18]  }
0x402: {  	s31 =	rddreg [dreg:$0x17];
	s13 =	sadd.s32 $0x1, s30  }
0x403: {  	p0 =	sne.s32 s13, s31  }
.Ltmp12:
0x404: {  	_ = 	snop;
	(pc) =	sbr.rel @p0 .LBB2_1-.Ltmp12, $3  }
0x405: {  	_ =	sdelay $0x1  }
0x406: {  	[sflag:s17] =	ssyncset.done $0x0  }
0x407: {  	[sflag:s17] =	ssyncadd.s32 $0xFFFFD880  }
0x408: {  	_ =	sfence.sel $0x180000  }
0x409: {  	[bflag:$0x0] =	sbarrier.arrive $0xFFFF  }
0x40a: {  	_ =	strace $0x90000047  }
0x40b: {  	s0 =	stileid.u32;
	[bflag:$0x2] =	sbarrier.arrive $0xFFFF  }
0x40c: {  	p0 =	sne.s32 s0, $0x0;
	s0 =	rddreg [dreg:$0x3]  }
0x40d: {  	s0 =	sadd.s32 @!p0 $0x100000, s0  }
0x40e: {  	[sflag:s0] =	ssyncadd.tile.s32 @!p0 $0x1;
	_ =	shalt  }
.Lfunc_end2:
_tile_overlayer_lowered:
.L_overlay_start_2:
0x40f: {  	(tag) =	ssettag $0x2  }
0x410: {  	s0 =	rddreg [dreg:$0x0];
	s2 =	stileid.u32  }
0x411: {  	s1 =	rddreg [dreg:$0x1];
	p0 =	sne.s32 s2, $0x0  }
0x412: {  	s3 =	rddreg [dreg:$0x2];
	[bflag:$0x3] =	sbarrier.arrive $0xFFFF;
	s2 =	simm.s32 @!p0 $0x1C0D  }
0x413: {  	[timem:s3], [sflag:s2] =	dma.local @!p0 [hbm:s0], s1  }
0x414: {  	s0 =	simm.s32 @!p0 $0xD  }
0x415: {  	_ =	swait.ge @!p0 [sflag:s0], s1  }
0x416: {  	s1 =	ssub.s32 @!p0 $0x0, s1;
	[sflag:s0] =	ssyncset.done @!p0 $0x0  }
0x417: {  	[sflag:s0] =	ssyncadd.s32 @!p0 s1  }
0x418: {  	[bflag:$0x3] =	sbarrier.arrive $0xFFFF  }
0x419: {  	_ =	shalt  }

</sc_bundles>
